<compile_context>
chip_gen: v7x
topology: tpu7x:2x2x1
jax: 0.10.2.dev20260603
libtpu: 0.0.44.dev20260713+nightly
codegen_flags: <defaults>
</compile_context>

<pallas_src>
import functools

import jax
import jax.numpy as jnp
from jax import lax
from jax.experimental import pallas as pl
from jax.experimental.pallas import tpu as pltpu
from jax.experimental.pallas import tpu_sc as plsc

_NC = 2
_NS = 16
_NBUF = 4
_LOOK = 2
_C = 16


def kernel(tokens, token_embedding, position_embedding):
    Bt, T = tokens.shape
    V, D = token_embedding.shape
    NW = _NC * _NS
    b_per_w = Bt // NW
    n_p = b_per_w // _C
    n_tasks = T * n_p
    NVEC = D // 16

    idx = (tokens.astype(jnp.int32).T
           .reshape(T, NW, b_per_w).transpose(1, 0, 2))

    mesh = plsc.VectorSubcoreMesh(core_axis_name="c", subcore_axis_name="s")

    @functools.partial(
        pl.kernel,
        out_type=jax.ShapeDtypeStruct((T, Bt, D), jnp.float32),
        mesh=mesh,
        scratch_types=[
            pltpu.VMEM((T, b_per_w), jnp.int32),
            pltpu.VMEM((T * D,), jnp.float32),
            [pltpu.VMEM((_C, D), jnp.float32) for _ in range(_NBUF)],
            [pltpu.SemaphoreType.DMA for _ in range(_NBUF)],
            [pltpu.SemaphoreType.DMA for _ in range(_NBUF)],
        ],
    )
    def body(idx_hbm, table_hbm, pos_hbm, out_hbm,
             idx_v, pos_v, bufs, gsems, wsems):
        wid = lax.axis_index("s") * _NC + lax.axis_index("c")
        pltpu.sync_copy(idx_hbm.at[wid], idx_v)
        pltpu.sync_copy(pos_hbm, pos_v)
        b0 = wid * b_per_w

        def fire_gather(m, slot):
            t = lax.div(m, n_p)
            p = lax.rem(m, n_p)
            iv = idx_v[t, pl.ds(pl.multiple_of(p * _C, _C), _C)]
            pltpu.async_copy(table_hbm.at[iv], bufs[slot], gsems[slot])

        def wait_gather(m, slot):
            iv = idx_v[0, pl.ds(0, _C)]
            pltpu.make_async_copy(table_hbm.at[iv], bufs[slot],
                                  gsems[slot]).wait()

        def fire_wb(m, slot):
            t = lax.div(m, n_p)
            p = lax.rem(m, n_p)
            pltpu.async_copy(bufs[slot],
                             out_hbm.at[t, pl.ds(b0 + p * _C, _C)],
                             wsems[slot])

        def wait_wb(slot):
            pltpu.make_async_copy(bufs[slot], out_hbm.at[0, pl.ds(b0, _C)],
                                  wsems[slot]).wait()

        def add_pos(m, slot):
            pbase = pl.multiple_of(lax.div(m, n_p) * D, 16)

            def col_fn(j, carry):
                jc = pl.multiple_of(j * 16, 16)
                pv = pos_v[pl.ds(pbase + jc, 16)]
                for r in range(_C):
                    plsc.addupdate(bufs[slot].at[r, pl.ds(jc, 16)], pv)
                return carry

            lax.fori_loop(0, NVEC, col_fn, 0)

        def step(m, s, *, wait_w, fire_g):
            t = (s + _LOOK) % _NBUF
            if fire_g:
                if wait_w:
                    wait_wb(t)
                fire_gather(m + _LOOK, t)
            wait_gather(m, s)
            add_pos(m, s)
            fire_wb(m, s)

        for m0 in range(_LOOK):
            fire_gather(m0, m0)

        for s in range(_NBUF):
            step(s, s, wait_w=(s + _LOOK >= _NBUF), fire_g=True)

        n_rounds = n_tasks // _NBUF

        def round_body(i, carry):
            for s in range(_NBUF):
                step(i * _NBUF + s, s, wait_w=True, fire_g=True)
            return carry

        lax.fori_loop(1, n_rounds, round_body, 0)

        for m in range(n_rounds * _NBUF, n_tasks):
            s = m % _NBUF
            step(m, s, wait_w=(m + _LOOK < n_tasks),
                 fire_g=(m + _LOOK < n_tasks))

        for s in range(_NBUF):
            wait_wb(s)

    out = body(idx, token_embedding, position_embedding.reshape(-1))
    return jnp.transpose(out, (1, 0, 2))

# --- scband reference (transcript-rebuilt; emitter-appended) ---
"""Pipeline reference for scband-clipembedding-798863917688 (READ-ONLY COPY).

The authoritative reference and input builder live on the scoring server;
editing this copy changes nothing except your own understanding.
"""

import jax, jax.numpy as jnp
import numpy as np

N_VOCAB = 49408
N_EMBD = 768
N_TOKEN = 77
BATCH = 1024

def setup_inputs(seed: int = 0) -> dict:
    key = jax.random.key(seed)
    k_tok, k_tab, k_pos = jax.random.split(key, 3)
    tokens = jax.random.randint(k_tok, (BATCH, N_TOKEN), 0, N_VOCAB, dtype=jnp.int64 if jax.config.jax_enable_x64 else jnp.int32)
    token_embedding = jax.random.normal(k_tab, (N_VOCAB, N_EMBD), dtype=jnp.float32) * 0.02
    position_embedding = jnp.zeros((N_TOKEN, N_EMBD), dtype=jnp.float32)
    return {"tokens": tokens, "token_embedding": token_embedding, "position_embedding": position_embedding}

def reference(tokens, token_embedding, position_embedding):
    # x = self.token_embedding(tokens)
    x = jnp.take(token_embedding, tokens, axis=0)  # [B, T, D]
    # x += self.position_embedding  (broadcast over batch)
    x = x + position_embedding[None, :, :]
    return x

if __name__ == "__main__":
    import jax
    _d = setup_inputs()
    print(jax.jit(kernel)(*tuple(_d.values())))

</pallas_src>

<mosaic_0001>
#map = affine_map<(d0, d1) -> (0, 0, 0)>
#map1 = affine_map<(d0, d1) -> (0, 0)>
#map2 = affine_map<(d0, d1) -> (0)>
module attributes {stable_mosaic.version = 14 : i64} {
  func.func @body(%arg0: i32, %arg1: i32, %arg2: memref<32x77x32xi32, #tpu.memory_space<hbm>>, %arg3: memref<49408x768xf32, #tpu.memory_space<hbm>>, %arg4: memref<59136xf32, #tpu.memory_space<hbm>>, %arg5: memref<77x1024x768xf32, #tpu.memory_space<hbm>>, %arg6: memref<77x32xi32, #tpu.memory_space<vmem>>, %arg7: memref<59136xf32, #tpu.memory_space<vmem>>, %arg8: memref<16x768xf32, #tpu.memory_space<vmem>>, %arg9: memref<16x768xf32, #tpu.memory_space<vmem>>, %arg10: memref<16x768xf32, #tpu.memory_space<vmem>>, %arg11: memref<16x768xf32, #tpu.memory_space<vmem>>, %arg12: memref<!tpu.dma_semaphore, #tpu.memory_space<semaphore_mem>>, %arg13: memref<!tpu.dma_semaphore, #tpu.memory_space<semaphore_mem>>, %arg14: memref<!tpu.dma_semaphore, #tpu.memory_space<semaphore_mem>>, %arg15: memref<!tpu.dma_semaphore, #tpu.memory_space<semaphore_mem>>, %arg16: memref<!tpu.dma_semaphore, #tpu.memory_space<semaphore_mem>>, %arg17: memref<!tpu.dma_semaphore, #tpu.memory_space<semaphore_mem>>, %arg18: memref<!tpu.dma_semaphore, #tpu.memory_space<semaphore_mem>>, %arg19: memref<!tpu.dma_semaphore, #tpu.memory_space<semaphore_mem>>) attributes {dimension_semantics = [#tpu.dimension_semantics<core_parallel>, #tpu.dimension_semantics<subcore_parallel>], iteration_bounds = array<i64: 2, 16>, scalar_prefetch = 0 : i64, scratch_operands = 14 : i64, tpu.core_type = #tpu.core_type<sc_vector_subcore>, window_params = [{transform_indices = #map}, {transform_indices = #map1}, {transform_indices = #map2}, {transform_indices = #map}]} {
    %mul3A = arith.constant 2 : i32
    %mul3A_0 = arith.muli %arg1, %mul3A : i32
    %add3A = arith.addi %mul3A_0, %arg0 : i32
    "tpu.region"() ({
      %run_scoped3A = tpu.sem_alloc : memref<!tpu.dma_semaphore, #tpu.memory_space<semaphore_mem>>
      %dma_start3A_350 = arith.constant 0 : i32
      %dma_start3A_351 = arith.constant 0 : i32
      %dma_start3A_352 = tpu.memref_slice %arg2[%add3A, %dma_start3A_350, %dma_start3A_351] : memref<32x77x32xi32, #tpu.memory_space<hbm>> -> memref<1x77x32xi32, #tpu.memory_space<hbm>>
      %dma_start3A_353 = tpu.memref_squeeze %dma_start3A_352 : memref<1x77x32xi32, #tpu.memory_space<hbm>> -> memref<77x32xi32, #tpu.memory_space<hbm>>
      %dma_start3A_354 = arith.constant 0 : i32
      %dma_start3A_355 = arith.constant 0 : i32
      %dma_start3A_356 = tpu.memref_slice %arg2[%add3A, %dma_start3A_354, %dma_start3A_355] : memref<32x77x32xi32, #tpu.memory_space<hbm>> -> memref<1x77x32xi32, #tpu.memory_space<hbm>>
      %dma_start3A_357 = tpu.memref_squeeze %dma_start3A_356 : memref<1x77x32xi32, #tpu.memory_space<hbm>> -> memref<77x32xi32, #tpu.memory_space<hbm>>
      tpu.enqueue_dma source(%dma_start3A_357 : memref<77x32xi32, #tpu.memory_space<hbm>>) target(%arg6 : memref<77x32xi32, #tpu.memory_space<vmem>>) target_semaphore(%run_scoped3A : memref<!tpu.dma_semaphore, #tpu.memory_space<semaphore_mem>>)
      %dma_wait3A_358 = arith.constant 0 : i32
      %dma_wait3A_359 = arith.constant 0 : i32
      %dma_wait3A_360 = tpu.memref_slice %arg2[%add3A, %dma_wait3A_358, %dma_wait3A_359] : memref<32x77x32xi32, #tpu.memory_space<hbm>> -> memref<1x77x32xi32, #tpu.memory_space<hbm>>
      %dma_wait3A_361 = tpu.memref_squeeze %dma_wait3A_360 : memref<1x77x32xi32, #tpu.memory_space<hbm>> -> memref<77x32xi32, #tpu.memory_space<hbm>>
      %dma_wait3A_362 = arith.constant 0 : i32
      %dma_wait3A_363 = arith.constant 0 : i32
      %dma_wait3A_364 = tpu.memref_slice %arg2[%add3A, %dma_wait3A_362, %dma_wait3A_363] : memref<32x77x32xi32, #tpu.memory_space<hbm>> -> memref<1x77x32xi32, #tpu.memory_space<hbm>>
      %dma_wait3A_365 = tpu.memref_squeeze %dma_wait3A_364 : memref<1x77x32xi32, #tpu.memory_space<hbm>> -> memref<77x32xi32, #tpu.memory_space<hbm>>
      tpu.wait_dma2 semaphore(%run_scoped3A : memref<!tpu.dma_semaphore, #tpu.memory_space<semaphore_mem>>) src(%dma_wait3A_365 : memref<77x32xi32, #tpu.memory_space<hbm>>) dst(%arg6 : memref<77x32xi32, #tpu.memory_space<vmem>>)
      tpu.yield
    }) : () -> ()
    "tpu.region"() ({
      %run_scoped3A = tpu.sem_alloc : memref<!tpu.dma_semaphore, #tpu.memory_space<semaphore_mem>>
      tpu.enqueue_dma source(%arg4 : memref<59136xf32, #tpu.memory_space<hbm>>) target(%arg7 : memref<59136xf32, #tpu.memory_space<vmem>>) target_semaphore(%run_scoped3A : memref<!tpu.dma_semaphore, #tpu.memory_space<semaphore_mem>>)
      tpu.wait_dma2 semaphore(%run_scoped3A : memref<!tpu.dma_semaphore, #tpu.memory_space<semaphore_mem>>) src(%arg4 : memref<59136xf32, #tpu.memory_space<hbm>>) dst(%arg7 : memref<59136xf32, #tpu.memory_space<vmem>>)
      tpu.yield
    }) : () -> ()
    %mul3A_1 = arith.constant 32 : i32
    %mul3A_2 = arith.muli %add3A, %mul3A_1 : i32
    %div3A = arith.constant 0 : i32
    %div3A_3 = arith.constant 2 : i32
    %div3A_4 = arith.divsi %div3A, %div3A_3 : i32
    %rem3A = arith.constant 0 : i32
    %rem3A_5 = arith.constant 2 : i32
    %rem3A_6 = arith.remsi %rem3A, %rem3A_5 : i32
    %mul3A_7 = arith.constant 16 : i32
    %mul3A_8 = arith.muli %rem3A_6, %mul3A_7 : i32
    %multiple_of3A = tpu.assume_multiple %mul3A_8, 16 : i32
    %get3A = arith.index_cast %div3A_4 : i32 to index
    %get3A_9 = arith.index_cast %multiple_of3A : i32 to index
    %get3A_10 = tpu.vector_load %arg6[%get3A, %get3A_9] {strides = array<i32>} : memref<77x32xi32, #tpu.memory_space<vmem>>, vector<1x16xi32>,
    %get3A_11 = vector.shape_cast %get3A_10 : vector<1x16xi32> to vector<16xi32>
    %dma_start3A = arith.constant 0 : i32
    %dma_start3A_12 = arith.constant 0 : i32
    %dma_start3A_13 = tpu.memref_slice %arg3[%dma_start3A, %dma_start3A_12] : memref<49408x768xf32, #tpu.memory_space<hbm>> -> memref<49408x768xf32, #tpu.memory_space<hbm>>
    tpu.enqueue_indirect_dma source(%dma_start3A_13 : memref<49408x768xf32, #tpu.memory_space<hbm>>) target(%arg8 : memref<16x768xf32, #tpu.memory_space<vmem>>) offsets(%get3A_11 : vector<16xi32>) semaphore(%arg12 : memref<!tpu.dma_semaphore, #tpu.memory_space<semaphore_mem>>)
    %div3A_14 = arith.constant 1 : i32
    %div3A_15 = arith.constant 2 : i32
    %div3A_16 = arith.divsi %div3A_14, %div3A_15 : i32
    %rem3A_17 = arith.constant 1 : i32
    %rem3A_18 = arith.constant 2 : i32
    %rem3A_19 = arith.remsi %rem3A_17, %rem3A_18 : i32
    %mul3A_20 = arith.constant 16 : i32
    %mul3A_21 = arith.muli %rem3A_19, %mul3A_20 : i32
    %multiple_of3A_22 = tpu.assume_multiple %mul3A_21, 16 : i32
    %get3A_23 = arith.index_cast %div3A_16 : i32 to index
    %get3A_24 = arith.index_cast %multiple_of3A_22 : i32 to index
    %get3A_25 = tpu.vector_load %arg6[%get3A_23, %get3A_24] {strides = array<i32>} : memref<77x32xi32, #tpu.memory_space<vmem>>, vector<1x16xi32>,
    %get3A_26 = vector.shape_cast %get3A_25 : vector<1x16xi32> to vector<16xi32>
    %dma_start3A_27 = arith.constant 0 : i32
    %dma_start3A_28 = arith.constant 0 : i32
    %dma_start3A_29 = tpu.memref_slice %arg3[%dma_start3A_27, %dma_start3A_28] : memref<49408x768xf32, #tpu.memory_space<hbm>> -> memref<49408x768xf32, #tpu.memory_space<hbm>>
    tpu.enqueue_indirect_dma source(%dma_start3A_29 : memref<49408x768xf32, #tpu.memory_space<hbm>>) target(%arg9 : memref<16x768xf32, #tpu.memory_space<vmem>>) offsets(%get3A_26 : vector<16xi32>) semaphore(%arg13 : memref<!tpu.dma_semaphore, #tpu.memory_space<semaphore_mem>>)
    %div3A_30 = arith.constant 2 : i32
    %div3A_31 = arith.constant 2 : i32
    %div3A_32 = arith.divsi %div3A_30, %div3A_31 : i32
    %rem3A_33 = arith.constant 2 : i32
    %rem3A_34 = arith.constant 2 : i32
    %rem3A_35 = arith.remsi %rem3A_33, %rem3A_34 : i32
    %mul3A_36 = arith.constant 16 : i32
    %mul3A_37 = arith.muli %rem3A_35, %mul3A_36 : i32
    %multiple_of3A_38 = tpu.assume_multiple %mul3A_37, 16 : i32
    %get3A_39 = arith.index_cast %div3A_32 : i32 to index
    %get3A_40 = arith.index_cast %multiple_of3A_38 : i32 to index
    %get3A_41 = tpu.vector_load %arg6[%get3A_39, %get3A_40] {strides = array<i32>} : memref<77x32xi32, #tpu.memory_space<vmem>>, vector<1x16xi32>,
    %get3A_42 = vector.shape_cast %get3A_41 : vector<1x16xi32> to vector<16xi32>
    %dma_start3A_43 = arith.constant 0 : i32
    %dma_start3A_44 = arith.constant 0 : i32
    %dma_start3A_45 = tpu.memref_slice %arg3[%dma_start3A_43, %dma_start3A_44] : memref<49408x768xf32, #tpu.memory_space<hbm>> -> memref<49408x768xf32, #tpu.memory_space<hbm>>
    tpu.enqueue_indirect_dma source(%dma_start3A_45 : memref<49408x768xf32, #tpu.memory_space<hbm>>) target(%arg10 : memref<16x768xf32, #tpu.memory_space<vmem>>) offsets(%get3A_42 : vector<16xi32>) semaphore(%arg14 : memref<!tpu.dma_semaphore, #tpu.memory_space<semaphore_mem>>)
    %get3A_46 = arith.constant 0 : i32
    %get3A_47 = arith.index_cast %get3A_46 : i32 to index
    %get3A_48 = arith.constant 0 : index
    %get3A_49 = tpu.vector_load %arg6[%get3A_47, %get3A_48] {strides = array<i32>} : memref<77x32xi32, #tpu.memory_space<vmem>>, vector<1x16xi32>,
    %get3A_50 = vector.shape_cast %get3A_49 : vector<1x16xi32> to vector<16xi32>
    %dma_wait3A = arith.constant 0 : i32
    %dma_wait3A_51 = arith.constant 0 : i32
    %dma_wait3A_52 = tpu.memref_slice %arg3[%dma_wait3A, %dma_wait3A_51] : memref<49408x768xf32, #tpu.memory_space<hbm>> -> memref<49408x768xf32, #tpu.memory_space<hbm>>
    tpu.wait_indirect_dma semaphore(%arg12 : memref<!tpu.dma_semaphore, #tpu.memory_space<semaphore_mem>>) src(%dma_wait3A_52 : memref<49408x768xf32, #tpu.memory_space<hbm>>) dst(%arg8 : memref<16x768xf32, #tpu.memory_space<vmem>>)
    %div3A_53 = arith.constant 0 : i32
    %div3A_54 = arith.constant 2 : i32
    %div3A_55 = arith.divsi %div3A_53, %div3A_54 : i32
    %mul3A_56 = arith.constant 768 : i32
    %mul3A_57 = arith.muli %div3A_55, %mul3A_56 : i32
    %multiple_of3A_58 = tpu.assume_multiple %mul3A_57, 16 : i32
    %scan3A = arith.constant 0 : i32
    %scan3A_59 = arith.constant 0 : i32
    %scan3A_60 = arith.constant 48 : i32
    %scan3A_61 = arith.addi %scan3A_59, %scan3A_60 : i32
    %scan3A_62 = arith.constant 1 : i32
    scf.for %scan3A_350 = %scan3A_59 to %scan3A_61 step %scan3A_62  : i32 {
      %mul3A_351 = arith.constant 16 : i32
      %mul3A_352 = arith.muli %scan3A_350, %mul3A_351 : i32
      %multiple_of3A_353 = tpu.assume_multiple %mul3A_352, 16 : i32
      %add3A_354 = arith.addi %multiple_of3A_58, %multiple_of3A_353 : i32
      %get3A_355 = arith.index_cast %add3A_354 : i32 to index
      %get3A_356 = tpu.vector_load %arg7[%get3A_355] {strides = array<i32>} : memref<59136xf32, #tpu.memory_space<vmem>>, vector<16xf32>,
      %get3A_357 = vector.shape_cast %get3A_356 : vector<16xf32> to vector<16xf32>
      %swap3A = arith.constant 0 : i32
      %swap3A_358 = arith.index_cast %swap3A : i32 to index
      %swap3A_359 = arith.index_cast %multiple_of3A_353 : i32 to index
      %swap3A_360 = tpu.vector_load %arg8[%swap3A_358, %swap3A_359] {strides = array<i32>} : memref<16x768xf32, #tpu.memory_space<vmem>>, vector<1x16xf32>,
      %swap3A_361 = vector.shape_cast %swap3A_360 : vector<1x16xf32> to vector<16xf32>
      %swap3A_362 = vector.shape_cast %get3A_357 : vector<16xf32> to vector<1x16xf32>
      tpu.vector_store %arg8[%swap3A_358, %swap3A_359], %swap3A_362 {add = true, strides = array<i32>} : memref<16x768xf32, #tpu.memory_space<vmem>>, vector<1x16xf32>,
      %swap3A_363 = arith.constant 1 : i32
      %swap3A_364 = arith.index_cast %swap3A_363 : i32 to index
      %swap3A_365 = arith.index_cast %multiple_of3A_353 : i32 to index
      %swap3A_366 = tpu.vector_load %arg8[%swap3A_364, %swap3A_365] {strides = array<i32>} : memref<16x768xf32, #tpu.memory_space<vmem>>, vector<1x16xf32>,
      %swap3A_367 = vector.shape_cast %swap3A_366 : vector<1x16xf32> to vector<16xf32>
      %swap3A_368 = vector.shape_cast %get3A_357 : vector<16xf32> to vector<1x16xf32>
      tpu.vector_store %arg8[%swap3A_364, %swap3A_365], %swap3A_368 {add = true, strides = array<i32>} : memref<16x768xf32, #tpu.memory_space<vmem>>, vector<1x16xf32>,
      %swap3A_369 = arith.constant 2 : i32
      %swap3A_370 = arith.index_cast %swap3A_369 : i32 to index
      %swap3A_371 = arith.index_cast %multiple_of3A_353 : i32 to index
      %swap3A_372 = tpu.vector_load %arg8[%swap3A_370, %swap3A_371] {strides = array<i32>} : memref<16x768xf32, #tpu.memory_space<vmem>>, vector<1x16xf32>,
      %swap3A_373 = vector.shape_cast %swap3A_372 : vector<1x16xf32> to vector<16xf32>
      %swap3A_374 = vector.shape_cast %get3A_357 : vector<16xf32> to vector<1x16xf32>
      tpu.vector_store %arg8[%swap3A_370, %swap3A_371], %swap3A_374 {add = true, strides = array<i32>} : memref<16x768xf32, #tpu.memory_space<vmem>>, vector<1x16xf32>,
      %swap3A_375 = arith.constant 3 : i32
      %swap3A_376 = arith.index_cast %swap3A_375 : i32 to index
      %swap3A_377 = arith.index_cast %multiple_of3A_353 : i32 to index
      %swap3A_378 = tpu.vector_load %arg8[%swap3A_376, %swap3A_377] {strides = array<i32>} : memref<16x768xf32, #tpu.memory_space<vmem>>, vector<1x16xf32>,
      %swap3A_379 = vector.shape_cast %swap3A_378 : vector<1x16xf32> to vector<16xf32>
      %swap3A_380 = vector.shape_cast %get3A_357 : vector<16xf32> to vector<1x16xf32>
      tpu.vector_store %arg8[%swap3A_376, %swap3A_377], %swap3A_380 {add = true, strides = array<i32>} : memref<16x768xf32, #tpu.memory_space<vmem>>, vector<1x16xf32>,
      %swap3A_381 = arith.constant 4 : i32
      %swap3A_382 = arith.index_cast %swap3A_381 : i32 to index
      %swap3A_383 = arith.index_cast %multiple_of3A_353 : i32 to index
      %swap3A_384 = tpu.vector_load %arg8[%swap3A_382, %swap3A_383] {strides = array<i32>} : memref<16x768xf32, #tpu.memory_space<vmem>>, vector<1x16xf32>,
      %swap3A_385 = vector.shape_cast %swap3A_384 : vector<1x16xf32> to vector<16xf32>
      %swap3A_386 = vector.shape_cast %get3A_357 : vector<16xf32> to vector<1x16xf32>
      tpu.vector_store %arg8[%swap3A_382, %swap3A_383], %swap3A_386 {add = true, strides = array<i32>} : memref<16x768xf32, #tpu.memory_space<vmem>>, vector<1x16xf32>,
      %swap3A_387 = arith.constant 5 : i32
      %swap3A_388 = arith.index_cast %swap3A_387 : i32 to index
      %swap3A_389 = arith.index_cast %multiple_of3A_353 : i32 to index
      %swap3A_390 = tpu.vector_load %arg8[%swap3A_388, %swap3A_389] {strides = array<i32>} : memref<16x768xf32, #tpu.memory_space<vmem>>, vector<1x16xf32>,
      %swap3A_391 = vector.shape_cast %swap3A_390 : vector<1x16xf32> to vector<16xf32>
      %swap3A_392 = vector.shape_cast %get3A_357 : vector<16xf32> to vector<1x16xf32>
      tpu.vector_store %arg8[%swap3A_388, %swap3A_389], %swap3A_392 {add = true, strides = array<i32>} : memref<16x768xf32, #tpu.memory_space<vmem>>, vector<1x16xf32>,
      %swap3A_393 = arith.constant 6 : i32
      %swap3A_394 = arith.index_cast %swap3A_393 : i32 to index
      %swap3A_395 = arith.index_cast %multiple_of3A_353 : i32 to index
      %swap3A_396 = tpu.vector_load %arg8[%swap3A_394, %swap3A_395] {strides = array<i32>} : memref<16x768xf32, #tpu.memory_space<vmem>>, vector<1x16xf32>,
      %swap3A_397 = vector.shape_cast %swap3A_396 : vector<1x16xf32> to vector<16xf32>
      %swap3A_398 = vector.shape_cast %get3A_357 : vector<16xf32> to vector<1x16xf32>
      tpu.vector_store %arg8[%swap3A_394, %swap3A_395], %swap3A_398 {add = true, strides = array<i32>} : memref<16x768xf32, #tpu.memory_space<vmem>>, vector<1x16xf32>,
      %swap3A_399 = arith.constant 7 : i32
      %swap3A_400 = arith.index_cast %swap3A_399 : i32 to index
      %swap3A_401 = arith.index_cast %multiple_of3A_353 : i32 to index
      %swap3A_402 = tpu.vector_load %arg8[%swap3A_400, %swap3A_401] {strides = array<i32>} : memref<16x768xf32, #tpu.memory_space<vmem>>, vector<1x16xf32>,
      %swap3A_403 = vector.shape_cast %swap3A_402 : vector<1x16xf32> to vector<16xf32>
      %swap3A_404 = vector.shape_cast %get3A_357 : vector<16xf32> to vector<1x16xf32>
      tpu.vector_store %arg8[%swap3A_400, %swap3A_401], %swap3A_404 {add = true, strides = array<i32>} : memref<16x768xf32, #tpu.memory_space<vmem>>, vector<1x16xf32>,
      %swap3A_405 = arith.constant 8 : i32
      %swap3A_406 = arith.index_cast %swap3A_405 : i32 to index
      %swap3A_407 = arith.index_cast %multiple_of3A_353 : i32 to index
      %swap3A_408 = tpu.vector_load %arg8[%swap3A_406, %swap3A_407] {strides = array<i32>} : memref<16x768xf32, #tpu.memory_space<vmem>>, vector<1x16xf32>,
      %swap3A_409 = vector.shape_cast %swap3A_408 : vector<1x16xf32> to vector<16xf32>
      %swap3A_410 = vector.shape_cast %get3A_357 : vector<16xf32> to vector<1x16xf32>
      tpu.vector_store %arg8[%swap3A_406, %swap3A_407], %swap3A_410 {add = true, strides = array<i32>} : memref<16x768xf32, #tpu.memory_space<vmem>>, vector<1x16xf32>,
      %swap3A_411 = arith.constant 9 : i32
      %swap3A_412 = arith.index_cast %swap3A_411 : i32 to index
      %swap3A_413 = arith.index_cast %multiple_of3A_353 : i32 to index
      %swap3A_414 = tpu.vector_load %arg8[%swap3A_412, %swap3A_413] {strides = array<i32>} : memref<16x768xf32, #tpu.memory_space<vmem>>, vector<1x16xf32>,
      %swap3A_415 = vector.shape_cast %swap3A_414 : vector<1x16xf32> to vector<16xf32>
      %swap3A_416 = vector.shape_cast %get3A_357 : vector<16xf32> to vector<1x16xf32>
      tpu.vector_store %arg8[%swap3A_412, %swap3A_413], %swap3A_416 {add = true, strides = array<i32>} : memref<16x768xf32, #tpu.memory_space<vmem>>, vector<1x16xf32>,
      %swap3A_417 = arith.constant 10 : i32
      %swap3A_418 = arith.index_cast %swap3A_417 : i32 to index
      %swap3A_419 = arith.index_cast %multiple_of3A_353 : i32 to index
      %swap3A_420 = tpu.vector_load %arg8[%swap3A_418, %swap3A_419] {strides = array<i32>} : memref<16x768xf32, #tpu.memory_space<vmem>>, vector<1x16xf32>,
      %swap3A_421 = vector.shape_cast %swap3A_420 : vector<1x16xf32> to vector<16xf32>
      %swap3A_422 = vector.shape_cast %get3A_357 : vector<16xf32> to vector<1x16xf32>
      tpu.vector_store %arg8[%swap3A_418, %swap3A_419], %swap3A_422 {add = true, strides = array<i32>} : memref<16x768xf32, #tpu.memory_space<vmem>>, vector<1x16xf32>,
      %swap3A_423 = arith.constant 11 : i32
      %swap3A_424 = arith.index_cast %swap3A_423 : i32 to index
      %swap3A_425 = arith.index_cast %multiple_of3A_353 : i32 to index
      %swap3A_426 = tpu.vector_load %arg8[%swap3A_424, %swap3A_425] {strides = array<i32>} : memref<16x768xf32, #tpu.memory_space<vmem>>, vector<1x16xf32>,
      %swap3A_427 = vector.shape_cast %swap3A_426 : vector<1x16xf32> to vector<16xf32>
      %swap3A_428 = vector.shape_cast %get3A_357 : vector<16xf32> to vector<1x16xf32>
      tpu.vector_store %arg8[%swap3A_424, %swap3A_425], %swap3A_428 {add = true, strides = array<i32>} : memref<16x768xf32, #tpu.memory_space<vmem>>, vector<1x16xf32>,
      %swap3A_429 = arith.constant 12 : i32
      %swap3A_430 = arith.index_cast %swap3A_429 : i32 to index
      %swap3A_431 = arith.index_cast %multiple_of3A_353 : i32 to index
      %swap3A_432 = tpu.vector_load %arg8[%swap3A_430, %swap3A_431] {strides = array<i32>} : memref<16x768xf32, #tpu.memory_space<vmem>>, vector<1x16xf32>,
      %swap3A_433 = vector.shape_cast %swap3A_432 : vector<1x16xf32> to vector<16xf32>
      %swap3A_434 = vector.shape_cast %get3A_357 : vector<16xf32> to vector<1x16xf32>
      tpu.vector_store %arg8[%swap3A_430, %swap3A_431], %swap3A_434 {add = true, strides = array<i32>} : memref<16x768xf32, #tpu.memory_space<vmem>>, vector<1x16xf32>,
      %swap3A_435 = arith.constant 13 : i32
      %swap3A_436 = arith.index_cast %swap3A_435 : i32 to index
      %swap3A_437 = arith.index_cast %multiple_of3A_353 : i32 to index
      %swap3A_438 = tpu.vector_load %arg8[%swap3A_436, %swap3A_437] {strides = array<i32>} : memref<16x768xf32, #tpu.memory_space<vmem>>, vector<1x16xf32>,
      %swap3A_439 = vector.shape_cast %swap3A_438 : vector<1x16xf32> to vector<16xf32>
      %swap3A_440 = vector.shape_cast %get3A_357 : vector<16xf32> to vector<1x16xf32>
      tpu.vector_store %arg8[%swap3A_436, %swap3A_437], %swap3A_440 {add = true, strides = array<i32>} : memref<16x768xf32, #tpu.memory_space<vmem>>, vector<1x16xf32>,
      %swap3A_441 = arith.constant 14 : i32
      %swap3A_442 = arith.index_cast %swap3A_441 : i32 to index
      %swap3A_443 = arith.index_cast %multiple_of3A_353 : i32 to index
      %swap3A_444 = tpu.vector_load %arg8[%swap3A_442, %swap3A_443] {strides = array<i32>} : memref<16x768xf32, #tpu.memory_space<vmem>>, vector<1x16xf32>,
      %swap3A_445 = vector.shape_cast %swap3A_444 : vector<1x16xf32> to vector<16xf32>
      %swap3A_446 = vector.shape_cast %get3A_357 : vector<16xf32> to vector<1x16xf32>
      tpu.vector_store %arg8[%swap3A_442, %swap3A_443], %swap3A_446 {add = true, strides = array<i32>} : memref<16x768xf32, #tpu.memory_space<vmem>>, vector<1x16xf32>,
      %swap3A_447 = arith.constant 15 : i32
      %swap3A_448 = arith.index_cast %swap3A_447 : i32 to index
      %swap3A_449 = arith.index_cast %multiple_of3A_353 : i32 to index
      %swap3A_450 = tpu.vector_load %arg8[%swap3A_448, %swap3A_449] {strides = array<i32>} : memref<16x768xf32, #tpu.memory_space<vmem>>, vector<1x16xf32>,
      %swap3A_451 = vector.shape_cast %swap3A_450 : vector<1x16xf32> to vector<16xf32>
      %swap3A_452 = vector.shape_cast %get3A_357 : vector<16xf32> to vector<1x16xf32>
      tpu.vector_store %arg8[%swap3A_448, %swap3A_449], %swap3A_452 {add = true, strides = array<i32>} : memref<16x768xf32, #tpu.memory_space<vmem>>, vector<1x16xf32>,
    }
    %scan3A_63 = arith.constant 48 : i32
    %div3A_64 = arith.constant 0 : i32
    %div3A_65 = arith.constant 2 : i32
    %div3A_66 = arith.divsi %div3A_64, %div3A_65 : i32
    %rem3A_67 = arith.constant 0 : i32
    %rem3A_68 = arith.constant 2 : i32
    %rem3A_69 = arith.remsi %rem3A_67, %rem3A_68 : i32
    %mul3A_70 = arith.constant 16 : i32
    %mul3A_71 = arith.muli %rem3A_69, %mul3A_70 : i32
    %add3A_72 = arith.addi %mul3A_2, %mul3A_71 : i32
    %dma_start3A_73 = arith.constant 0 : i32
    %dma_start3A_74 = tpu.memref_slice %arg5[%div3A_66, %add3A_72, %dma_start3A_73] : memref<77x1024x768xf32, #tpu.memory_space<hbm>> -> memref<1x16x768xf32, #tpu.memory_space<hbm>>
    %dma_start3A_75 = tpu.memref_squeeze %dma_start3A_74 : memref<1x16x768xf32, #tpu.memory_space<hbm>> -> memref<16x768xf32, #tpu.memory_space<hbm>>
    %dma_start3A_76 = arith.constant 0 : i32
    %dma_start3A_77 = tpu.memref_slice %arg5[%div3A_66, %add3A_72, %dma_start3A_76] : memref<77x1024x768xf32, #tpu.memory_space<hbm>> -> memref<1x16x768xf32, #tpu.memory_space<hbm>>
    %dma_start3A_78 = tpu.memref_squeeze %dma_start3A_77 : memref<1x16x768xf32, #tpu.memory_space<hbm>> -> memref<16x768xf32, #tpu.memory_space<hbm>>
    tpu.enqueue_dma source(%arg8 : memref<16x768xf32, #tpu.memory_space<vmem>>) target(%dma_start3A_78 : memref<16x768xf32, #tpu.memory_space<hbm>>) target_semaphore(%arg16 : memref<!tpu.dma_semaphore, #tpu.memory_space<semaphore_mem>>)
    %div3A_79 = arith.constant 3 : i32
    %div3A_80 = arith.constant 2 : i32
    %div3A_81 = arith.divsi %div3A_79, %div3A_80 : i32
    %rem3A_82 = arith.constant 3 : i32
    %rem3A_83 = arith.constant 2 : i32
    %rem3A_84 = arith.remsi %rem3A_82, %rem3A_83 : i32
    %mul3A_85 = arith.constant 16 : i32
    %mul3A_86 = arith.muli %rem3A_84, %mul3A_85 : i32
    %multiple_of3A_87 = tpu.assume_multiple %mul3A_86, 16 : i32
    %get3A_88 = arith.index_cast %div3A_81 : i32 to index
    %get3A_89 = arith.index_cast %multiple_of3A_87 : i32 to index
    %get3A_90 = tpu.vector_load %arg6[%get3A_88, %get3A_89] {strides = array<i32>} : memref<77x32xi32, #tpu.memory_space<vmem>>, vector<1x16xi32>,
    %get3A_91 = vector.shape_cast %get3A_90 : vector<1x16xi32> to vector<16xi32>
    %dma_start3A_92 = arith.constant 0 : i32
    %dma_start3A_93 = arith.constant 0 : i32
    %dma_start3A_94 = tpu.memref_slice %arg3[%dma_start3A_92, %dma_start3A_93] : memref<49408x768xf32, #tpu.memory_space<hbm>> -> memref<49408x768xf32, #tpu.memory_space<hbm>>
    tpu.enqueue_indirect_dma source(%dma_start3A_94 : memref<49408x768xf32, #tpu.memory_space<hbm>>) target(%arg11 : memref<16x768xf32, #tpu.memory_space<vmem>>) offsets(%get3A_91 : vector<16xi32>) semaphore(%arg15 : memref<!tpu.dma_semaphore, #tpu.memory_space<semaphore_mem>>)
    %get3A_95 = arith.constant 0 : i32
    %get3A_96 = arith.index_cast %get3A_95 : i32 to index
    %get3A_97 = arith.constant 0 : index
    %get3A_98 = tpu.vector_load %arg6[%get3A_96, %get3A_97] {strides = array<i32>} : memref<77x32xi32, #tpu.memory_space<vmem>>, vector<1x16xi32>,
    %get3A_99 = vector.shape_cast %get3A_98 : vector<1x16xi32> to vector<16xi32>
    %dma_wait3A_100 = arith.constant 0 : i32
    %dma_wait3A_101 = arith.constant 0 : i32
    %dma_wait3A_102 = tpu.memref_slice %arg3[%dma_wait3A_100, %dma_wait3A_101] : memref<49408x768xf32, #tpu.memory_space<hbm>> -> memref<49408x768xf32, #tpu.memory_space<hbm>>
    tpu.wait_indirect_dma semaphore(%arg13 : memref<!tpu.dma_semaphore, #tpu.memory_space<semaphore_mem>>) src(%dma_wait3A_102 : memref<49408x768xf32, #tpu.memory_space<hbm>>) dst(%arg9 : memref<16x768xf32, #tpu.memory_space<vmem>>)
    %div3A_103 = arith.constant 1 : i32
    %div3A_104 = arith.constant 2 : i32
    %div3A_105 = arith.divsi %div3A_103, %div3A_104 : i32
    %mul3A_106 = arith.constant 768 : i32
    %mul3A_107 = arith.muli %div3A_105, %mul3A_106 : i32
    %multiple_of3A_108 = tpu.assume_multiple %mul3A_107, 16 : i32
    %scan3A_109 = arith.constant 0 : i32
    %scan3A_110 = arith.constant 0 : i32
    %scan3A_111 = arith.constant 48 : i32
    %scan3A_112 = arith.addi %scan3A_110, %scan3A_111 : i32
    %scan3A_113 = arith.constant 1 : i32
    scf.for %scan3A_350 = %scan3A_110 to %scan3A_112 step %scan3A_113  : i32 {
      %mul3A_351 = arith.constant 16 : i32
      %mul3A_352 = arith.muli %scan3A_350, %mul3A_351 : i32
      %multiple_of3A_353 = tpu.assume_multiple %mul3A_352, 16 : i32
      %add3A_354 = arith.addi %multiple_of3A_108, %multiple_of3A_353 : i32
      %get3A_355 = arith.index_cast %add3A_354 : i32 to index
      %get3A_356 = tpu.vector_load %arg7[%get3A_355] {strides = array<i32>} : memref<59136xf32, #tpu.memory_space<vmem>>, vector<16xf32>,
      %get3A_357 = vector.shape_cast %get3A_356 : vector<16xf32> to vector<16xf32>
      %swap3A = arith.constant 0 : i32
      %swap3A_358 = arith.index_cast %swap3A : i32 to index
      %swap3A_359 = arith.index_cast %multiple_of3A_353 : i32 to index
      %swap3A_360 = tpu.vector_load %arg9[%swap3A_358, %swap3A_359] {strides = array<i32>} : memref<16x768xf32, #tpu.memory_space<vmem>>, vector<1x16xf32>,
      %swap3A_361 = vector.shape_cast %swap3A_360 : vector<1x16xf32> to vector<16xf32>
      %swap3A_362 = vector.shape_cast %get3A_357 : vector<16xf32> to vector<1x16xf32>
      tpu.vector_store %arg9[%swap3A_358, %swap3A_359], %swap3A_362 {add = true, strides = array<i32>} : memref<16x768xf32, #tpu.memory_space<vmem>>, vector<1x16xf32>,
      %swap3A_363 = arith.constant 1 : i32
      %swap3A_364 = arith.index_cast %swap3A_363 : i32 to index
      %swap3A_365 = arith.index_cast %multiple_of3A_353 : i32 to index
      %swap3A_366 = tpu.vector_load %arg9[%swap3A_364, %swap3A_365] {strides = array<i32>} : memref<16x768xf32, #tpu.memory_space<vmem>>, vector<1x16xf32>,
      %swap3A_367 = vector.shape_cast %swap3A_366 : vector<1x16xf32> to vector<16xf32>
      %swap3A_368 = vector.shape_cast %get3A_357 : vector<16xf32> to vector<1x16xf32>
      tpu.vector_store %arg9[%swap3A_364, %swap3A_365], %swap3A_368 {add = true, strides = array<i32>} : memref<16x768xf32, #tpu.memory_space<vmem>>, vector<1x16xf32>,
      %swap3A_369 = arith.constant 2 : i32
      %swap3A_370 = arith.index_cast %swap3A_369 : i32 to index
      %swap3A_371 = arith.index_cast %multiple_of3A_353 : i32 to index
      %swap3A_372 = tpu.vector_load %arg9[%swap3A_370, %swap3A_371] {strides = array<i32>} : memref<16x768xf32, #tpu.memory_space<vmem>>, vector<1x16xf32>,
      %swap3A_373 = vector.shape_cast %swap3A_372 : vector<1x16xf32> to vector<16xf32>
      %swap3A_374 = vector.shape_cast %get3A_357 : vector<16xf32> to vector<1x16xf32>
      tpu.vector_store %arg9[%swap3A_370, %swap3A_371], %swap3A_374 {add = true, strides = array<i32>} : memref<16x768xf32, #tpu.memory_space<vmem>>, vector<1x16xf32>,
      %swap3A_375 = arith.constant 3 : i32
      %swap3A_376 = arith.index_cast %swap3A_375 : i32 to index
      %swap3A_377 = arith.index_cast %multiple_of3A_353 : i32 to index
      %swap3A_378 = tpu.vector_load %arg9[%swap3A_376, %swap3A_377] {strides = array<i32>} : memref<16x768xf32, #tpu.memory_space<vmem>>, vector<1x16xf32>,
      %swap3A_379 = vector.shape_cast %swap3A_378 : vector<1x16xf32> to vector<16xf32>
      %swap3A_380 = vector.shape_cast %get3A_357 : vector<16xf32> to vector<1x16xf32>
      tpu.vector_store %arg9[%swap3A_376, %swap3A_377], %swap3A_380 {add = true, strides = array<i32>} : memref<16x768xf32, #tpu.memory_space<vmem>>, vector<1x16xf32>,
      %swap3A_381 = arith.constant 4 : i32
      %swap3A_382 = arith.index_cast %swap3A_381 : i32 to index
      %swap3A_383 = arith.index_cast %multiple_of3A_353 : i32 to index
      %swap3A_384 = tpu.vector_load %arg9[%swap3A_382, %swap3A_383] {strides = array<i32>} : memref<16x768xf32, #tpu.memory_space<vmem>>, vector<1x16xf32>,
      %swap3A_385 = vector.shape_cast %swap3A_384 : vector<1x16xf32> to vector<16xf32>
      %swap3A_386 = vector.shape_cast %get3A_357 : vector<16xf32> to vector<1x16xf32>
      tpu.vector_store %arg9[%swap3A_382, %swap3A_383], %swap3A_386 {add = true, strides = array<i32>} : memref<16x768xf32, #tpu.memory_space<vmem>>, vector<1x16xf32>,
      %swap3A_387 = arith.constant 5 : i32
      %swap3A_388 = arith.index_cast %swap3A_387 : i32 to index
      %swap3A_389 = arith.index_cast %multiple_of3A_353 : i32 to index
      %swap3A_390 = tpu.vector_load %arg9[%swap3A_388, %swap3A_389] {strides = array<i32>} : memref<16x768xf32, #tpu.memory_space<vmem>>, vector<1x16xf32>,
      %swap3A_391 = vector.shape_cast %swap3A_390 : vector<1x16xf32> to vector<16xf32>
      %swap3A_392 = vector.shape_cast %get3A_357 : vector<16xf32> to vector<1x16xf32>
      tpu.vector_store %arg9[%swap3A_388, %swap3A_389], %swap3A_392 {add = true, strides = array<i32>} : memref<16x768xf32, #tpu.memory_space<vmem>>, vector<1x16xf32>,
      %swap3A_393 = arith.constant 6 : i32
      %swap3A_394 = arith.index_cast %swap3A_393 : i32 to index
      %swap3A_395 = arith.index_cast %multiple_of3A_353 : i32 to index
      %swap3A_396 = tpu.vector_load %arg9[%swap3A_394, %swap3A_395] {strides = array<i32>} : memref<16x768xf32, #tpu.memory_space<vmem>>, vector<1x16xf32>,
      %swap3A_397 = vector.shape_cast %swap3A_396 : vector<1x16xf32> to vector<16xf32>
      %swap3A_398 = vector.shape_cast %get3A_357 : vector<16xf32> to vector<1x16xf32>
      tpu.vector_store %arg9[%swap3A_394, %swap3A_395], %swap3A_398 {add = true, strides = array<i32>} : memref<16x768xf32, #tpu.memory_space<vmem>>, vector<1x16xf32>,
      %swap3A_399 = arith.constant 7 : i32
      %swap3A_400 = arith.index_cast %swap3A_399 : i32 to index
      %swap3A_401 = arith.index_cast %multiple_of3A_353 : i32 to index
      %swap3A_402 = tpu.vector_load %arg9[%swap3A_400, %swap3A_401] {strides = array<i32>} : memref<16x768xf32, #tpu.memory_space<vmem>>, vector<1x16xf32>,
      %swap3A_403 = vector.shape_cast %swap3A_402 : vector<1x16xf32> to vector<16xf32>
      %swap3A_404 = vector.shape_cast %get3A_357 : vector<16xf32> to vector<1x16xf32>
      tpu.vector_store %arg9[%swap3A_400, %swap3A_401], %swap3A_404 {add = true, strides = array<i32>} : memref<16x768xf32, #tpu.memory_space<vmem>>, vector<1x16xf32>,
      %swap3A_405 = arith.constant 8 : i32
      %swap3A_406 = arith.index_cast %swap3A_405 : i32 to index
      %swap3A_407 = arith.index_cast %multiple_of3A_353 : i32 to index
      %swap3A_408 = tpu.vector_load %arg9[%swap3A_406, %swap3A_407] {strides = array<i32>} : memref<16x768xf32, #tpu.memory_space<vmem>>, vector<1x16xf32>,
      %swap3A_409 = vector.shape_cast %swap3A_408 : vector<1x16xf32> to vector<16xf32>
      %swap3A_410 = vector.shape_cast %get3A_357 : vector<16xf32> to vector<1x16xf32>
      tpu.vector_store %arg9[%swap3A_406, %swap3A_407], %swap3A_410 {add = true, strides = array<i32>} : memref<16x768xf32, #tpu.memory_space<vmem>>, vector<1x16xf32>,
      %swap3A_411 = arith.constant 9 : i32
      %swap3A_412 = arith.index_cast %swap3A_411 : i32 to index
      %swap3A_413 = arith.index_cast %multiple_of3A_353 : i32 to index
      %swap3A_414 = tpu.vector_load %arg9[%swap3A_412, %swap3A_413] {strides = array<i32>} : memref<16x768xf32, #tpu.memory_space<vmem>>, vector<1x16xf32>,
      %swap3A_415 = vector.shape_cast %swap3A_414 : vector<1x16xf32> to vector<16xf32>
      %swap3A_416 = vector.shape_cast %get3A_357 : vector<16xf32> to vector<1x16xf32>
      tpu.vector_store %arg9[%swap3A_412, %swap3A_413], %swap3A_416 {add = true, strides = array<i32>} : memref<16x768xf32, #tpu.memory_space<vmem>>, vector<1x16xf32>,
      %swap3A_417 = arith.constant 10 : i32
      %swap3A_418 = arith.index_cast %swap3A_417 : i32 to index
      %swap3A_419 = arith.index_cast %multiple_of3A_353 : i32 to index
      %swap3A_420 = tpu.vector_load %arg9[%swap3A_418, %swap3A_419] {strides = array<i32>} : memref<16x768xf32, #tpu.memory_space<vmem>>, vector<1x16xf32>,
      %swap3A_421 = vector.shape_cast %swap3A_420 : vector<1x16xf32> to vector<16xf32>
      %swap3A_422 = vector.shape_cast %get3A_357 : vector<16xf32> to vector<1x16xf32>
      tpu.vector_store %arg9[%swap3A_418, %swap3A_419], %swap3A_422 {add = true, strides = array<i32>} : memref<16x768xf32, #tpu.memory_space<vmem>>, vector<1x16xf32>,
      %swap3A_423 = arith.constant 11 : i32
      %swap3A_424 = arith.index_cast %swap3A_423 : i32 to index
      %swap3A_425 = arith.index_cast %multiple_of3A_353 : i32 to index
      %swap3A_426 = tpu.vector_load %arg9[%swap3A_424, %swap3A_425] {strides = array<i32>} : memref<16x768xf32, #tpu.memory_space<vmem>>, vector<1x16xf32>,
      %swap3A_427 = vector.shape_cast %swap3A_426 : vector<1x16xf32> to vector<16xf32>
      %swap3A_428 = vector.shape_cast %get3A_357 : vector<16xf32> to vector<1x16xf32>
      tpu.vector_store %arg9[%swap3A_424, %swap3A_425], %swap3A_428 {add = true, strides = array<i32>} : memref<16x768xf32, #tpu.memory_space<vmem>>, vector<1x16xf32>,
      %swap3A_429 = arith.constant 12 : i32
      %swap3A_430 = arith.index_cast %swap3A_429 : i32 to index
      %swap3A_431 = arith.index_cast %multiple_of3A_353 : i32 to index
      %swap3A_432 = tpu.vector_load %arg9[%swap3A_430, %swap3A_431] {strides = array<i32>} : memref<16x768xf32, #tpu.memory_space<vmem>>, vector<1x16xf32>,
      %swap3A_433 = vector.shape_cast %swap3A_432 : vector<1x16xf32> to vector<16xf32>
      %swap3A_434 = vector.shape_cast %get3A_357 : vector<16xf32> to vector<1x16xf32>
      tpu.vector_store %arg9[%swap3A_430, %swap3A_431], %swap3A_434 {add = true, strides = array<i32>} : memref<16x768xf32, #tpu.memory_space<vmem>>, vector<1x16xf32>,
      %swap3A_435 = arith.constant 13 : i32
      %swap3A_436 = arith.index_cast %swap3A_435 : i32 to index
      %swap3A_437 = arith.index_cast %multiple_of3A_353 : i32 to index
      %swap3A_438 = tpu.vector_load %arg9[%swap3A_436, %swap3A_437] {strides = array<i32>} : memref<16x768xf32, #tpu.memory_space<vmem>>, vector<1x16xf32>,
      %swap3A_439 = vector.shape_cast %swap3A_438 : vector<1x16xf32> to vector<16xf32>
      %swap3A_440 = vector.shape_cast %get3A_357 : vector<16xf32> to vector<1x16xf32>
      tpu.vector_store %arg9[%swap3A_436, %swap3A_437], %swap3A_440 {add = true, strides = array<i32>} : memref<16x768xf32, #tpu.memory_space<vmem>>, vector<1x16xf32>,
      %swap3A_441 = arith.constant 14 : i32
      %swap3A_442 = arith.index_cast %swap3A_441 : i32 to index
      %swap3A_443 = arith.index_cast %multiple_of3A_353 : i32 to index
      %swap3A_444 = tpu.vector_load %arg9[%swap3A_442, %swap3A_443] {strides = array<i32>} : memref<16x768xf32, #tpu.memory_space<vmem>>, vector<1x16xf32>,
      %swap3A_445 = vector.shape_cast %swap3A_444 : vector<1x16xf32> to vector<16xf32>
      %swap3A_446 = vector.shape_cast %get3A_357 : vector<16xf32> to vector<1x16xf32>
      tpu.vector_store %arg9[%swap3A_442, %swap3A_443], %swap3A_446 {add = true, strides = array<i32>} : memref<16x768xf32, #tpu.memory_space<vmem>>, vector<1x16xf32>,
      %swap3A_447 = arith.constant 15 : i32
      %swap3A_448 = arith.index_cast %swap3A_447 : i32 to index
      %swap3A_449 = arith.index_cast %multiple_of3A_353 : i32 to index
      %swap3A_450 = tpu.vector_load %arg9[%swap3A_448, %swap3A_449] {strides = array<i32>} : memref<16x768xf32, #tpu.memory_space<vmem>>, vector<1x16xf32>,
      %swap3A_451 = vector.shape_cast %swap3A_450 : vector<1x16xf32> to vector<16xf32>
      %swap3A_452 = vector.shape_cast %get3A_357 : vector<16xf32> to vector<1x16xf32>
      tpu.vector_store %arg9[%swap3A_448, %swap3A_449], %swap3A_452 {add = true, strides = array<i32>} : memref<16x768xf32, #tpu.memory_space<vmem>>, vector<1x16xf32>,
    }
    %scan3A_114 = arith.constant 48 : i32
    %div3A_115 = arith.constant 1 : i32
    %div3A_116 = arith.constant 2 : i32
    %div3A_117 = arith.divsi %div3A_115, %div3A_116 : i32
    %rem3A_118 = arith.constant 1 : i32
    %rem3A_119 = arith.constant 2 : i32
    %rem3A_120 = arith.remsi %rem3A_118, %rem3A_119 : i32
    %mul3A_121 = arith.constant 16 : i32
    %mul3A_122 = arith.muli %rem3A_120, %mul3A_121 : i32
    %add3A_123 = arith.addi %mul3A_2, %mul3A_122 : i32
    %dma_start3A_124 = arith.constant 0 : i32
    %dma_start3A_125 = tpu.memref_slice %arg5[%div3A_117, %add3A_123, %dma_start3A_124] : memref<77x1024x768xf32, #tpu.memory_space<hbm>> -> memref<1x16x768xf32, #tpu.memory_space<hbm>>
    %dma_start3A_126 = tpu.memref_squeeze %dma_start3A_125 : memref<1x16x768xf32, #tpu.memory_space<hbm>> -> memref<16x768xf32, #tpu.memory_space<hbm>>
    %dma_start3A_127 = arith.constant 0 : i32
    %dma_start3A_128 = tpu.memref_slice %arg5[%div3A_117, %add3A_123, %dma_start3A_127] : memref<77x1024x768xf32, #tpu.memory_space<hbm>> -> memref<1x16x768xf32, #tpu.memory_space<hbm>>
    %dma_start3A_129 = tpu.memref_squeeze %dma_start3A_128 : memref<1x16x768xf32, #tpu.memory_space<hbm>> -> memref<16x768xf32, #tpu.memory_space<hbm>>
    tpu.enqueue_dma source(%arg9 : memref<16x768xf32, #tpu.memory_space<vmem>>) target(%dma_start3A_129 : memref<16x768xf32, #tpu.memory_space<hbm>>) target_semaphore(%arg17 : memref<!tpu.dma_semaphore, #tpu.memory_space<semaphore_mem>>)
    %dma_wait3A_130 = arith.constant 0 : i32
    %dma_wait3A_131 = arith.constant 0 : i32
    %dma_wait3A_132 = tpu.memref_slice %arg5[%dma_wait3A_130, %mul3A_2, %dma_wait3A_131] : memref<77x1024x768xf32, #tpu.memory_space<hbm>> -> memref<1x16x768xf32, #tpu.memory_space<hbm>>
    %dma_wait3A_133 = tpu.memref_squeeze %dma_wait3A_132 : memref<1x16x768xf32, #tpu.memory_space<hbm>> -> memref<16x768xf32, #tpu.memory_space<hbm>>
    %dma_wait3A_134 = arith.constant 0 : i32
    %dma_wait3A_135 = tpu.memref_slice %arg5[%dma_wait3A_130, %mul3A_2, %dma_wait3A_134] : memref<77x1024x768xf32, #tpu.memory_space<hbm>> -> memref<1x16x768xf32, #tpu.memory_space<hbm>>
    %dma_wait3A_136 = tpu.memref_squeeze %dma_wait3A_135 : memref<1x16x768xf32, #tpu.memory_space<hbm>> -> memref<16x768xf32, #tpu.memory_space<hbm>>
    tpu.wait_dma2 semaphore(%arg16 : memref<!tpu.dma_semaphore, #tpu.memory_space<semaphore_mem>>) src(%arg8 : memref<16x768xf32, #tpu.memory_space<vmem>>) dst(%dma_wait3A_136 : memref<16x768xf32, #tpu.memory_space<hbm>>)
    %div3A_137 = arith.constant 4 : i32
    %div3A_138 = arith.constant 2 : i32
    %div3A_139 = arith.divsi %div3A_137, %div3A_138 : i32
    %rem3A_140 = arith.constant 4 : i32
    %rem3A_141 = arith.constant 2 : i32
    %rem3A_142 = arith.remsi %rem3A_140, %rem3A_141 : i32
    %mul3A_143 = arith.constant 16 : i32
    %mul3A_144 = arith.muli %rem3A_142, %mul3A_143 : i32
    %multiple_of3A_145 = tpu.assume_multiple %mul3A_144, 16 : i32
    %get3A_146 = arith.index_cast %div3A_139 : i32 to index
    %get3A_147 = arith.index_cast %multiple_of3A_145 : i32 to index
    %get3A_148 = tpu.vector_load %arg6[%get3A_146, %get3A_147] {strides = array<i32>} : memref<77x32xi32, #tpu.memory_space<vmem>>, vector<1x16xi32>,
    %get3A_149 = vector.shape_cast %get3A_148 : vector<1x16xi32> to vector<16xi32>
    %dma_start3A_150 = arith.constant 0 : i32
    %dma_start3A_151 = arith.constant 0 : i32
    %dma_start3A_152 = tpu.memref_slice %arg3[%dma_start3A_150, %dma_start3A_151] : memref<49408x768xf32, #tpu.memory_space<hbm>> -> memref<49408x768xf32, #tpu.memory_space<hbm>>
    tpu.enqueue_indirect_dma source(%dma_start3A_152 : memref<49408x768xf32, #tpu.memory_space<hbm>>) target(%arg8 : memref<16x768xf32, #tpu.memory_space<vmem>>) offsets(%get3A_149 : vector<16xi32>) semaphore(%arg12 : memref<!tpu.dma_semaphore, #tpu.memory_space<semaphore_mem>>)
    %get3A_153 = arith.constant 0 : i32
    %get3A_154 = arith.index_cast %get3A_153 : i32 to index
    %get3A_155 = arith.constant 0 : index
    %get3A_156 = tpu.vector_load %arg6[%get3A_154, %get3A_155] {strides = array<i32>} : memref<77x32xi32, #tpu.memory_space<vmem>>, vector<1x16xi32>,
    %get3A_157 = vector.shape_cast %get3A_156 : vector<1x16xi32> to vector<16xi32>
    %dma_wait3A_158 = arith.constant 0 : i32
    %dma_wait3A_159 = arith.constant 0 : i32
    %dma_wait3A_160 = tpu.memref_slice %arg3[%dma_wait3A_158, %dma_wait3A_159] : memref<49408x768xf32, #tpu.memory_space<hbm>> -> memref<49408x768xf32, #tpu.memory_space<hbm>>
    tpu.wait_indirect_dma semaphore(%arg14 : memref<!tpu.dma_semaphore, #tpu.memory_space<semaphore_mem>>) src(%dma_wait3A_160 : memref<49408x768xf32, #tpu.memory_space<hbm>>) dst(%arg10 : memref<16x768xf32, #tpu.memory_space<vmem>>)
    %div3A_161 = arith.constant 2 : i32
    %div3A_162 = arith.constant 2 : i32
    %div3A_163 = arith.divsi %div3A_161, %div3A_162 : i32
    %mul3A_164 = arith.constant 768 : i32
    %mul3A_165 = arith.muli %div3A_163, %mul3A_164 : i32
    %multiple_of3A_166 = tpu.assume_multiple %mul3A_165, 16 : i32
    %scan3A_167 = arith.constant 0 : i32
    %scan3A_168 = arith.constant 0 : i32
    %scan3A_169 = arith.constant 48 : i32
    %scan3A_170 = arith.addi %scan3A_168, %scan3A_169 : i32
    %scan3A_171 = arith.constant 1 : i32
    scf.for %scan3A_350 = %scan3A_168 to %scan3A_170 step %scan3A_171  : i32 {
      %mul3A_351 = arith.constant 16 : i32
      %mul3A_352 = arith.muli %scan3A_350, %mul3A_351 : i32
      %multiple_of3A_353 = tpu.assume_multiple %mul3A_352, 16 : i32
      %add3A_354 = arith.addi %multiple_of3A_166, %multiple_of3A_353 : i32
      %get3A_355 = arith.index_cast %add3A_354 : i32 to index
      %get3A_356 = tpu.vector_load %arg7[%get3A_355] {strides = array<i32>} : memref<59136xf32, #tpu.memory_space<vmem>>, vector<16xf32>,
      %get3A_357 = vector.shape_cast %get3A_356 : vector<16xf32> to vector<16xf32>
      %swap3A = arith.constant 0 : i32
      %swap3A_358 = arith.index_cast %swap3A : i32 to index
      %swap3A_359 = arith.index_cast %multiple_of3A_353 : i32 to index
      %swap3A_360 = tpu.vector_load %arg10[%swap3A_358, %swap3A_359] {strides = array<i32>} : memref<16x768xf32, #tpu.memory_space<vmem>>, vector<1x16xf32>,
      %swap3A_361 = vector.shape_cast %swap3A_360 : vector<1x16xf32> to vector<16xf32>
      %swap3A_362 = vector.shape_cast %get3A_357 : vector<16xf32> to vector<1x16xf32>
      tpu.vector_store %arg10[%swap3A_358, %swap3A_359], %swap3A_362 {add = true, strides = array<i32>} : memref<16x768xf32, #tpu.memory_space<vmem>>, vector<1x16xf32>,
      %swap3A_363 = arith.constant 1 : i32
      %swap3A_364 = arith.index_cast %swap3A_363 : i32 to index
      %swap3A_365 = arith.index_cast %multiple_of3A_353 : i32 to index
      %swap3A_366 = tpu.vector_load %arg10[%swap3A_364, %swap3A_365] {strides = array<i32>} : memref<16x768xf32, #tpu.memory_space<vmem>>, vector<1x16xf32>,
      %swap3A_367 = vector.shape_cast %swap3A_366 : vector<1x16xf32> to vector<16xf32>
      %swap3A_368 = vector.shape_cast %get3A_357 : vector<16xf32> to vector<1x16xf32>
      tpu.vector_store %arg10[%swap3A_364, %swap3A_365], %swap3A_368 {add = true, strides = array<i32>} : memref<16x768xf32, #tpu.memory_space<vmem>>, vector<1x16xf32>,
      %swap3A_369 = arith.constant 2 : i32
      %swap3A_370 = arith.index_cast %swap3A_369 : i32 to index
      %swap3A_371 = arith.index_cast %multiple_of3A_353 : i32 to index
      %swap3A_372 = tpu.vector_load %arg10[%swap3A_370, %swap3A_371] {strides = array<i32>} : memref<16x768xf32, #tpu.memory_space<vmem>>, vector<1x16xf32>,
      %swap3A_373 = vector.shape_cast %swap3A_372 : vector<1x16xf32> to vector<16xf32>
      %swap3A_374 = vector.shape_cast %get3A_357 : vector<16xf32> to vector<1x16xf32>
      tpu.vector_store %arg10[%swap3A_370, %swap3A_371], %swap3A_374 {add = true, strides = array<i32>} : memref<16x768xf32, #tpu.memory_space<vmem>>, vector<1x16xf32>,
      %swap3A_375 = arith.constant 3 : i32
      %swap3A_376 = arith.index_cast %swap3A_375 : i32 to index
      %swap3A_377 = arith.index_cast %multiple_of3A_353 : i32 to index
      %swap3A_378 = tpu.vector_load %arg10[%swap3A_376, %swap3A_377] {strides = array<i32>} : memref<16x768xf32, #tpu.memory_space<vmem>>, vector<1x16xf32>,
      %swap3A_379 = vector.shape_cast %swap3A_378 : vector<1x16xf32> to vector<16xf32>
      %swap3A_380 = vector.shape_cast %get3A_357 : vector<16xf32> to vector<1x16xf32>
      tpu.vector_store %arg10[%swap3A_376, %swap3A_377], %swap3A_380 {add = true, strides = array<i32>} : memref<16x768xf32, #tpu.memory_space<vmem>>, vector<1x16xf32>,
      %swap3A_381 = arith.constant 4 : i32
      %swap3A_382 = arith.index_cast %swap3A_381 : i32 to index
      %swap3A_383 = arith.index_cast %multiple_of3A_353 : i32 to index
      %swap3A_384 = tpu.vector_load %arg10[%swap3A_382, %swap3A_383] {strides = array<i32>} : memref<16x768xf32, #tpu.memory_space<vmem>>, vector<1x16xf32>,
      %swap3A_385 = vector.shape_cast %swap3A_384 : vector<1x16xf32> to vector<16xf32>
      %swap3A_386 = vector.shape_cast %get3A_357 : vector<16xf32> to vector<1x16xf32>
      tpu.vector_store %arg10[%swap3A_382, %swap3A_383], %swap3A_386 {add = true, strides = array<i32>} : memref<16x768xf32, #tpu.memory_space<vmem>>, vector<1x16xf32>,
      %swap3A_387 = arith.constant 5 : i32
      %swap3A_388 = arith.index_cast %swap3A_387 : i32 to index
      %swap3A_389 = arith.index_cast %multiple_of3A_353 : i32 to index
      %swap3A_390 = tpu.vector_load %arg10[%swap3A_388, %swap3A_389] {strides = array<i32>} : memref<16x768xf32, #tpu.memory_space<vmem>>, vector<1x16xf32>,
      %swap3A_391 = vector.shape_cast %swap3A_390 : vector<1x16xf32> to vector<16xf32>
      %swap3A_392 = vector.shape_cast %get3A_357 : vector<16xf32> to vector<1x16xf32>
      tpu.vector_store %arg10[%swap3A_388, %swap3A_389], %swap3A_392 {add = true, strides = array<i32>} : memref<16x768xf32, #tpu.memory_space<vmem>>, vector<1x16xf32>,
      %swap3A_393 = arith.constant 6 : i32
      %swap3A_394 = arith.index_cast %swap3A_393 : i32 to index
      %swap3A_395 = arith.index_cast %multiple_of3A_353 : i32 to index
      %swap3A_396 = tpu.vector_load %arg10[%swap3A_394, %swap3A_395] {strides = array<i32>} : memref<16x768xf32, #tpu.memory_space<vmem>>, vector<1x16xf32>,
      %swap3A_397 = vector.shape_cast %swap3A_396 : vector<1x16xf32> to vector<16xf32>
      %swap3A_398 = vector.shape_cast %get3A_357 : vector<16xf32> to vector<1x16xf32>
      tpu.vector_store %arg10[%swap3A_394, %swap3A_395], %swap3A_398 {add = true, strides = array<i32>} : memref<16x768xf32, #tpu.memory_space<vmem>>, vector<1x16xf32>,
      %swap3A_399 = arith.constant 7 : i32
      %swap3A_400 = arith.index_cast %swap3A_399 : i32 to index
      %swap3A_401 = arith.index_cast %multiple_of3A_353 : i32 to index
      %swap3A_402 = tpu.vector_load %arg10[%swap3A_400, %swap3A_401] {strides = array<i32>} : memref<16x768xf32, #tpu.memory_space<vmem>>, vector<1x16xf32>,
      %swap3A_403 = vector.shape_cast %swap3A_402 : vector<1x16xf32> to vector<16xf32>
      %swap3A_404 = vector.shape_cast %get3A_357 : vector<16xf32> to vector<1x16xf32>
      tpu.vector_store %arg10[%swap3A_400, %swap3A_401], %swap3A_404 {add = true, strides = array<i32>} : memref<16x768xf32, #tpu.memory_space<vmem>>, vector<1x16xf32>,
      %swap3A_405 = arith.constant 8 : i32
      %swap3A_406 = arith.index_cast %swap3A_405 : i32 to index
      %swap3A_407 = arith.index_cast %multiple_of3A_353 : i32 to index
      %swap3A_408 = tpu.vector_load %arg10[%swap3A_406, %swap3A_407] {strides = array<i32>} : memref<16x768xf32, #tpu.memory_space<vmem>>, vector<1x16xf32>,
      %swap3A_409 = vector.shape_cast %swap3A_408 : vector<1x16xf32> to vector<16xf32>
      %swap3A_410 = vector.shape_cast %get3A_357 : vector<16xf32> to vector<1x16xf32>
      tpu.vector_store %arg10[%swap3A_406, %swap3A_407], %swap3A_410 {add = true, strides = array<i32>} : memref<16x768xf32, #tpu.memory_space<vmem>>, vector<1x16xf32>,
      %swap3A_411 = arith.constant 9 : i32
      %swap3A_412 = arith.index_cast %swap3A_411 : i32 to index
      %swap3A_413 = arith.index_cast %multiple_of3A_353 : i32 to index
      %swap3A_414 = tpu.vector_load %arg10[%swap3A_412, %swap3A_413] {strides = array<i32>} : memref<16x768xf32, #tpu.memory_space<vmem>>, vector<1x16xf32>,
      %swap3A_415 = vector.shape_cast %swap3A_414 : vector<1x16xf32> to vector<16xf32>
      %swap3A_416 = vector.shape_cast %get3A_357 : vector<16xf32> to vector<1x16xf32>
      tpu.vector_store %arg10[%swap3A_412, %swap3A_413], %swap3A_416 {add = true, strides = array<i32>} : memref<16x768xf32, #tpu.memory_space<vmem>>, vector<1x16xf32>,
      %swap3A_417 = arith.constant 10 : i32
      %swap3A_418 = arith.index_cast %swap3A_417 : i32 to index
      %swap3A_419 = arith.index_cast %multiple_of3A_353 : i32 to index
      %swap3A_420 = tpu.vector_load %arg10[%swap3A_418, %swap3A_419] {strides = array<i32>} : memref<16x768xf32, #tpu.memory_space<vmem>>, vector<1x16xf32>,
      %swap3A_421 = vector.shape_cast %swap3A_420 : vector<1x16xf32> to vector<16xf32>
      %swap3A_422 = vector.shape_cast %get3A_357 : vector<16xf32> to vector<1x16xf32>
      tpu.vector_store %arg10[%swap3A_418, %swap3A_419], %swap3A_422 {add = true, strides = array<i32>} : memref<16x768xf32, #tpu.memory_space<vmem>>, vector<1x16xf32>,
      %swap3A_423 = arith.constant 11 : i32
      %swap3A_424 = arith.index_cast %swap3A_423 : i32 to index
      %swap3A_425 = arith.index_cast %multiple_of3A_353 : i32 to index
      %swap3A_426 = tpu.vector_load %arg10[%swap3A_424, %swap3A_425] {strides = array<i32>} : memref<16x768xf32, #tpu.memory_space<vmem>>, vector<1x16xf32>,
      %swap3A_427 = vector.shape_cast %swap3A_426 : vector<1x16xf32> to vector<16xf32>
      %swap3A_428 = vector.shape_cast %get3A_357 : vector<16xf32> to vector<1x16xf32>
      tpu.vector_store %arg10[%swap3A_424, %swap3A_425], %swap3A_428 {add = true, strides = array<i32>} : memref<16x768xf32, #tpu.memory_space<vmem>>, vector<1x16xf32>,
      %swap3A_429 = arith.constant 12 : i32
      %swap3A_430 = arith.index_cast %swap3A_429 : i32 to index
      %swap3A_431 = arith.index_cast %multiple_of3A_353 : i32 to index
      %swap3A_432 = tpu.vector_load %arg10[%swap3A_430, %swap3A_431] {strides = array<i32>} : memref<16x768xf32, #tpu.memory_space<vmem>>, vector<1x16xf32>,
      %swap3A_433 = vector.shape_cast %swap3A_432 : vector<1x16xf32> to vector<16xf32>
      %swap3A_434 = vector.shape_cast %get3A_357 : vector<16xf32> to vector<1x16xf32>
      tpu.vector_store %arg10[%swap3A_430, %swap3A_431], %swap3A_434 {add = true, strides = array<i32>} : memref<16x768xf32, #tpu.memory_space<vmem>>, vector<1x16xf32>,
      %swap3A_435 = arith.constant 13 : i32
      %swap3A_436 = arith.index_cast %swap3A_435 : i32 to index
      %swap3A_437 = arith.index_cast %multiple_of3A_353 : i32 to index
      %swap3A_438 = tpu.vector_load %arg10[%swap3A_436, %swap3A_437] {strides = array<i32>} : memref<16x768xf32, #tpu.memory_space<vmem>>, vector<1x16xf32>,
      %swap3A_439 = vector.shape_cast %swap3A_438 : vector<1x16xf32> to vector<16xf32>
      %swap3A_440 = vector.shape_cast %get3A_357 : vector<16xf32> to vector<1x16xf32>
      tpu.vector_store %arg10[%swap3A_436, %swap3A_437], %swap3A_440 {add = true, strides = array<i32>} : memref<16x768xf32, #tpu.memory_space<vmem>>, vector<1x16xf32>,
      %swap3A_441 = arith.constant 14 : i32
      %swap3A_442 = arith.index_cast %swap3A_441 : i32 to index
      %swap3A_443 = arith.index_cast %multiple_of3A_353 : i32 to index
      %swap3A_444 = tpu.vector_load %arg10[%swap3A_442, %swap3A_443] {strides = array<i32>} : memref<16x768xf32, #tpu.memory_space<vmem>>, vector<1x16xf32>,
      %swap3A_445 = vector.shape_cast %swap3A_444 : vector<1x16xf32> to vector<16xf32>
      %swap3A_446 = vector.shape_cast %get3A_357 : vector<16xf32> to vector<1x16xf32>
      tpu.vector_store %arg10[%swap3A_442, %swap3A_443], %swap3A_446 {add = true, strides = array<i32>} : memref<16x768xf32, #tpu.memory_space<vmem>>, vector<1x16xf32>,
      %swap3A_447 = arith.constant 15 : i32
      %swap3A_448 = arith.index_cast %swap3A_447 : i32 to index
      %swap3A_449 = arith.index_cast %multiple_of3A_353 : i32 to index
      %swap3A_450 = tpu.vector_load %arg10[%swap3A_448, %swap3A_449] {strides = array<i32>} : memref<16x768xf32, #tpu.memory_space<vmem>>, vector<1x16xf32>,
      %swap3A_451 = vector.shape_cast %swap3A_450 : vector<1x16xf32> to vector<16xf32>
      %swap3A_452 = vector.shape_cast %get3A_357 : vector<16xf32> to vector<1x16xf32>
      tpu.vector_store %arg10[%swap3A_448, %swap3A_449], %swap3A_452 {add = true, strides = array<i32>} : memref<16x768xf32, #tpu.memory_space<vmem>>, vector<1x16xf32>,
    }
    %scan3A_172 = arith.constant 48 : i32
    %div3A_173 = arith.constant 2 : i32
    %div3A_174 = arith.constant 2 : i32
    %div3A_175 = arith.divsi %div3A_173, %div3A_174 : i32
    %rem3A_176 = arith.constant 2 : i32
    %rem3A_177 = arith.constant 2 : i32
    %rem3A_178 = arith.remsi %rem3A_176, %rem3A_177 : i32
    %mul3A_179 = arith.constant 16 : i32
    %mul3A_180 = arith.muli %rem3A_178, %mul3A_179 : i32
    %add3A_181 = arith.addi %mul3A_2, %mul3A_180 : i32
    %dma_start3A_182 = arith.constant 0 : i32
    %dma_start3A_183 = tpu.memref_slice %arg5[%div3A_175, %add3A_181, %dma_start3A_182] : memref<77x1024x768xf32, #tpu.memory_space<hbm>> -> memref<1x16x768xf32, #tpu.memory_space<hbm>>
    %dma_start3A_184 = tpu.memref_squeeze %dma_start3A_183 : memref<1x16x768xf32, #tpu.memory_space<hbm>> -> memref<16x768xf32, #tpu.memory_space<hbm>>
    %dma_start3A_185 = arith.constant 0 : i32
    %dma_start3A_186 = tpu.memref_slice %arg5[%div3A_175, %add3A_181, %dma_start3A_185] : memref<77x1024x768xf32, #tpu.memory_space<hbm>> -> memref<1x16x768xf32, #tpu.memory_space<hbm>>
    %dma_start3A_187 = tpu.memref_squeeze %dma_start3A_186 : memref<1x16x768xf32, #tpu.memory_space<hbm>> -> memref<16x768xf32, #tpu.memory_space<hbm>>
    tpu.enqueue_dma source(%arg10 : memref<16x768xf32, #tpu.memory_space<vmem>>) target(%dma_start3A_187 : memref<16x768xf32, #tpu.memory_space<hbm>>) target_semaphore(%arg18 : memref<!tpu.dma_semaphore, #tpu.memory_space<semaphore_mem>>)
    %dma_wait3A_188 = arith.constant 0 : i32
    %dma_wait3A_189 = arith.constant 0 : i32
    %dma_wait3A_190 = tpu.memref_slice %arg5[%dma_wait3A_188, %mul3A_2, %dma_wait3A_189] : memref<77x1024x768xf32, #tpu.memory_space<hbm>> -> memref<1x16x768xf32, #tpu.memory_space<hbm>>
    %dma_wait3A_191 = tpu.memref_squeeze %dma_wait3A_190 : memref<1x16x768xf32, #tpu.memory_space<hbm>> -> memref<16x768xf32, #tpu.memory_space<hbm>>
    %dma_wait3A_192 = arith.constant 0 : i32
    %dma_wait3A_193 = tpu.memref_slice %arg5[%dma_wait3A_188, %mul3A_2, %dma_wait3A_192] : memref<77x1024x768xf32, #tpu.memory_space<hbm>> -> memref<1x16x768xf32, #tpu.memory_space<hbm>>
    %dma_wait3A_194 = tpu.memref_squeeze %dma_wait3A_193 : memref<1x16x768xf32, #tpu.memory_space<hbm>> -> memref<16x768xf32, #tpu.memory_space<hbm>>
    tpu.wait_dma2 semaphore(%arg17 : memref<!tpu.dma_semaphore, #tpu.memory_space<semaphore_mem>>) src(%arg9 : memref<16x768xf32, #tpu.memory_space<vmem>>) dst(%dma_wait3A_194 : memref<16x768xf32, #tpu.memory_space<hbm>>)
    %div3A_195 = arith.constant 5 : i32
    %div3A_196 = arith.constant 2 : i32
    %div3A_197 = arith.divsi %div3A_195, %div3A_196 : i32
    %rem3A_198 = arith.constant 5 : i32
    %rem3A_199 = arith.constant 2 : i32
    %rem3A_200 = arith.remsi %rem3A_198, %rem3A_199 : i32
    %mul3A_201 = arith.constant 16 : i32
    %mul3A_202 = arith.muli %rem3A_200, %mul3A_201 : i32
    %multiple_of3A_203 = tpu.assume_multiple %mul3A_202, 16 : i32
    %get3A_204 = arith.index_cast %div3A_197 : i32 to index
    %get3A_205 = arith.index_cast %multiple_of3A_203 : i32 to index
    %get3A_206 = tpu.vector_load %arg6[%get3A_204, %get3A_205] {strides = array<i32>} : memref<77x32xi32, #tpu.memory_space<vmem>>, vector<1x16xi32>,
    %get3A_207 = vector.shape_cast %get3A_206 : vector<1x16xi32> to vector<16xi32>
    %dma_start3A_208 = arith.constant 0 : i32
    %dma_start3A_209 = arith.constant 0 : i32
    %dma_start3A_210 = tpu.memref_slice %arg3[%dma_start3A_208, %dma_start3A_209] : memref<49408x768xf32, #tpu.memory_space<hbm>> -> memref<49408x768xf32, #tpu.memory_space<hbm>>
    tpu.enqueue_indirect_dma source(%dma_start3A_210 : memref<49408x768xf32, #tpu.memory_space<hbm>>) target(%arg9 : memref<16x768xf32, #tpu.memory_space<vmem>>) offsets(%get3A_207 : vector<16xi32>) semaphore(%arg13 : memref<!tpu.dma_semaphore, #tpu.memory_space<semaphore_mem>>)
    %get3A_211 = arith.constant 0 : i32
    %get3A_212 = arith.index_cast %get3A_211 : i32 to index
    %get3A_213 = arith.constant 0 : index
    %get3A_214 = tpu.vector_load %arg6[%get3A_212, %get3A_213] {strides = array<i32>} : memref<77x32xi32, #tpu.memory_space<vmem>>, vector<1x16xi32>,
    %get3A_215 = vector.shape_cast %get3A_214 : vector<1x16xi32> to vector<16xi32>
    %dma_wait3A_216 = arith.constant 0 : i32
    %dma_wait3A_217 = arith.constant 0 : i32
    %dma_wait3A_218 = tpu.memref_slice %arg3[%dma_wait3A_216, %dma_wait3A_217] : memref<49408x768xf32, #tpu.memory_space<hbm>> -> memref<49408x768xf32, #tpu.memory_space<hbm>>
    tpu.wait_indirect_dma semaphore(%arg15 : memref<!tpu.dma_semaphore, #tpu.memory_space<semaphore_mem>>) src(%dma_wait3A_218 : memref<49408x768xf32, #tpu.memory_space<hbm>>) dst(%arg11 : memref<16x768xf32, #tpu.memory_space<vmem>>)
    %div3A_219 = arith.constant 3 : i32
    %div3A_220 = arith.constant 2 : i32
    %div3A_221 = arith.divsi %div3A_219, %div3A_220 : i32
    %mul3A_222 = arith.constant 768 : i32
    %mul3A_223 = arith.muli %div3A_221, %mul3A_222 : i32
    %multiple_of3A_224 = tpu.assume_multiple %mul3A_223, 16 : i32
    %scan3A_225 = arith.constant 0 : i32
    %scan3A_226 = arith.constant 0 : i32
    %scan3A_227 = arith.constant 48 : i32
    %scan3A_228 = arith.addi %scan3A_226, %scan3A_227 : i32
    %scan3A_229 = arith.constant 1 : i32
    scf.for %scan3A_350 = %scan3A_226 to %scan3A_228 step %scan3A_229  : i32 {
      %mul3A_351 = arith.constant 16 : i32
      %mul3A_352 = arith.muli %scan3A_350, %mul3A_351 : i32
      %multiple_of3A_353 = tpu.assume_multiple %mul3A_352, 16 : i32
      %add3A_354 = arith.addi %multiple_of3A_224, %multiple_of3A_353 : i32
      %get3A_355 = arith.index_cast %add3A_354 : i32 to index
      %get3A_356 = tpu.vector_load %arg7[%get3A_355] {strides = array<i32>} : memref<59136xf32, #tpu.memory_space<vmem>>, vector<16xf32>,
      %get3A_357 = vector.shape_cast %get3A_356 : vector<16xf32> to vector<16xf32>
      %swap3A = arith.constant 0 : i32
      %swap3A_358 = arith.index_cast %swap3A : i32 to index
      %swap3A_359 = arith.index_cast %multiple_of3A_353 : i32 to index
      %swap3A_360 = tpu.vector_load %arg11[%swap3A_358, %swap3A_359] {strides = array<i32>} : memref<16x768xf32, #tpu.memory_space<vmem>>, vector<1x16xf32>,
      %swap3A_361 = vector.shape_cast %swap3A_360 : vector<1x16xf32> to vector<16xf32>
      %swap3A_362 = vector.shape_cast %get3A_357 : vector<16xf32> to vector<1x16xf32>
      tpu.vector_store %arg11[%swap3A_358, %swap3A_359], %swap3A_362 {add = true, strides = array<i32>} : memref<16x768xf32, #tpu.memory_space<vmem>>, vector<1x16xf32>,
      %swap3A_363 = arith.constant 1 : i32
      %swap3A_364 = arith.index_cast %swap3A_363 : i32 to index
      %swap3A_365 = arith.index_cast %multiple_of3A_353 : i32 to index
      %swap3A_366 = tpu.vector_load %arg11[%swap3A_364, %swap3A_365] {strides = array<i32>} : memref<16x768xf32, #tpu.memory_space<vmem>>, vector<1x16xf32>,
      %swap3A_367 = vector.shape_cast %swap3A_366 : vector<1x16xf32> to vector<16xf32>
      %swap3A_368 = vector.shape_cast %get3A_357 : vector<16xf32> to vector<1x16xf32>
      tpu.vector_store %arg11[%swap3A_364, %swap3A_365], %swap3A_368 {add = true, strides = array<i32>} : memref<16x768xf32, #tpu.memory_space<vmem>>, vector<1x16xf32>,
      %swap3A_369 = arith.constant 2 : i32
      %swap3A_370 = arith.index_cast %swap3A_369 : i32 to index
      %swap3A_371 = arith.index_cast %multiple_of3A_353 : i32 to index
      %swap3A_372 = tpu.vector_load %arg11[%swap3A_370, %swap3A_371] {strides = array<i32>} : memref<16x768xf32, #tpu.memory_space<vmem>>, vector<1x16xf32>,
      %swap3A_373 = vector.shape_cast %swap3A_372 : vector<1x16xf32> to vector<16xf32>
      %swap3A_374 = vector.shape_cast %get3A_357 : vector<16xf32> to vector<1x16xf32>
      tpu.vector_store %arg11[%swap3A_370, %swap3A_371], %swap3A_374 {add = true, strides = array<i32>} : memref<16x768xf32, #tpu.memory_space<vmem>>, vector<1x16xf32>,
      %swap3A_375 = arith.constant 3 : i32
      %swap3A_376 = arith.index_cast %swap3A_375 : i32 to index
      %swap3A_377 = arith.index_cast %multiple_of3A_353 : i32 to index
      %swap3A_378 = tpu.vector_load %arg11[%swap3A_376, %swap3A_377] {strides = array<i32>} : memref<16x768xf32, #tpu.memory_space<vmem>>, vector<1x16xf32>,
      %swap3A_379 = vector.shape_cast %swap3A_378 : vector<1x16xf32> to vector<16xf32>
      %swap3A_380 = vector.shape_cast %get3A_357 : vector<16xf32> to vector<1x16xf32>
      tpu.vector_store %arg11[%swap3A_376, %swap3A_377], %swap3A_380 {add = true, strides = array<i32>} : memref<16x768xf32, #tpu.memory_space<vmem>>, vector<1x16xf32>,
      %swap3A_381 = arith.constant 4 : i32
      %swap3A_382 = arith.index_cast %swap3A_381 : i32 to index
      %swap3A_383 = arith.index_cast %multiple_of3A_353 : i32 to index
      %swap3A_384 = tpu.vector_load %arg11[%swap3A_382, %swap3A_383] {strides = array<i32>} : memref<16x768xf32, #tpu.memory_space<vmem>>, vector<1x16xf32>,
      %swap3A_385 = vector.shape_cast %swap3A_384 : vector<1x16xf32> to vector<16xf32>
      %swap3A_386 = vector.shape_cast %get3A_357 : vector<16xf32> to vector<1x16xf32>
      tpu.vector_store %arg11[%swap3A_382, %swap3A_383], %swap3A_386 {add = true, strides = array<i32>} : memref<16x768xf32, #tpu.memory_space<vmem>>, vector<1x16xf32>,
      %swap3A_387 = arith.constant 5 : i32
      %swap3A_388 = arith.index_cast %swap3A_387 : i32 to index
      %swap3A_389 = arith.index_cast %multiple_of3A_353 : i32 to index
      %swap3A_390 = tpu.vector_load %arg11[%swap3A_388, %swap3A_389] {strides = array<i32>} : memref<16x768xf32, #tpu.memory_space<vmem>>, vector<1x16xf32>,
      %swap3A_391 = vector.shape_cast %swap3A_390 : vector<1x16xf32> to vector<16xf32>
      %swap3A_392 = vector.shape_cast %get3A_357 : vector<16xf32> to vector<1x16xf32>
      tpu.vector_store %arg11[%swap3A_388, %swap3A_389], %swap3A_392 {add = true, strides = array<i32>} : memref<16x768xf32, #tpu.memory_space<vmem>>, vector<1x16xf32>,
      %swap3A_393 = arith.constant 6 : i32
      %swap3A_394 = arith.index_cast %swap3A_393 : i32 to index
      %swap3A_395 = arith.index_cast %multiple_of3A_353 : i32 to index
      %swap3A_396 = tpu.vector_load %arg11[%swap3A_394, %swap3A_395] {strides = array<i32>} : memref<16x768xf32, #tpu.memory_space<vmem>>, vector<1x16xf32>,
      %swap3A_397 = vector.shape_cast %swap3A_396 : vector<1x16xf32> to vector<16xf32>
      %swap3A_398 = vector.shape_cast %get3A_357 : vector<16xf32> to vector<1x16xf32>
      tpu.vector_store %arg11[%swap3A_394, %swap3A_395], %swap3A_398 {add = true, strides = array<i32>} : memref<16x768xf32, #tpu.memory_space<vmem>>, vector<1x16xf32>,
      %swap3A_399 = arith.constant 7 : i32
      %swap3A_400 = arith.index_cast %swap3A_399 : i32 to index
      %swap3A_401 = arith.index_cast %multiple_of3A_353 : i32 to index
      %swap3A_402 = tpu.vector_load %arg11[%swap3A_400, %swap3A_401] {strides = array<i32>} : memref<16x768xf32, #tpu.memory_space<vmem>>, vector<1x16xf32>,
      %swap3A_403 = vector.shape_cast %swap3A_402 : vector<1x16xf32> to vector<16xf32>
      %swap3A_404 = vector.shape_cast %get3A_357 : vector<16xf32> to vector<1x16xf32>
      tpu.vector_store %arg11[%swap3A_400, %swap3A_401], %swap3A_404 {add = true, strides = array<i32>} : memref<16x768xf32, #tpu.memory_space<vmem>>, vector<1x16xf32>,
      %swap3A_405 = arith.constant 8 : i32
      %swap3A_406 = arith.index_cast %swap3A_405 : i32 to index
      %swap3A_407 = arith.index_cast %multiple_of3A_353 : i32 to index
      %swap3A_408 = tpu.vector_load %arg11[%swap3A_406, %swap3A_407] {strides = array<i32>} : memref<16x768xf32, #tpu.memory_space<vmem>>, vector<1x16xf32>,
      %swap3A_409 = vector.shape_cast %swap3A_408 : vector<1x16xf32> to vector<16xf32>
      %swap3A_410 = vector.shape_cast %get3A_357 : vector<16xf32> to vector<1x16xf32>
      tpu.vector_store %arg11[%swap3A_406, %swap3A_407], %swap3A_410 {add = true, strides = array<i32>} : memref<16x768xf32, #tpu.memory_space<vmem>>, vector<1x16xf32>,
      %swap3A_411 = arith.constant 9 : i32
      %swap3A_412 = arith.index_cast %swap3A_411 : i32 to index
      %swap3A_413 = arith.index_cast %multiple_of3A_353 : i32 to index
      %swap3A_414 = tpu.vector_load %arg11[%swap3A_412, %swap3A_413] {strides = array<i32>} : memref<16x768xf32, #tpu.memory_space<vmem>>, vector<1x16xf32>,
      %swap3A_415 = vector.shape_cast %swap3A_414 : vector<1x16xf32> to vector<16xf32>
      %swap3A_416 = vector.shape_cast %get3A_357 : vector<16xf32> to vector<1x16xf32>
      tpu.vector_store %arg11[%swap3A_412, %swap3A_413], %swap3A_416 {add = true, strides = array<i32>} : memref<16x768xf32, #tpu.memory_space<vmem>>, vector<1x16xf32>,
      %swap3A_417 = arith.constant 10 : i32
      %swap3A_418 = arith.index_cast %swap3A_417 : i32 to index
      %swap3A_419 = arith.index_cast %multiple_of3A_353 : i32 to index
      %swap3A_420 = tpu.vector_load %arg11[%swap3A_418, %swap3A_419] {strides = array<i32>} : memref<16x768xf32, #tpu.memory_space<vmem>>, vector<1x16xf32>,
      %swap3A_421 = vector.shape_cast %swap3A_420 : vector<1x16xf32> to vector<16xf32>
      %swap3A_422 = vector.shape_cast %get3A_357 : vector<16xf32> to vector<1x16xf32>
      tpu.vector_store %arg11[%swap3A_418, %swap3A_419], %swap3A_422 {add = true, strides = array<i32>} : memref<16x768xf32, #tpu.memory_space<vmem>>, vector<1x16xf32>,
      %swap3A_423 = arith.constant 11 : i32
      %swap3A_424 = arith.index_cast %swap3A_423 : i32 to index
      %swap3A_425 = arith.index_cast %multiple_of3A_353 : i32 to index
      %swap3A_426 = tpu.vector_load %arg11[%swap3A_424, %swap3A_425] {strides = array<i32>} : memref<16x768xf32, #tpu.memory_space<vmem>>, vector<1x16xf32>,
      %swap3A_427 = vector.shape_cast %swap3A_426 : vector<1x16xf32> to vector<16xf32>
      %swap3A_428 = vector.shape_cast %get3A_357 : vector<16xf32> to vector<1x16xf32>
      tpu.vector_store %arg11[%swap3A_424, %swap3A_425], %swap3A_428 {add = true, strides = array<i32>} : memref<16x768xf32, #tpu.memory_space<vmem>>, vector<1x16xf32>,
      %swap3A_429 = arith.constant 12 : i32
      %swap3A_430 = arith.index_cast %swap3A_429 : i32 to index
      %swap3A_431 = arith.index_cast %multiple_of3A_353 : i32 to index
      %swap3A_432 = tpu.vector_load %arg11[%swap3A_430, %swap3A_431] {strides = array<i32>} : memref<16x768xf32, #tpu.memory_space<vmem>>, vector<1x16xf32>,
      %swap3A_433 = vector.shape_cast %swap3A_432 : vector<1x16xf32> to vector<16xf32>
      %swap3A_434 = vector.shape_cast %get3A_357 : vector<16xf32> to vector<1x16xf32>
      tpu.vector_store %arg11[%swap3A_430, %swap3A_431], %swap3A_434 {add = true, strides = array<i32>} : memref<16x768xf32, #tpu.memory_space<vmem>>, vector<1x16xf32>,
      %swap3A_435 = arith.constant 13 : i32
      %swap3A_436 = arith.index_cast %swap3A_435 : i32 to index
      %swap3A_437 = arith.index_cast %multiple_of3A_353 : i32 to index
      %swap3A_438 = tpu.vector_load %arg11[%swap3A_436, %swap3A_437] {strides = array<i32>} : memref<16x768xf32, #tpu.memory_space<vmem>>, vector<1x16xf32>,
      %swap3A_439 = vector.shape_cast %swap3A_438 : vector<1x16xf32> to vector<16xf32>
      %swap3A_440 = vector.shape_cast %get3A_357 : vector<16xf32> to vector<1x16xf32>
      tpu.vector_store %arg11[%swap3A_436, %swap3A_437], %swap3A_440 {add = true, strides = array<i32>} : memref<16x768xf32, #tpu.memory_space<vmem>>, vector<1x16xf32>,
      %swap3A_441 = arith.constant 14 : i32
      %swap3A_442 = arith.index_cast %swap3A_441 : i32 to index
      %swap3A_443 = arith.index_cast %multiple_of3A_353 : i32 to index
      %swap3A_444 = tpu.vector_load %arg11[%swap3A_442, %swap3A_443] {strides = array<i32>} : memref<16x768xf32, #tpu.memory_space<vmem>>, vector<1x16xf32>,
      %swap3A_445 = vector.shape_cast %swap3A_444 : vector<1x16xf32> to vector<16xf32>
      %swap3A_446 = vector.shape_cast %get3A_357 : vector<16xf32> to vector<1x16xf32>
      tpu.vector_store %arg11[%swap3A_442, %swap3A_443], %swap3A_446 {add = true, strides = array<i32>} : memref<16x768xf32, #tpu.memory_space<vmem>>, vector<1x16xf32>,
      %swap3A_447 = arith.constant 15 : i32
      %swap3A_448 = arith.index_cast %swap3A_447 : i32 to index
      %swap3A_449 = arith.index_cast %multiple_of3A_353 : i32 to index
      %swap3A_450 = tpu.vector_load %arg11[%swap3A_448, %swap3A_449] {strides = array<i32>} : memref<16x768xf32, #tpu.memory_space<vmem>>, vector<1x16xf32>,
      %swap3A_451 = vector.shape_cast %swap3A_450 : vector<1x16xf32> to vector<16xf32>
      %swap3A_452 = vector.shape_cast %get3A_357 : vector<16xf32> to vector<1x16xf32>
      tpu.vector_store %arg11[%swap3A_448, %swap3A_449], %swap3A_452 {add = true, strides = array<i32>} : memref<16x768xf32, #tpu.memory_space<vmem>>, vector<1x16xf32>,
    }
    %scan3A_230 = arith.constant 48 : i32
    %div3A_231 = arith.constant 3 : i32
    %div3A_232 = arith.constant 2 : i32
    %div3A_233 = arith.divsi %div3A_231, %div3A_232 : i32
    %rem3A_234 = arith.constant 3 : i32
    %rem3A_235 = arith.constant 2 : i32
    %rem3A_236 = arith.remsi %rem3A_234, %rem3A_235 : i32
    %mul3A_237 = arith.constant 16 : i32
    %mul3A_238 = arith.muli %rem3A_236, %mul3A_237 : i32
    %add3A_239 = arith.addi %mul3A_2, %mul3A_238 : i32
    %dma_start3A_240 = arith.constant 0 : i32
    %dma_start3A_241 = tpu.memref_slice %arg5[%div3A_233, %add3A_239, %dma_start3A_240] : memref<77x1024x768xf32, #tpu.memory_space<hbm>> -> memref<1x16x768xf32, #tpu.memory_space<hbm>>
    %dma_start3A_242 = tpu.memref_squeeze %dma_start3A_241 : memref<1x16x768xf32, #tpu.memory_space<hbm>> -> memref<16x768xf32, #tpu.memory_space<hbm>>
    %dma_start3A_243 = arith.constant 0 : i32
    %dma_start3A_244 = tpu.memref_slice %arg5[%div3A_233, %add3A_239, %dma_start3A_243] : memref<77x1024x768xf32, #tpu.memory_space<hbm>> -> memref<1x16x768xf32, #tpu.memory_space<hbm>>
    %dma_start3A_245 = tpu.memref_squeeze %dma_start3A_244 : memref<1x16x768xf32, #tpu.memory_space<hbm>> -> memref<16x768xf32, #tpu.memory_space<hbm>>
    tpu.enqueue_dma source(%arg11 : memref<16x768xf32, #tpu.memory_space<vmem>>) target(%dma_start3A_245 : memref<16x768xf32, #tpu.memory_space<hbm>>) target_semaphore(%arg19 : memref<!tpu.dma_semaphore, #tpu.memory_space<semaphore_mem>>)
    %scan3A_246 = arith.constant 0 : i32
    %scan3A_247 = arith.constant 1 : i32
    %scan3A_248 = arith.constant 37 : i32
    %scan3A_249 = arith.addi %scan3A_247, %scan3A_248 : i32
    %scan3A_250 = arith.constant 1 : i32
    scf.for %scan3A_350 = %scan3A_247 to %scan3A_249 step %scan3A_250  : i32 {
      %mul3A_351 = arith.constant 4 : i32
      %mul3A_352 = arith.muli %scan3A_350, %mul3A_351 : i32
      %add3A_353 = arith.constant 0 : i32
      %add3A_354 = arith.addi %mul3A_352, %add3A_353 : i32
      %dma_wait3A_355 = arith.constant 0 : i32
      %dma_wait3A_356 = arith.constant 0 : i32
      %dma_wait3A_357 = tpu.memref_slice %arg5[%dma_wait3A_355, %mul3A_2, %dma_wait3A_356] : memref<77x1024x768xf32, #tpu.memory_space<hbm>> -> memref<1x16x768xf32, #tpu.memory_space<hbm>>
      %dma_wait3A_358 = tpu.memref_squeeze %dma_wait3A_357 : memref<1x16x768xf32, #tpu.memory_space<hbm>> -> memref<16x768xf32, #tpu.memory_space<hbm>>
      %dma_wait3A_359 = arith.constant 0 : i32
      %dma_wait3A_360 = tpu.memref_slice %arg5[%dma_wait3A_355, %mul3A_2, %dma_wait3A_359] : memref<77x1024x768xf32, #tpu.memory_space<hbm>> -> memref<1x16x768xf32, #tpu.memory_space<hbm>>
      %dma_wait3A_361 = tpu.memref_squeeze %dma_wait3A_360 : memref<1x16x768xf32, #tpu.memory_space<hbm>> -> memref<16x768xf32, #tpu.memory_space<hbm>>
      tpu.wait_dma2 semaphore(%arg18 : memref<!tpu.dma_semaphore, #tpu.memory_space<semaphore_mem>>) src(%arg10 : memref<16x768xf32, #tpu.memory_space<vmem>>) dst(%dma_wait3A_361 : memref<16x768xf32, #tpu.memory_space<hbm>>)
      %add3A_362 = arith.constant 2 : i32
      %add3A_363 = arith.addi %add3A_354, %add3A_362 : i32
      %div3A_364 = arith.constant 2 : i32
      %div3A_365 = arith.divsi %add3A_363, %div3A_364 : i32
      %rem3A_366 = arith.constant 2 : i32
      %rem3A_367 = arith.remsi %add3A_363, %rem3A_366 : i32
      %mul3A_368 = arith.constant 16 : i32
      %mul3A_369 = arith.muli %rem3A_367, %mul3A_368 : i32
      %multiple_of3A_370 = tpu.assume_multiple %mul3A_369, 16 : i32
      %get3A_371 = arith.index_cast %div3A_365 : i32 to index
      %get3A_372 = arith.index_cast %multiple_of3A_370 : i32 to index
      %get3A_373 = tpu.vector_load %arg6[%get3A_371, %get3A_372] {strides = array<i32>} : memref<77x32xi32, #tpu.memory_space<vmem>>, vector<1x16xi32>,
      %get3A_374 = vector.shape_cast %get3A_373 : vector<1x16xi32> to vector<16xi32>
      %dma_start3A_375 = arith.constant 0 : i32
      %dma_start3A_376 = arith.constant 0 : i32
      %dma_start3A_377 = tpu.memref_slice %arg3[%dma_start3A_375, %dma_start3A_376] : memref<49408x768xf32, #tpu.memory_space<hbm>> -> memref<49408x768xf32, #tpu.memory_space<hbm>>
      tpu.enqueue_indirect_dma source(%dma_start3A_377 : memref<49408x768xf32, #tpu.memory_space<hbm>>) target(%arg10 : memref<16x768xf32, #tpu.memory_space<vmem>>) offsets(%get3A_374 : vector<16xi32>) semaphore(%arg14 : memref<!tpu.dma_semaphore, #tpu.memory_space<semaphore_mem>>)
      %get3A_378 = arith.constant 0 : i32
      %get3A_379 = arith.index_cast %get3A_378 : i32 to index
      %get3A_380 = arith.constant 0 : index
      %get3A_381 = tpu.vector_load %arg6[%get3A_379, %get3A_380] {strides = array<i32>} : memref<77x32xi32, #tpu.memory_space<vmem>>, vector<1x16xi32>,
      %get3A_382 = vector.shape_cast %get3A_381 : vector<1x16xi32> to vector<16xi32>
      %dma_wait3A_383 = arith.constant 0 : i32
      %dma_wait3A_384 = arith.constant 0 : i32
      %dma_wait3A_385 = tpu.memref_slice %arg3[%dma_wait3A_383, %dma_wait3A_384] : memref<49408x768xf32, #tpu.memory_space<hbm>> -> memref<49408x768xf32, #tpu.memory_space<hbm>>
      tpu.wait_indirect_dma semaphore(%arg12 : memref<!tpu.dma_semaphore, #tpu.memory_space<semaphore_mem>>) src(%dma_wait3A_385 : memref<49408x768xf32, #tpu.memory_space<hbm>>) dst(%arg8 : memref<16x768xf32, #tpu.memory_space<vmem>>)
      %div3A_386 = arith.constant 2 : i32
      %div3A_387 = arith.divsi %add3A_354, %div3A_386 : i32
      %mul3A_388 = arith.constant 768 : i32
      %mul3A_389 = arith.muli %div3A_387, %mul3A_388 : i32
      %multiple_of3A_390 = tpu.assume_multiple %mul3A_389, 16 : i32
      %scan3A_391 = arith.constant 0 : i32
      %scan3A_392 = arith.constant 0 : i32
      %scan3A_393 = arith.constant 48 : i32
      %scan3A_394 = arith.addi %scan3A_392, %scan3A_393 : i32
      %scan3A_395 = arith.constant 1 : i32
      scf.for %scan3A_587 = %scan3A_392 to %scan3A_394 step %scan3A_395  : i32 {
        %mul3A_588 = arith.constant 16 : i32
        %mul3A_589 = arith.muli %scan3A_587, %mul3A_588 : i32
        %multiple_of3A_590 = tpu.assume_multiple %mul3A_589, 16 : i32
        %add3A_591 = arith.addi %multiple_of3A_390, %multiple_of3A_590 : i32
        %get3A_592 = arith.index_cast %add3A_591 : i32 to index
        %get3A_593 = tpu.vector_load %arg7[%get3A_592] {strides = array<i32>} : memref<59136xf32, #tpu.memory_space<vmem>>, vector<16xf32>,
        %get3A_594 = vector.shape_cast %get3A_593 : vector<16xf32> to vector<16xf32>
        %swap3A = arith.constant 0 : i32
        %swap3A_595 = arith.index_cast %swap3A : i32 to index
        %swap3A_596 = arith.index_cast %multiple_of3A_590 : i32 to index
        %swap3A_597 = tpu.vector_load %arg8[%swap3A_595, %swap3A_596] {strides = array<i32>} : memref<16x768xf32, #tpu.memory_space<vmem>>, vector<1x16xf32>,
        %swap3A_598 = vector.shape_cast %swap3A_597 : vector<1x16xf32> to vector<16xf32>
        %swap3A_599 = vector.shape_cast %get3A_594 : vector<16xf32> to vector<1x16xf32>
        tpu.vector_store %arg8[%swap3A_595, %swap3A_596], %swap3A_599 {add = true, strides = array<i32>} : memref<16x768xf32, #tpu.memory_space<vmem>>, vector<1x16xf32>,
        %swap3A_600 = arith.constant 1 : i32
        %swap3A_601 = arith.index_cast %swap3A_600 : i32 to index
        %swap3A_602 = arith.index_cast %multiple_of3A_590 : i32 to index
        %swap3A_603 = tpu.vector_load %arg8[%swap3A_601, %swap3A_602] {strides = array<i32>} : memref<16x768xf32, #tpu.memory_space<vmem>>, vector<1x16xf32>,
        %swap3A_604 = vector.shape_cast %swap3A_603 : vector<1x16xf32> to vector<16xf32>
        %swap3A_605 = vector.shape_cast %get3A_594 : vector<16xf32> to vector<1x16xf32>
        tpu.vector_store %arg8[%swap3A_601, %swap3A_602], %swap3A_605 {add = true, strides = array<i32>} : memref<16x768xf32, #tpu.memory_space<vmem>>, vector<1x16xf32>,
        %swap3A_606 = arith.constant 2 : i32
        %swap3A_607 = arith.index_cast %swap3A_606 : i32 to index
        %swap3A_608 = arith.index_cast %multiple_of3A_590 : i32 to index
        %swap3A_609 = tpu.vector_load %arg8[%swap3A_607, %swap3A_608] {strides = array<i32>} : memref<16x768xf32, #tpu.memory_space<vmem>>, vector<1x16xf32>,
        %swap3A_610 = vector.shape_cast %swap3A_609 : vector<1x16xf32> to vector<16xf32>
        %swap3A_611 = vector.shape_cast %get3A_594 : vector<16xf32> to vector<1x16xf32>
        tpu.vector_store %arg8[%swap3A_607, %swap3A_608], %swap3A_611 {add = true, strides = array<i32>} : memref<16x768xf32, #tpu.memory_space<vmem>>, vector<1x16xf32>,
        %swap3A_612 = arith.constant 3 : i32
        %swap3A_613 = arith.index_cast %swap3A_612 : i32 to index
        %swap3A_614 = arith.index_cast %multiple_of3A_590 : i32 to index
        %swap3A_615 = tpu.vector_load %arg8[%swap3A_613, %swap3A_614] {strides = array<i32>} : memref<16x768xf32, #tpu.memory_space<vmem>>, vector<1x16xf32>,
        %swap3A_616 = vector.shape_cast %swap3A_615 : vector<1x16xf32> to vector<16xf32>
        %swap3A_617 = vector.shape_cast %get3A_594 : vector<16xf32> to vector<1x16xf32>
        tpu.vector_store %arg8[%swap3A_613, %swap3A_614], %swap3A_617 {add = true, strides = array<i32>} : memref<16x768xf32, #tpu.memory_space<vmem>>, vector<1x16xf32>,
        %swap3A_618 = arith.constant 4 : i32
        %swap3A_619 = arith.index_cast %swap3A_618 : i32 to index
        %swap3A_620 = arith.index_cast %multiple_of3A_590 : i32 to index
        %swap3A_621 = tpu.vector_load %arg8[%swap3A_619, %swap3A_620] {strides = array<i32>} : memref<16x768xf32, #tpu.memory_space<vmem>>, vector<1x16xf32>,
        %swap3A_622 = vector.shape_cast %swap3A_621 : vector<1x16xf32> to vector<16xf32>
        %swap3A_623 = vector.shape_cast %get3A_594 : vector<16xf32> to vector<1x16xf32>
        tpu.vector_store %arg8[%swap3A_619, %swap3A_620], %swap3A_623 {add = true, strides = array<i32>} : memref<16x768xf32, #tpu.memory_space<vmem>>, vector<1x16xf32>,
        %swap3A_624 = arith.constant 5 : i32
        %swap3A_625 = arith.index_cast %swap3A_624 : i32 to index
        %swap3A_626 = arith.index_cast %multiple_of3A_590 : i32 to index
        %swap3A_627 = tpu.vector_load %arg8[%swap3A_625, %swap3A_626] {strides = array<i32>} : memref<16x768xf32, #tpu.memory_space<vmem>>, vector<1x16xf32>,
        %swap3A_628 = vector.shape_cast %swap3A_627 : vector<1x16xf32> to vector<16xf32>
        %swap3A_629 = vector.shape_cast %get3A_594 : vector<16xf32> to vector<1x16xf32>
        tpu.vector_store %arg8[%swap3A_625, %swap3A_626], %swap3A_629 {add = true, strides = array<i32>} : memref<16x768xf32, #tpu.memory_space<vmem>>, vector<1x16xf32>,
        %swap3A_630 = arith.constant 6 : i32
        %swap3A_631 = arith.index_cast %swap3A_630 : i32 to index
        %swap3A_632 = arith.index_cast %multiple_of3A_590 : i32 to index
        %swap3A_633 = tpu.vector_load %arg8[%swap3A_631, %swap3A_632] {strides = array<i32>} : memref<16x768xf32, #tpu.memory_space<vmem>>, vector<1x16xf32>,
        %swap3A_634 = vector.shape_cast %swap3A_633 : vector<1x16xf32> to vector<16xf32>
        %swap3A_635 = vector.shape_cast %get3A_594 : vector<16xf32> to vector<1x16xf32>
        tpu.vector_store %arg8[%swap3A_631, %swap3A_632], %swap3A_635 {add = true, strides = array<i32>} : memref<16x768xf32, #tpu.memory_space<vmem>>, vector<1x16xf32>,
        %swap3A_636 = arith.constant 7 : i32
        %swap3A_637 = arith.index_cast %swap3A_636 : i32 to index
        %swap3A_638 = arith.index_cast %multiple_of3A_590 : i32 to index
        %swap3A_639 = tpu.vector_load %arg8[%swap3A_637, %swap3A_638] {strides = array<i32>} : memref<16x768xf32, #tpu.memory_space<vmem>>, vector<1x16xf32>,
        %swap3A_640 = vector.shape_cast %swap3A_639 : vector<1x16xf32> to vector<16xf32>
        %swap3A_641 = vector.shape_cast %get3A_594 : vector<16xf32> to vector<1x16xf32>
        tpu.vector_store %arg8[%swap3A_637, %swap3A_638], %swap3A_641 {add = true, strides = array<i32>} : memref<16x768xf32, #tpu.memory_space<vmem>>, vector<1x16xf32>,
        %swap3A_642 = arith.constant 8 : i32
        %swap3A_643 = arith.index_cast %swap3A_642 : i32 to index
        %swap3A_644 = arith.index_cast %multiple_of3A_590 : i32 to index
        %swap3A_645 = tpu.vector_load %arg8[%swap3A_643, %swap3A_644] {strides = array<i32>} : memref<16x768xf32, #tpu.memory_space<vmem>>, vector<1x16xf32>,
        %swap3A_646 = vector.shape_cast %swap3A_645 : vector<1x16xf32> to vector<16xf32>
        %swap3A_647 = vector.shape_cast %get3A_594 : vector<16xf32> to vector<1x16xf32>
        tpu.vector_store %arg8[%swap3A_643, %swap3A_644], %swap3A_647 {add = true, strides = array<i32>} : memref<16x768xf32, #tpu.memory_space<vmem>>, vector<1x16xf32>,
        %swap3A_648 = arith.constant 9 : i32
        %swap3A_649 = arith.index_cast %swap3A_648 : i32 to index
        %swap3A_650 = arith.index_cast %multiple_of3A_590 : i32 to index
        %swap3A_651 = tpu.vector_load %arg8[%swap3A_649, %swap3A_650] {strides = array<i32>} : memref<16x768xf32, #tpu.memory_space<vmem>>, vector<1x16xf32>,
        %swap3A_652 = vector.shape_cast %swap3A_651 : vector<1x16xf32> to vector<16xf32>
        %swap3A_653 = vector.shape_cast %get3A_594 : vector<16xf32> to vector<1x16xf32>
        tpu.vector_store %arg8[%swap3A_649, %swap3A_650], %swap3A_653 {add = true, strides = array<i32>} : memref<16x768xf32, #tpu.memory_space<vmem>>, vector<1x16xf32>,
        %swap3A_654 = arith.constant 10 : i32
        %swap3A_655 = arith.index_cast %swap3A_654 : i32 to index
        %swap3A_656 = arith.index_cast %multiple_of3A_590 : i32 to index
        %swap3A_657 = tpu.vector_load %arg8[%swap3A_655, %swap3A_656] {strides = array<i32>} : memref<16x768xf32, #tpu.memory_space<vmem>>, vector<1x16xf32>,
        %swap3A_658 = vector.shape_cast %swap3A_657 : vector<1x16xf32> to vector<16xf32>
        %swap3A_659 = vector.shape_cast %get3A_594 : vector<16xf32> to vector<1x16xf32>
        tpu.vector_store %arg8[%swap3A_655, %swap3A_656], %swap3A_659 {add = true, strides = array<i32>} : memref<16x768xf32, #tpu.memory_space<vmem>>, vector<1x16xf32>,
        %swap3A_660 = arith.constant 11 : i32
        %swap3A_661 = arith.index_cast %swap3A_660 : i32 to index
        %swap3A_662 = arith.index_cast %multiple_of3A_590 : i32 to index
        %swap3A_663 = tpu.vector_load %arg8[%swap3A_661, %swap3A_662] {strides = array<i32>} : memref<16x768xf32, #tpu.memory_space<vmem>>, vector<1x16xf32>,
        %swap3A_664 = vector.shape_cast %swap3A_663 : vector<1x16xf32> to vector<16xf32>
        %swap3A_665 = vector.shape_cast %get3A_594 : vector<16xf32> to vector<1x16xf32>
        tpu.vector_store %arg8[%swap3A_661, %swap3A_662], %swap3A_665 {add = true, strides = array<i32>} : memref<16x768xf32, #tpu.memory_space<vmem>>, vector<1x16xf32>,
        %swap3A_666 = arith.constant 12 : i32
        %swap3A_667 = arith.index_cast %swap3A_666 : i32 to index
        %swap3A_668 = arith.index_cast %multiple_of3A_590 : i32 to index
        %swap3A_669 = tpu.vector_load %arg8[%swap3A_667, %swap3A_668] {strides = array<i32>} : memref<16x768xf32, #tpu.memory_space<vmem>>, vector<1x16xf32>,
        %swap3A_670 = vector.shape_cast %swap3A_669 : vector<1x16xf32> to vector<16xf32>
        %swap3A_671 = vector.shape_cast %get3A_594 : vector<16xf32> to vector<1x16xf32>
        tpu.vector_store %arg8[%swap3A_667, %swap3A_668], %swap3A_671 {add = true, strides = array<i32>} : memref<16x768xf32, #tpu.memory_space<vmem>>, vector<1x16xf32>,
        %swap3A_672 = arith.constant 13 : i32
        %swap3A_673 = arith.index_cast %swap3A_672 : i32 to index
        %swap3A_674 = arith.index_cast %multiple_of3A_590 : i32 to index
        %swap3A_675 = tpu.vector_load %arg8[%swap3A_673, %swap3A_674] {strides = array<i32>} : memref<16x768xf32, #tpu.memory_space<vmem>>, vector<1x16xf32>,
        %swap3A_676 = vector.shape_cast %swap3A_675 : vector<1x16xf32> to vector<16xf32>
        %swap3A_677 = vector.shape_cast %get3A_594 : vector<16xf32> to vector<1x16xf32>
        tpu.vector_store %arg8[%swap3A_673, %swap3A_674], %swap3A_677 {add = true, strides = array<i32>} : memref<16x768xf32, #tpu.memory_space<vmem>>, vector<1x16xf32>,
        %swap3A_678 = arith.constant 14 : i32
        %swap3A_679 = arith.index_cast %swap3A_678 : i32 to index
        %swap3A_680 = arith.index_cast %multiple_of3A_590 : i32 to index
        %swap3A_681 = tpu.vector_load %arg8[%swap3A_679, %swap3A_680] {strides = array<i32>} : memref<16x768xf32, #tpu.memory_space<vmem>>, vector<1x16xf32>,
        %swap3A_682 = vector.shape_cast %swap3A_681 : vector<1x16xf32> to vector<16xf32>
        %swap3A_683 = vector.shape_cast %get3A_594 : vector<16xf32> to vector<1x16xf32>
        tpu.vector_store %arg8[%swap3A_679, %swap3A_680], %swap3A_683 {add = true, strides = array<i32>} : memref<16x768xf32, #tpu.memory_space<vmem>>, vector<1x16xf32>,
        %swap3A_684 = arith.constant 15 : i32
        %swap3A_685 = arith.index_cast %swap3A_684 : i32 to index
        %swap3A_686 = arith.index_cast %multiple_of3A_590 : i32 to index
        %swap3A_687 = tpu.vector_load %arg8[%swap3A_685, %swap3A_686] {strides = array<i32>} : memref<16x768xf32, #tpu.memory_space<vmem>>, vector<1x16xf32>,
        %swap3A_688 = vector.shape_cast %swap3A_687 : vector<1x16xf32> to vector<16xf32>
        %swap3A_689 = vector.shape_cast %get3A_594 : vector<16xf32> to vector<1x16xf32>
        tpu.vector_store %arg8[%swap3A_685, %swap3A_686], %swap3A_689 {add = true, strides = array<i32>} : memref<16x768xf32, #tpu.memory_space<vmem>>, vector<1x16xf32>,
      }
      %scan3A_396 = arith.constant 48 : i32
      %div3A_397 = arith.constant 2 : i32
      %div3A_398 = arith.divsi %add3A_354, %div3A_397 : i32
      %rem3A_399 = arith.constant 2 : i32
      %rem3A_400 = arith.remsi %add3A_354, %rem3A_399 : i32
      %mul3A_401 = arith.constant 16 : i32
      %mul3A_402 = arith.muli %rem3A_400, %mul3A_401 : i32
      %add3A_403 = arith.addi %mul3A_2, %mul3A_402 : i32
      %dma_start3A_404 = arith.constant 0 : i32
      %dma_start3A_405 = tpu.memref_slice %arg5[%div3A_398, %add3A_403, %dma_start3A_404] : memref<77x1024x768xf32, #tpu.memory_space<hbm>> -> memref<1x16x768xf32, #tpu.memory_space<hbm>>
      %dma_start3A_406 = tpu.memref_squeeze %dma_start3A_405 : memref<1x16x768xf32, #tpu.memory_space<hbm>> -> memref<16x768xf32, #tpu.memory_space<hbm>>
      %dma_start3A_407 = arith.constant 0 : i32
      %dma_start3A_408 = tpu.memref_slice %arg5[%div3A_398, %add3A_403, %dma_start3A_407] : memref<77x1024x768xf32, #tpu.memory_space<hbm>> -> memref<1x16x768xf32, #tpu.memory_space<hbm>>
      %dma_start3A_409 = tpu.memref_squeeze %dma_start3A_408 : memref<1x16x768xf32, #tpu.memory_space<hbm>> -> memref<16x768xf32, #tpu.memory_space<hbm>>
      tpu.enqueue_dma source(%arg8 : memref<16x768xf32, #tpu.memory_space<vmem>>) target(%dma_start3A_409 : memref<16x768xf32, #tpu.memory_space<hbm>>) target_semaphore(%arg16 : memref<!tpu.dma_semaphore, #tpu.memory_space<semaphore_mem>>)
      %mul3A_410 = arith.constant 4 : i32
      %mul3A_411 = arith.muli %scan3A_350, %mul3A_410 : i32
      %add3A_412 = arith.constant 1 : i32
      %add3A_413 = arith.addi %mul3A_411, %add3A_412 : i32
      %dma_wait3A_414 = arith.constant 0 : i32
      %dma_wait3A_415 = arith.constant 0 : i32
      %dma_wait3A_416 = tpu.memref_slice %arg5[%dma_wait3A_414, %mul3A_2, %dma_wait3A_415] : memref<77x1024x768xf32, #tpu.memory_space<hbm>> -> memref<1x16x768xf32, #tpu.memory_space<hbm>>
      %dma_wait3A_417 = tpu.memref_squeeze %dma_wait3A_416 : memref<1x16x768xf32, #tpu.memory_space<hbm>> -> memref<16x768xf32, #tpu.memory_space<hbm>>
      %dma_wait3A_418 = arith.constant 0 : i32
      %dma_wait3A_419 = tpu.memref_slice %arg5[%dma_wait3A_414, %mul3A_2, %dma_wait3A_418] : memref<77x1024x768xf32, #tpu.memory_space<hbm>> -> memref<1x16x768xf32, #tpu.memory_space<hbm>>
      %dma_wait3A_420 = tpu.memref_squeeze %dma_wait3A_419 : memref<1x16x768xf32, #tpu.memory_space<hbm>> -> memref<16x768xf32, #tpu.memory_space<hbm>>
      tpu.wait_dma2 semaphore(%arg19 : memref<!tpu.dma_semaphore, #tpu.memory_space<semaphore_mem>>) src(%arg11 : memref<16x768xf32, #tpu.memory_space<vmem>>) dst(%dma_wait3A_420 : memref<16x768xf32, #tpu.memory_space<hbm>>)
      %add3A_421 = arith.constant 2 : i32
      %add3A_422 = arith.addi %add3A_413, %add3A_421 : i32
      %div3A_423 = arith.constant 2 : i32
      %div3A_424 = arith.divsi %add3A_422, %div3A_423 : i32
      %rem3A_425 = arith.constant 2 : i32
      %rem3A_426 = arith.remsi %add3A_422, %rem3A_425 : i32
      %mul3A_427 = arith.constant 16 : i32
      %mul3A_428 = arith.muli %rem3A_426, %mul3A_427 : i32
      %multiple_of3A_429 = tpu.assume_multiple %mul3A_428, 16 : i32
      %get3A_430 = arith.index_cast %div3A_424 : i32 to index
      %get3A_431 = arith.index_cast %multiple_of3A_429 : i32 to index
      %get3A_432 = tpu.vector_load %arg6[%get3A_430, %get3A_431] {strides = array<i32>} : memref<77x32xi32, #tpu.memory_space<vmem>>, vector<1x16xi32>,
      %get3A_433 = vector.shape_cast %get3A_432 : vector<1x16xi32> to vector<16xi32>
      %dma_start3A_434 = arith.constant 0 : i32
      %dma_start3A_435 = arith.constant 0 : i32
      %dma_start3A_436 = tpu.memref_slice %arg3[%dma_start3A_434, %dma_start3A_435] : memref<49408x768xf32, #tpu.memory_space<hbm>> -> memref<49408x768xf32, #tpu.memory_space<hbm>>
      tpu.enqueue_indirect_dma source(%dma_start3A_436 : memref<49408x768xf32, #tpu.memory_space<hbm>>) target(%arg11 : memref<16x768xf32, #tpu.memory_space<vmem>>) offsets(%get3A_433 : vector<16xi32>) semaphore(%arg15 : memref<!tpu.dma_semaphore, #tpu.memory_space<semaphore_mem>>)
      %get3A_437 = arith.constant 0 : i32
      %get3A_438 = arith.index_cast %get3A_437 : i32 to index
      %get3A_439 = arith.constant 0 : index
      %get3A_440 = tpu.vector_load %arg6[%get3A_438, %get3A_439] {strides = array<i32>} : memref<77x32xi32, #tpu.memory_space<vmem>>, vector<1x16xi32>,
      %get3A_441 = vector.shape_cast %get3A_440 : vector<1x16xi32> to vector<16xi32>
      %dma_wait3A_442 = arith.constant 0 : i32
      %dma_wait3A_443 = arith.constant 0 : i32
      %dma_wait3A_444 = tpu.memref_slice %arg3[%dma_wait3A_442, %dma_wait3A_443] : memref<49408x768xf32, #tpu.memory_space<hbm>> -> memref<49408x768xf32, #tpu.memory_space<hbm>>
      tpu.wait_indirect_dma semaphore(%arg13 : memref<!tpu.dma_semaphore, #tpu.memory_space<semaphore_mem>>) src(%dma_wait3A_444 : memref<49408x768xf32, #tpu.memory_space<hbm>>) dst(%arg9 : memref<16x768xf32, #tpu.memory_space<vmem>>)
      %div3A_445 = arith.constant 2 : i32
      %div3A_446 = arith.divsi %add3A_413, %div3A_445 : i32
      %mul3A_447 = arith.constant 768 : i32
      %mul3A_448 = arith.muli %div3A_446, %mul3A_447 : i32
      %multiple_of3A_449 = tpu.assume_multiple %mul3A_448, 16 : i32
      %scan3A_450 = arith.constant 0 : i32
      %scan3A_451 = arith.constant 0 : i32
      %scan3A_452 = arith.constant 48 : i32
      %scan3A_453 = arith.addi %scan3A_451, %scan3A_452 : i32
      %scan3A_454 = arith.constant 1 : i32
      scf.for %scan3A_587 = %scan3A_451 to %scan3A_453 step %scan3A_454  : i32 {
        %mul3A_588 = arith.constant 16 : i32
        %mul3A_589 = arith.muli %scan3A_587, %mul3A_588 : i32
        %multiple_of3A_590 = tpu.assume_multiple %mul3A_589, 16 : i32
        %add3A_591 = arith.addi %multiple_of3A_449, %multiple_of3A_590 : i32
        %get3A_592 = arith.index_cast %add3A_591 : i32 to index
        %get3A_593 = tpu.vector_load %arg7[%get3A_592] {strides = array<i32>} : memref<59136xf32, #tpu.memory_space<vmem>>, vector<16xf32>,
        %get3A_594 = vector.shape_cast %get3A_593 : vector<16xf32> to vector<16xf32>
        %swap3A = arith.constant 0 : i32
        %swap3A_595 = arith.index_cast %swap3A : i32 to index
        %swap3A_596 = arith.index_cast %multiple_of3A_590 : i32 to index
        %swap3A_597 = tpu.vector_load %arg9[%swap3A_595, %swap3A_596] {strides = array<i32>} : memref<16x768xf32, #tpu.memory_space<vmem>>, vector<1x16xf32>,
        %swap3A_598 = vector.shape_cast %swap3A_597 : vector<1x16xf32> to vector<16xf32>
        %swap3A_599 = vector.shape_cast %get3A_594 : vector<16xf32> to vector<1x16xf32>
        tpu.vector_store %arg9[%swap3A_595, %swap3A_596], %swap3A_599 {add = true, strides = array<i32>} : memref<16x768xf32, #tpu.memory_space<vmem>>, vector<1x16xf32>,
        %swap3A_600 = arith.constant 1 : i32
        %swap3A_601 = arith.index_cast %swap3A_600 : i32 to index
        %swap3A_602 = arith.index_cast %multiple_of3A_590 : i32 to index
        %swap3A_603 = tpu.vector_load %arg9[%swap3A_601, %swap3A_602] {strides = array<i32>} : memref<16x768xf32, #tpu.memory_space<vmem>>, vector<1x16xf32>,
        %swap3A_604 = vector.shape_cast %swap3A_603 : vector<1x16xf32> to vector<16xf32>
        %swap3A_605 = vector.shape_cast %get3A_594 : vector<16xf32> to vector<1x16xf32>
        tpu.vector_store %arg9[%swap3A_601, %swap3A_602], %swap3A_605 {add = true, strides = array<i32>} : memref<16x768xf32, #tpu.memory_space<vmem>>, vector<1x16xf32>,
        %swap3A_606 = arith.constant 2 : i32
        %swap3A_607 = arith.index_cast %swap3A_606 : i32 to index
        %swap3A_608 = arith.index_cast %multiple_of3A_590 : i32 to index
        %swap3A_609 = tpu.vector_load %arg9[%swap3A_607, %swap3A_608] {strides = array<i32>} : memref<16x768xf32, #tpu.memory_space<vmem>>, vector<1x16xf32>,
        %swap3A_610 = vector.shape_cast %swap3A_609 : vector<1x16xf32> to vector<16xf32>
        %swap3A_611 = vector.shape_cast %get3A_594 : vector<16xf32> to vector<1x16xf32>
        tpu.vector_store %arg9[%swap3A_607, %swap3A_608], %swap3A_611 {add = true, strides = array<i32>} : memref<16x768xf32, #tpu.memory_space<vmem>>, vector<1x16xf32>,
        %swap3A_612 = arith.constant 3 : i32
        %swap3A_613 = arith.index_cast %swap3A_612 : i32 to index
        %swap3A_614 = arith.index_cast %multiple_of3A_590 : i32 to index
        %swap3A_615 = tpu.vector_load %arg9[%swap3A_613, %swap3A_614] {strides = array<i32>} : memref<16x768xf32, #tpu.memory_space<vmem>>, vector<1x16xf32>,
        %swap3A_616 = vector.shape_cast %swap3A_615 : vector<1x16xf32> to vector<16xf32>
        %swap3A_617 = vector.shape_cast %get3A_594 : vector<16xf32> to vector<1x16xf32>
        tpu.vector_store %arg9[%swap3A_613, %swap3A_614], %swap3A_617 {add = true, strides = array<i32>} : memref<16x768xf32, #tpu.memory_space<vmem>>, vector<1x16xf32>,
        %swap3A_618 = arith.constant 4 : i32
        %swap3A_619 = arith.index_cast %swap3A_618 : i32 to index
        %swap3A_620 = arith.index_cast %multiple_of3A_590 : i32 to index
        %swap3A_621 = tpu.vector_load %arg9[%swap3A_619, %swap3A_620] {strides = array<i32>} : memref<16x768xf32, #tpu.memory_space<vmem>>, vector<1x16xf32>,
        %swap3A_622 = vector.shape_cast %swap3A_621 : vector<1x16xf32> to vector<16xf32>
        %swap3A_623 = vector.shape_cast %get3A_594 : vector<16xf32> to vector<1x16xf32>
        tpu.vector_store %arg9[%swap3A_619, %swap3A_620], %swap3A_623 {add = true, strides = array<i32>} : memref<16x768xf32, #tpu.memory_space<vmem>>, vector<1x16xf32>,
        %swap3A_624 = arith.constant 5 : i32
        %swap3A_625 = arith.index_cast %swap3A_624 : i32 to index
        %swap3A_626 = arith.index_cast %multiple_of3A_590 : i32 to index
        %swap3A_627 = tpu.vector_load %arg9[%swap3A_625, %swap3A_626] {strides = array<i32>} : memref<16x768xf32, #tpu.memory_space<vmem>>, vector<1x16xf32>,
        %swap3A_628 = vector.shape_cast %swap3A_627 : vector<1x16xf32> to vector<16xf32>
        %swap3A_629 = vector.shape_cast %get3A_594 : vector<16xf32> to vector<1x16xf32>
        tpu.vector_store %arg9[%swap3A_625, %swap3A_626], %swap3A_629 {add = true, strides = array<i32>} : memref<16x768xf32, #tpu.memory_space<vmem>>, vector<1x16xf32>,
        %swap3A_630 = arith.constant 6 : i32
        %swap3A_631 = arith.index_cast %swap3A_630 : i32 to index
        %swap3A_632 = arith.index_cast %multiple_of3A_590 : i32 to index
        %swap3A_633 = tpu.vector_load %arg9[%swap3A_631, %swap3A_632] {strides = array<i32>} : memref<16x768xf32, #tpu.memory_space<vmem>>, vector<1x16xf32>,
        %swap3A_634 = vector.shape_cast %swap3A_633 : vector<1x16xf32> to vector<16xf32>
        %swap3A_635 = vector.shape_cast %get3A_594 : vector<16xf32> to vector<1x16xf32>
        tpu.vector_store %arg9[%swap3A_631, %swap3A_632], %swap3A_635 {add = true, strides = array<i32>} : memref<16x768xf32, #tpu.memory_space<vmem>>, vector<1x16xf32>,
        %swap3A_636 = arith.constant 7 : i32
        %swap3A_637 = arith.index_cast %swap3A_636 : i32 to index
        %swap3A_638 = arith.index_cast %multiple_of3A_590 : i32 to index
        %swap3A_639 = tpu.vector_load %arg9[%swap3A_637, %swap3A_638] {strides = array<i32>} : memref<16x768xf32, #tpu.memory_space<vmem>>, vector<1x16xf32>,
        %swap3A_640 = vector.shape_cast %swap3A_639 : vector<1x16xf32> to vector<16xf32>
        %swap3A_641 = vector.shape_cast %get3A_594 : vector<16xf32> to vector<1x16xf32>
        tpu.vector_store %arg9[%swap3A_637, %swap3A_638], %swap3A_641 {add = true, strides = array<i32>} : memref<16x768xf32, #tpu.memory_space<vmem>>, vector<1x16xf32>,
        %swap3A_642 = arith.constant 8 : i32
        %swap3A_643 = arith.index_cast %swap3A_642 : i32 to index
        %swap3A_644 = arith.index_cast %multiple_of3A_590 : i32 to index
        %swap3A_645 = tpu.vector_load %arg9[%swap3A_643, %swap3A_644] {strides = array<i32>} : memref<16x768xf32, #tpu.memory_space<vmem>>, vector<1x16xf32>,
        %swap3A_646 = vector.shape_cast %swap3A_645 : vector<1x16xf32> to vector<16xf32>
        %swap3A_647 = vector.shape_cast %get3A_594 : vector<16xf32> to vector<1x16xf32>
        tpu.vector_store %arg9[%swap3A_643, %swap3A_644], %swap3A_647 {add = true, strides = array<i32>} : memref<16x768xf32, #tpu.memory_space<vmem>>, vector<1x16xf32>,
        %swap3A_648 = arith.constant 9 : i32
        %swap3A_649 = arith.index_cast %swap3A_648 : i32 to index
        %swap3A_650 = arith.index_cast %multiple_of3A_590 : i32 to index
        %swap3A_651 = tpu.vector_load %arg9[%swap3A_649, %swap3A_650] {strides = array<i32>} : memref<16x768xf32, #tpu.memory_space<vmem>>, vector<1x16xf32>,
        %swap3A_652 = vector.shape_cast %swap3A_651 : vector<1x16xf32> to vector<16xf32>
        %swap3A_653 = vector.shape_cast %get3A_594 : vector<16xf32> to vector<1x16xf32>
        tpu.vector_store %arg9[%swap3A_649, %swap3A_650], %swap3A_653 {add = true, strides = array<i32>} : memref<16x768xf32, #tpu.memory_space<vmem>>, vector<1x16xf32>,
        %swap3A_654 = arith.constant 10 : i32
        %swap3A_655 = arith.index_cast %swap3A_654 : i32 to index
        %swap3A_656 = arith.index_cast %multiple_of3A_590 : i32 to index
        %swap3A_657 = tpu.vector_load %arg9[%swap3A_655, %swap3A_656] {strides = array<i32>} : memref<16x768xf32, #tpu.memory_space<vmem>>, vector<1x16xf32>,
        %swap3A_658 = vector.shape_cast %swap3A_657 : vector<1x16xf32> to vector<16xf32>
        %swap3A_659 = vector.shape_cast %get3A_594 : vector<16xf32> to vector<1x16xf32>
        tpu.vector_store %arg9[%swap3A_655, %swap3A_656], %swap3A_659 {add = true, strides = array<i32>} : memref<16x768xf32, #tpu.memory_space<vmem>>, vector<1x16xf32>,
        %swap3A_660 = arith.constant 11 : i32
        %swap3A_661 = arith.index_cast %swap3A_660 : i32 to index
        %swap3A_662 = arith.index_cast %multiple_of3A_590 : i32 to index
        %swap3A_663 = tpu.vector_load %arg9[%swap3A_661, %swap3A_662] {strides = array<i32>} : memref<16x768xf32, #tpu.memory_space<vmem>>, vector<1x16xf32>,
        %swap3A_664 = vector.shape_cast %swap3A_663 : vector<1x16xf32> to vector<16xf32>
        %swap3A_665 = vector.shape_cast %get3A_594 : vector<16xf32> to vector<1x16xf32>
        tpu.vector_store %arg9[%swap3A_661, %swap3A_662], %swap3A_665 {add = true, strides = array<i32>} : memref<16x768xf32, #tpu.memory_space<vmem>>, vector<1x16xf32>,
        %swap3A_666 = arith.constant 12 : i32
        %swap3A_667 = arith.index_cast %swap3A_666 : i32 to index
        %swap3A_668 = arith.index_cast %multiple_of3A_590 : i32 to index
        %swap3A_669 = tpu.vector_load %arg9[%swap3A_667, %swap3A_668] {strides = array<i32>} : memref<16x768xf32, #tpu.memory_space<vmem>>, vector<1x16xf32>,
        %swap3A_670 = vector.shape_cast %swap3A_669 : vector<1x16xf32> to vector<16xf32>
        %swap3A_671 = vector.shape_cast %get3A_594 : vector<16xf32> to vector<1x16xf32>
        tpu.vector_store %arg9[%swap3A_667, %swap3A_668], %swap3A_671 {add = true, strides = array<i32>} : memref<16x768xf32, #tpu.memory_space<vmem>>, vector<1x16xf32>,
        %swap3A_672 = arith.constant 13 : i32
        %swap3A_673 = arith.index_cast %swap3A_672 : i32 to index
        %swap3A_674 = arith.index_cast %multiple_of3A_590 : i32 to index
        %swap3A_675 = tpu.vector_load %arg9[%swap3A_673, %swap3A_674] {strides = array<i32>} : memref<16x768xf32, #tpu.memory_space<vmem>>, vector<1x16xf32>,
        %swap3A_676 = vector.shape_cast %swap3A_675 : vector<1x16xf32> to vector<16xf32>
        %swap3A_677 = vector.shape_cast %get3A_594 : vector<16xf32> to vector<1x16xf32>
        tpu.vector_store %arg9[%swap3A_673, %swap3A_674], %swap3A_677 {add = true, strides = array<i32>} : memref<16x768xf32, #tpu.memory_space<vmem>>, vector<1x16xf32>,
        %swap3A_678 = arith.constant 14 : i32
        %swap3A_679 = arith.index_cast %swap3A_678 : i32 to index
        %swap3A_680 = arith.index_cast %multiple_of3A_590 : i32 to index
        %swap3A_681 = tpu.vector_load %arg9[%swap3A_679, %swap3A_680] {strides = array<i32>} : memref<16x768xf32, #tpu.memory_space<vmem>>, vector<1x16xf32>,
        %swap3A_682 = vector.shape_cast %swap3A_681 : vector<1x16xf32> to vector<16xf32>
        %swap3A_683 = vector.shape_cast %get3A_594 : vector<16xf32> to vector<1x16xf32>
        tpu.vector_store %arg9[%swap3A_679, %swap3A_680], %swap3A_683 {add = true, strides = array<i32>} : memref<16x768xf32, #tpu.memory_space<vmem>>, vector<1x16xf32>,
        %swap3A_684 = arith.constant 15 : i32
        %swap3A_685 = arith.index_cast %swap3A_684 : i32 to index
        %swap3A_686 = arith.index_cast %multiple_of3A_590 : i32 to index
        %swap3A_687 = tpu.vector_load %arg9[%swap3A_685, %swap3A_686] {strides = array<i32>} : memref<16x768xf32, #tpu.memory_space<vmem>>, vector<1x16xf32>,
        %swap3A_688 = vector.shape_cast %swap3A_687 : vector<1x16xf32> to vector<16xf32>
        %swap3A_689 = vector.shape_cast %get3A_594 : vector<16xf32> to vector<1x16xf32>
        tpu.vector_store %arg9[%swap3A_685, %swap3A_686], %swap3A_689 {add = true, strides = array<i32>} : memref<16x768xf32, #tpu.memory_space<vmem>>, vector<1x16xf32>,
      }
      %scan3A_455 = arith.constant 48 : i32
      %div3A_456 = arith.constant 2 : i32
      %div3A_457 = arith.divsi %add3A_413, %div3A_456 : i32
      %rem3A_458 = arith.constant 2 : i32
      %rem3A_459 = arith.remsi %add3A_413, %rem3A_458 : i32
      %mul3A_460 = arith.constant 16 : i32
      %mul3A_461 = arith.muli %rem3A_459, %mul3A_460 : i32
      %add3A_462 = arith.addi %mul3A_2, %mul3A_461 : i32
      %dma_start3A_463 = arith.constant 0 : i32
      %dma_start3A_464 = tpu.memref_slice %arg5[%div3A_457, %add3A_462, %dma_start3A_463] : memref<77x1024x768xf32, #tpu.memory_space<hbm>> -> memref<1x16x768xf32, #tpu.memory_space<hbm>>
      %dma_start3A_465 = tpu.memref_squeeze %dma_start3A_464 : memref<1x16x768xf32, #tpu.memory_space<hbm>> -> memref<16x768xf32, #tpu.memory_space<hbm>>
      %dma_start3A_466 = arith.constant 0 : i32
      %dma_start3A_467 = tpu.memref_slice %arg5[%div3A_457, %add3A_462, %dma_start3A_466] : memref<77x1024x768xf32, #tpu.memory_space<hbm>> -> memref<1x16x768xf32, #tpu.memory_space<hbm>>
      %dma_start3A_468 = tpu.memref_squeeze %dma_start3A_467 : memref<1x16x768xf32, #tpu.memory_space<hbm>> -> memref<16x768xf32, #tpu.memory_space<hbm>>
      tpu.enqueue_dma source(%arg9 : memref<16x768xf32, #tpu.memory_space<vmem>>) target(%dma_start3A_468 : memref<16x768xf32, #tpu.memory_space<hbm>>) target_semaphore(%arg17 : memref<!tpu.dma_semaphore, #tpu.memory_space<semaphore_mem>>)
      %mul3A_469 = arith.constant 4 : i32
      %mul3A_470 = arith.muli %scan3A_350, %mul3A_469 : i32
      %add3A_471 = arith.constant 2 : i32
      %add3A_472 = arith.addi %mul3A_470, %add3A_471 : i32
      %dma_wait3A_473 = arith.constant 0 : i32
      %dma_wait3A_474 = arith.constant 0 : i32
      %dma_wait3A_475 = tpu.memref_slice %arg5[%dma_wait3A_473, %mul3A_2, %dma_wait3A_474] : memref<77x1024x768xf32, #tpu.memory_space<hbm>> -> memref<1x16x768xf32, #tpu.memory_space<hbm>>
      %dma_wait3A_476 = tpu.memref_squeeze %dma_wait3A_475 : memref<1x16x768xf32, #tpu.memory_space<hbm>> -> memref<16x768xf32, #tpu.memory_space<hbm>>
      %dma_wait3A_477 = arith.constant 0 : i32
      %dma_wait3A_478 = tpu.memref_slice %arg5[%dma_wait3A_473, %mul3A_2, %dma_wait3A_477] : memref<77x1024x768xf32, #tpu.memory_space<hbm>> -> memref<1x16x768xf32, #tpu.memory_space<hbm>>
      %dma_wait3A_479 = tpu.memref_squeeze %dma_wait3A_478 : memref<1x16x768xf32, #tpu.memory_space<hbm>> -> memref<16x768xf32, #tpu.memory_space<hbm>>
      tpu.wait_dma2 semaphore(%arg16 : memref<!tpu.dma_semaphore, #tpu.memory_space<semaphore_mem>>) src(%arg8 : memref<16x768xf32, #tpu.memory_space<vmem>>) dst(%dma_wait3A_479 : memref<16x768xf32, #tpu.memory_space<hbm>>)
      %add3A_480 = arith.constant 2 : i32
      %add3A_481 = arith.addi %add3A_472, %add3A_480 : i32
      %div3A_482 = arith.constant 2 : i32
      %div3A_483 = arith.divsi %add3A_481, %div3A_482 : i32
      %rem3A_484 = arith.constant 2 : i32
      %rem3A_485 = arith.remsi %add3A_481, %rem3A_484 : i32
      %mul3A_486 = arith.constant 16 : i32
      %mul3A_487 = arith.muli %rem3A_485, %mul3A_486 : i32
      %multiple_of3A_488 = tpu.assume_multiple %mul3A_487, 16 : i32
      %get3A_489 = arith.index_cast %div3A_483 : i32 to index
      %get3A_490 = arith.index_cast %multiple_of3A_488 : i32 to index
      %get3A_491 = tpu.vector_load %arg6[%get3A_489, %get3A_490] {strides = array<i32>} : memref<77x32xi32, #tpu.memory_space<vmem>>, vector<1x16xi32>,
      %get3A_492 = vector.shape_cast %get3A_491 : vector<1x16xi32> to vector<16xi32>
      %dma_start3A_493 = arith.constant 0 : i32
      %dma_start3A_494 = arith.constant 0 : i32
      %dma_start3A_495 = tpu.memref_slice %arg3[%dma_start3A_493, %dma_start3A_494] : memref<49408x768xf32, #tpu.memory_space<hbm>> -> memref<49408x768xf32, #tpu.memory_space<hbm>>
      tpu.enqueue_indirect_dma source(%dma_start3A_495 : memref<49408x768xf32, #tpu.memory_space<hbm>>) target(%arg8 : memref<16x768xf32, #tpu.memory_space<vmem>>) offsets(%get3A_492 : vector<16xi32>) semaphore(%arg12 : memref<!tpu.dma_semaphore, #tpu.memory_space<semaphore_mem>>)
      %get3A_496 = arith.constant 0 : i32
      %get3A_497 = arith.index_cast %get3A_496 : i32 to index
      %get3A_498 = arith.constant 0 : index
      %get3A_499 = tpu.vector_load %arg6[%get3A_497, %get3A_498] {strides = array<i32>} : memref<77x32xi32, #tpu.memory_space<vmem>>, vector<1x16xi32>,
      %get3A_500 = vector.shape_cast %get3A_499 : vector<1x16xi32> to vector<16xi32>
      %dma_wait3A_501 = arith.constant 0 : i32
      %dma_wait3A_502 = arith.constant 0 : i32
      %dma_wait3A_503 = tpu.memref_slice %arg3[%dma_wait3A_501, %dma_wait3A_502] : memref<49408x768xf32, #tpu.memory_space<hbm>> -> memref<49408x768xf32, #tpu.memory_space<hbm>>
      tpu.wait_indirect_dma semaphore(%arg14 : memref<!tpu.dma_semaphore, #tpu.memory_space<semaphore_mem>>) src(%dma_wait3A_503 : memref<49408x768xf32, #tpu.memory_space<hbm>>) dst(%arg10 : memref<16x768xf32, #tpu.memory_space<vmem>>)
      %div3A_504 = arith.constant 2 : i32
      %div3A_505 = arith.divsi %add3A_472, %div3A_504 : i32
      %mul3A_506 = arith.constant 768 : i32
      %mul3A_507 = arith.muli %div3A_505, %mul3A_506 : i32
      %multiple_of3A_508 = tpu.assume_multiple %mul3A_507, 16 : i32
      %scan3A_509 = arith.constant 0 : i32
      %scan3A_510 = arith.constant 0 : i32
      %scan3A_511 = arith.constant 48 : i32
      %scan3A_512 = arith.addi %scan3A_510, %scan3A_511 : i32
      %scan3A_513 = arith.constant 1 : i32
      scf.for %scan3A_587 = %scan3A_510 to %scan3A_512 step %scan3A_513  : i32 {
        %mul3A_588 = arith.constant 16 : i32
        %mul3A_589 = arith.muli %scan3A_587, %mul3A_588 : i32
        %multiple_of3A_590 = tpu.assume_multiple %mul3A_589, 16 : i32
        %add3A_591 = arith.addi %multiple_of3A_508, %multiple_of3A_590 : i32
        %get3A_592 = arith.index_cast %add3A_591 : i32 to index
        %get3A_593 = tpu.vector_load %arg7[%get3A_592] {strides = array<i32>} : memref<59136xf32, #tpu.memory_space<vmem>>, vector<16xf32>,
        %get3A_594 = vector.shape_cast %get3A_593 : vector<16xf32> to vector<16xf32>
        %swap3A = arith.constant 0 : i32
        %swap3A_595 = arith.index_cast %swap3A : i32 to index
        %swap3A_596 = arith.index_cast %multiple_of3A_590 : i32 to index
        %swap3A_597 = tpu.vector_load %arg10[%swap3A_595, %swap3A_596] {strides = array<i32>} : memref<16x768xf32, #tpu.memory_space<vmem>>, vector<1x16xf32>,
        %swap3A_598 = vector.shape_cast %swap3A_597 : vector<1x16xf32> to vector<16xf32>
        %swap3A_599 = vector.shape_cast %get3A_594 : vector<16xf32> to vector<1x16xf32>
        tpu.vector_store %arg10[%swap3A_595, %swap3A_596], %swap3A_599 {add = true, strides = array<i32>} : memref<16x768xf32, #tpu.memory_space<vmem>>, vector<1x16xf32>,
        %swap3A_600 = arith.constant 1 : i32
        %swap3A_601 = arith.index_cast %swap3A_600 : i32 to index
        %swap3A_602 = arith.index_cast %multiple_of3A_590 : i32 to index
        %swap3A_603 = tpu.vector_load %arg10[%swap3A_601, %swap3A_602] {strides = array<i32>} : memref<16x768xf32, #tpu.memory_space<vmem>>, vector<1x16xf32>,
        %swap3A_604 = vector.shape_cast %swap3A_603 : vector<1x16xf32> to vector<16xf32>
        %swap3A_605 = vector.shape_cast %get3A_594 : vector<16xf32> to vector<1x16xf32>
        tpu.vector_store %arg10[%swap3A_601, %swap3A_602], %swap3A_605 {add = true, strides = array<i32>} : memref<16x768xf32, #tpu.memory_space<vmem>>, vector<1x16xf32>,
        %swap3A_606 = arith.constant 2 : i32
        %swap3A_607 = arith.index_cast %swap3A_606 : i32 to index
        %swap3A_608 = arith.index_cast %multiple_of3A_590 : i32 to index
        %swap3A_609 = tpu.vector_load %arg10[%swap3A_607, %swap3A_608] {strides = array<i32>} : memref<16x768xf32, #tpu.memory_space<vmem>>, vector<1x16xf32>,
        %swap3A_610 = vector.shape_cast %swap3A_609 : vector<1x16xf32> to vector<16xf32>
        %swap3A_611 = vector.shape_cast %get3A_594 : vector<16xf32> to vector<1x16xf32>
        tpu.vector_store %arg10[%swap3A_607, %swap3A_608], %swap3A_611 {add = true, strides = array<i32>} : memref<16x768xf32, #tpu.memory_space<vmem>>, vector<1x16xf32>,
        %swap3A_612 = arith.constant 3 : i32
        %swap3A_613 = arith.index_cast %swap3A_612 : i32 to index
        %swap3A_614 = arith.index_cast %multiple_of3A_590 : i32 to index
        %swap3A_615 = tpu.vector_load %arg10[%swap3A_613, %swap3A_614] {strides = array<i32>} : memref<16x768xf32, #tpu.memory_space<vmem>>, vector<1x16xf32>,
        %swap3A_616 = vector.shape_cast %swap3A_615 : vector<1x16xf32> to vector<16xf32>
        %swap3A_617 = vector.shape_cast %get3A_594 : vector<16xf32> to vector<1x16xf32>
        tpu.vector_store %arg10[%swap3A_613, %swap3A_614], %swap3A_617 {add = true, strides = array<i32>} : memref<16x768xf32, #tpu.memory_space<vmem>>, vector<1x16xf32>,
        %swap3A_618 = arith.constant 4 : i32
        %swap3A_619 = arith.index_cast %swap3A_618 : i32 to index
        %swap3A_620 = arith.index_cast %multiple_of3A_590 : i32 to index
        %swap3A_621 = tpu.vector_load %arg10[%swap3A_619, %swap3A_620] {strides = array<i32>} : memref<16x768xf32, #tpu.memory_space<vmem>>, vector<1x16xf32>,
        %swap3A_622 = vector.shape_cast %swap3A_621 : vector<1x16xf32> to vector<16xf32>
        %swap3A_623 = vector.shape_cast %get3A_594 : vector<16xf32> to vector<1x16xf32>
        tpu.vector_store %arg10[%swap3A_619, %swap3A_620], %swap3A_623 {add = true, strides = array<i32>} : memref<16x768xf32, #tpu.memory_space<vmem>>, vector<1x16xf32>,
        %swap3A_624 = arith.constant 5 : i32
        %swap3A_625 = arith.index_cast %swap3A_624 : i32 to index
        %swap3A_626 = arith.index_cast %multiple_of3A_590 : i32 to index
        %swap3A_627 = tpu.vector_load %arg10[%swap3A_625, %swap3A_626] {strides = array<i32>} : memref<16x768xf32, #tpu.memory_space<vmem>>, vector<1x16xf32>,
        %swap3A_628 = vector.shape_cast %swap3A_627 : vector<1x16xf32> to vector<16xf32>
        %swap3A_629 = vector.shape_cast %get3A_594 : vector<16xf32> to vector<1x16xf32>
        tpu.vector_store %arg10[%swap3A_625, %swap3A_626], %swap3A_629 {add = true, strides = array<i32>} : memref<16x768xf32, #tpu.memory_space<vmem>>, vector<1x16xf32>,
        %swap3A_630 = arith.constant 6 : i32
        %swap3A_631 = arith.index_cast %swap3A_630 : i32 to index
        %swap3A_632 = arith.index_cast %multiple_of3A_590 : i32 to index
        %swap3A_633 = tpu.vector_load %arg10[%swap3A_631, %swap3A_632] {strides = array<i32>} : memref<16x768xf32, #tpu.memory_space<vmem>>, vector<1x16xf32>,
        %swap3A_634 = vector.shape_cast %swap3A_633 : vector<1x16xf32> to vector<16xf32>
        %swap3A_635 = vector.shape_cast %get3A_594 : vector<16xf32> to vector<1x16xf32>
        tpu.vector_store %arg10[%swap3A_631, %swap3A_632], %swap3A_635 {add = true, strides = array<i32>} : memref<16x768xf32, #tpu.memory_space<vmem>>, vector<1x16xf32>,
        %swap3A_636 = arith.constant 7 : i32
        %swap3A_637 = arith.index_cast %swap3A_636 : i32 to index
        %swap3A_638 = arith.index_cast %multiple_of3A_590 : i32 to index
        %swap3A_639 = tpu.vector_load %arg10[%swap3A_637, %swap3A_638] {strides = array<i32>} : memref<16x768xf32, #tpu.memory_space<vmem>>, vector<1x16xf32>,
        %swap3A_640 = vector.shape_cast %swap3A_639 : vector<1x16xf32> to vector<16xf32>
        %swap3A_641 = vector.shape_cast %get3A_594 : vector<16xf32> to vector<1x16xf32>
        tpu.vector_store %arg10[%swap3A_637, %swap3A_638], %swap3A_641 {add = true, strides = array<i32>} : memref<16x768xf32, #tpu.memory_space<vmem>>, vector<1x16xf32>,
        %swap3A_642 = arith.constant 8 : i32
        %swap3A_643 = arith.index_cast %swap3A_642 : i32 to index
        %swap3A_644 = arith.index_cast %multiple_of3A_590 : i32 to index
        %swap3A_645 = tpu.vector_load %arg10[%swap3A_643, %swap3A_644] {strides = array<i32>} : memref<16x768xf32, #tpu.memory_space<vmem>>, vector<1x16xf32>,
        %swap3A_646 = vector.shape_cast %swap3A_645 : vector<1x16xf32> to vector<16xf32>
        %swap3A_647 = vector.shape_cast %get3A_594 : vector<16xf32> to vector<1x16xf32>
        tpu.vector_store %arg10[%swap3A_643, %swap3A_644], %swap3A_647 {add = true, strides = array<i32>} : memref<16x768xf32, #tpu.memory_space<vmem>>, vector<1x16xf32>,
        %swap3A_648 = arith.constant 9 : i32
        %swap3A_649 = arith.index_cast %swap3A_648 : i32 to index
        %swap3A_650 = arith.index_cast %multiple_of3A_590 : i32 to index
        %swap3A_651 = tpu.vector_load %arg10[%swap3A_649, %swap3A_650] {strides = array<i32>} : memref<16x768xf32, #tpu.memory_space<vmem>>, vector<1x16xf32>,
        %swap3A_652 = vector.shape_cast %swap3A_651 : vector<1x16xf32> to vector<16xf32>
        %swap3A_653 = vector.shape_cast %get3A_594 : vector<16xf32> to vector<1x16xf32>
        tpu.vector_store %arg10[%swap3A_649, %swap3A_650], %swap3A_653 {add = true, strides = array<i32>} : memref<16x768xf32, #tpu.memory_space<vmem>>, vector<1x16xf32>,
        %swap3A_654 = arith.constant 10 : i32
        %swap3A_655 = arith.index_cast %swap3A_654 : i32 to index
        %swap3A_656 = arith.index_cast %multiple_of3A_590 : i32 to index
        %swap3A_657 = tpu.vector_load %arg10[%swap3A_655, %swap3A_656] {strides = array<i32>} : memref<16x768xf32, #tpu.memory_space<vmem>>, vector<1x16xf32>,
        %swap3A_658 = vector.shape_cast %swap3A_657 : vector<1x16xf32> to vector<16xf32>
        %swap3A_659 = vector.shape_cast %get3A_594 : vector<16xf32> to vector<1x16xf32>
        tpu.vector_store %arg10[%swap3A_655, %swap3A_656], %swap3A_659 {add = true, strides = array<i32>} : memref<16x768xf32, #tpu.memory_space<vmem>>, vector<1x16xf32>,
        %swap3A_660 = arith.constant 11 : i32
        %swap3A_661 = arith.index_cast %swap3A_660 : i32 to index
        %swap3A_662 = arith.index_cast %multiple_of3A_590 : i32 to index
        %swap3A_663 = tpu.vector_load %arg10[%swap3A_661, %swap3A_662] {strides = array<i32>} : memref<16x768xf32, #tpu.memory_space<vmem>>, vector<1x16xf32>,
        %swap3A_664 = vector.shape_cast %swap3A_663 : vector<1x16xf32> to vector<16xf32>
        %swap3A_665 = vector.shape_cast %get3A_594 : vector<16xf32> to vector<1x16xf32>
        tpu.vector_store %arg10[%swap3A_661, %swap3A_662], %swap3A_665 {add = true, strides = array<i32>} : memref<16x768xf32, #tpu.memory_space<vmem>>, vector<1x16xf32>,
        %swap3A_666 = arith.constant 12 : i32
        %swap3A_667 = arith.index_cast %swap3A_666 : i32 to index
        %swap3A_668 = arith.index_cast %multiple_of3A_590 : i32 to index
        %swap3A_669 = tpu.vector_load %arg10[%swap3A_667, %swap3A_668] {strides = array<i32>} : memref<16x768xf32, #tpu.memory_space<vmem>>, vector<1x16xf32>,
        %swap3A_670 = vector.shape_cast %swap3A_669 : vector<1x16xf32> to vector<16xf32>
        %swap3A_671 = vector.shape_cast %get3A_594 : vector<16xf32> to vector<1x16xf32>
        tpu.vector_store %arg10[%swap3A_667, %swap3A_668], %swap3A_671 {add = true, strides = array<i32>} : memref<16x768xf32, #tpu.memory_space<vmem>>, vector<1x16xf32>,
        %swap3A_672 = arith.constant 13 : i32
        %swap3A_673 = arith.index_cast %swap3A_672 : i32 to index
        %swap3A_674 = arith.index_cast %multiple_of3A_590 : i32 to index
        %swap3A_675 = tpu.vector_load %arg10[%swap3A_673, %swap3A_674] {strides = array<i32>} : memref<16x768xf32, #tpu.memory_space<vmem>>, vector<1x16xf32>,
        %swap3A_676 = vector.shape_cast %swap3A_675 : vector<1x16xf32> to vector<16xf32>
        %swap3A_677 = vector.shape_cast %get3A_594 : vector<16xf32> to vector<1x16xf32>
        tpu.vector_store %arg10[%swap3A_673, %swap3A_674], %swap3A_677 {add = true, strides = array<i32>} : memref<16x768xf32, #tpu.memory_space<vmem>>, vector<1x16xf32>,
        %swap3A_678 = arith.constant 14 : i32
        %swap3A_679 = arith.index_cast %swap3A_678 : i32 to index
        %swap3A_680 = arith.index_cast %multiple_of3A_590 : i32 to index
        %swap3A_681 = tpu.vector_load %arg10[%swap3A_679, %swap3A_680] {strides = array<i32>} : memref<16x768xf32, #tpu.memory_space<vmem>>, vector<1x16xf32>,
        %swap3A_682 = vector.shape_cast %swap3A_681 : vector<1x16xf32> to vector<16xf32>
        %swap3A_683 = vector.shape_cast %get3A_594 : vector<16xf32> to vector<1x16xf32>
        tpu.vector_store %arg10[%swap3A_679, %swap3A_680], %swap3A_683 {add = true, strides = array<i32>} : memref<16x768xf32, #tpu.memory_space<vmem>>, vector<1x16xf32>,
        %swap3A_684 = arith.constant 15 : i32
        %swap3A_685 = arith.index_cast %swap3A_684 : i32 to index
        %swap3A_686 = arith.index_cast %multiple_of3A_590 : i32 to index
        %swap3A_687 = tpu.vector_load %arg10[%swap3A_685, %swap3A_686] {strides = array<i32>} : memref<16x768xf32, #tpu.memory_space<vmem>>, vector<1x16xf32>,
        %swap3A_688 = vector.shape_cast %swap3A_687 : vector<1x16xf32> to vector<16xf32>
        %swap3A_689 = vector.shape_cast %get3A_594 : vector<16xf32> to vector<1x16xf32>
        tpu.vector_store %arg10[%swap3A_685, %swap3A_686], %swap3A_689 {add = true, strides = array<i32>} : memref<16x768xf32, #tpu.memory_space<vmem>>, vector<1x16xf32>,
      }
      %scan3A_514 = arith.constant 48 : i32
      %div3A_515 = arith.constant 2 : i32
      %div3A_516 = arith.divsi %add3A_472, %div3A_515 : i32
      %rem3A_517 = arith.constant 2 : i32
      %rem3A_518 = arith.remsi %add3A_472, %rem3A_517 : i32
      %mul3A_519 = arith.constant 16 : i32
      %mul3A_520 = arith.muli %rem3A_518, %mul3A_519 : i32
      %add3A_521 = arith.addi %mul3A_2, %mul3A_520 : i32
      %dma_start3A_522 = arith.constant 0 : i32
      %dma_start3A_523 = tpu.memref_slice %arg5[%div3A_516, %add3A_521, %dma_start3A_522] : memref<77x1024x768xf32, #tpu.memory_space<hbm>> -> memref<1x16x768xf32, #tpu.memory_space<hbm>>
      %dma_start3A_524 = tpu.memref_squeeze %dma_start3A_523 : memref<1x16x768xf32, #tpu.memory_space<hbm>> -> memref<16x768xf32, #tpu.memory_space<hbm>>
      %dma_start3A_525 = arith.constant 0 : i32
      %dma_start3A_526 = tpu.memref_slice %arg5[%div3A_516, %add3A_521, %dma_start3A_525] : memref<77x1024x768xf32, #tpu.memory_space<hbm>> -> memref<1x16x768xf32, #tpu.memory_space<hbm>>
      %dma_start3A_527 = tpu.memref_squeeze %dma_start3A_526 : memref<1x16x768xf32, #tpu.memory_space<hbm>> -> memref<16x768xf32, #tpu.memory_space<hbm>>
      tpu.enqueue_dma source(%arg10 : memref<16x768xf32, #tpu.memory_space<vmem>>) target(%dma_start3A_527 : memref<16x768xf32, #tpu.memory_space<hbm>>) target_semaphore(%arg18 : memref<!tpu.dma_semaphore, #tpu.memory_space<semaphore_mem>>)
      %mul3A_528 = arith.constant 4 : i32
      %mul3A_529 = arith.muli %scan3A_350, %mul3A_528 : i32
      %add3A_530 = arith.constant 3 : i32
      %add3A_531 = arith.addi %mul3A_529, %add3A_530 : i32
      %dma_wait3A_532 = arith.constant 0 : i32
      %dma_wait3A_533 = arith.constant 0 : i32
      %dma_wait3A_534 = tpu.memref_slice %arg5[%dma_wait3A_532, %mul3A_2, %dma_wait3A_533] : memref<77x1024x768xf32, #tpu.memory_space<hbm>> -> memref<1x16x768xf32, #tpu.memory_space<hbm>>
      %dma_wait3A_535 = tpu.memref_squeeze %dma_wait3A_534 : memref<1x16x768xf32, #tpu.memory_space<hbm>> -> memref<16x768xf32, #tpu.memory_space<hbm>>
      %dma_wait3A_536 = arith.constant 0 : i32
      %dma_wait3A_537 = tpu.memref_slice %arg5[%dma_wait3A_532, %mul3A_2, %dma_wait3A_536] : memref<77x1024x768xf32, #tpu.memory_space<hbm>> -> memref<1x16x768xf32, #tpu.memory_space<hbm>>
      %dma_wait3A_538 = tpu.memref_squeeze %dma_wait3A_537 : memref<1x16x768xf32, #tpu.memory_space<hbm>> -> memref<16x768xf32, #tpu.memory_space<hbm>>
      tpu.wait_dma2 semaphore(%arg17 : memref<!tpu.dma_semaphore, #tpu.memory_space<semaphore_mem>>) src(%arg9 : memref<16x768xf32, #tpu.memory_space<vmem>>) dst(%dma_wait3A_538 : memref<16x768xf32, #tpu.memory_space<hbm>>)
      %add3A_539 = arith.constant 2 : i32
      %add3A_540 = arith.addi %add3A_531, %add3A_539 : i32
      %div3A_541 = arith.constant 2 : i32
      %div3A_542 = arith.divsi %add3A_540, %div3A_541 : i32
      %rem3A_543 = arith.constant 2 : i32
      %rem3A_544 = arith.remsi %add3A_540, %rem3A_543 : i32
      %mul3A_545 = arith.constant 16 : i32
      %mul3A_546 = arith.muli %rem3A_544, %mul3A_545 : i32
      %multiple_of3A_547 = tpu.assume_multiple %mul3A_546, 16 : i32
      %get3A_548 = arith.index_cast %div3A_542 : i32 to index
      %get3A_549 = arith.index_cast %multiple_of3A_547 : i32 to index
      %get3A_550 = tpu.vector_load %arg6[%get3A_548, %get3A_549] {strides = array<i32>} : memref<77x32xi32, #tpu.memory_space<vmem>>, vector<1x16xi32>,
      %get3A_551 = vector.shape_cast %get3A_550 : vector<1x16xi32> to vector<16xi32>
      %dma_start3A_552 = arith.constant 0 : i32
      %dma_start3A_553 = arith.constant 0 : i32
      %dma_start3A_554 = tpu.memref_slice %arg3[%dma_start3A_552, %dma_start3A_553] : memref<49408x768xf32, #tpu.memory_space<hbm>> -> memref<49408x768xf32, #tpu.memory_space<hbm>>
      tpu.enqueue_indirect_dma source(%dma_start3A_554 : memref<49408x768xf32, #tpu.memory_space<hbm>>) target(%arg9 : memref<16x768xf32, #tpu.memory_space<vmem>>) offsets(%get3A_551 : vector<16xi32>) semaphore(%arg13 : memref<!tpu.dma_semaphore, #tpu.memory_space<semaphore_mem>>)
      %get3A_555 = arith.constant 0 : i32
      %get3A_556 = arith.index_cast %get3A_555 : i32 to index
      %get3A_557 = arith.constant 0 : index
      %get3A_558 = tpu.vector_load %arg6[%get3A_556, %get3A_557] {strides = array<i32>} : memref<77x32xi32, #tpu.memory_space<vmem>>, vector<1x16xi32>,
      %get3A_559 = vector.shape_cast %get3A_558 : vector<1x16xi32> to vector<16xi32>
      %dma_wait3A_560 = arith.constant 0 : i32
      %dma_wait3A_561 = arith.constant 0 : i32
      %dma_wait3A_562 = tpu.memref_slice %arg3[%dma_wait3A_560, %dma_wait3A_561] : memref<49408x768xf32, #tpu.memory_space<hbm>> -> memref<49408x768xf32, #tpu.memory_space<hbm>>
      tpu.wait_indirect_dma semaphore(%arg15 : memref<!tpu.dma_semaphore, #tpu.memory_space<semaphore_mem>>) src(%dma_wait3A_562 : memref<49408x768xf32, #tpu.memory_space<hbm>>) dst(%arg11 : memref<16x768xf32, #tpu.memory_space<vmem>>)
      %div3A_563 = arith.constant 2 : i32
      %div3A_564 = arith.divsi %add3A_531, %div3A_563 : i32
      %mul3A_565 = arith.constant 768 : i32
      %mul3A_566 = arith.muli %div3A_564, %mul3A_565 : i32
      %multiple_of3A_567 = tpu.assume_multiple %mul3A_566, 16 : i32
      %scan3A_568 = arith.constant 0 : i32
      %scan3A_569 = arith.constant 0 : i32
      %scan3A_570 = arith.constant 48 : i32
      %scan3A_571 = arith.addi %scan3A_569, %scan3A_570 : i32
      %scan3A_572 = arith.constant 1 : i32
      scf.for %scan3A_587 = %scan3A_569 to %scan3A_571 step %scan3A_572  : i32 {
        %mul3A_588 = arith.constant 16 : i32
        %mul3A_589 = arith.muli %scan3A_587, %mul3A_588 : i32
        %multiple_of3A_590 = tpu.assume_multiple %mul3A_589, 16 : i32
        %add3A_591 = arith.addi %multiple_of3A_567, %multiple_of3A_590 : i32
        %get3A_592 = arith.index_cast %add3A_591 : i32 to index
        %get3A_593 = tpu.vector_load %arg7[%get3A_592] {strides = array<i32>} : memref<59136xf32, #tpu.memory_space<vmem>>, vector<16xf32>,
        %get3A_594 = vector.shape_cast %get3A_593 : vector<16xf32> to vector<16xf32>
        %swap3A = arith.constant 0 : i32
        %swap3A_595 = arith.index_cast %swap3A : i32 to index
        %swap3A_596 = arith.index_cast %multiple_of3A_590 : i32 to index
        %swap3A_597 = tpu.vector_load %arg11[%swap3A_595, %swap3A_596] {strides = array<i32>} : memref<16x768xf32, #tpu.memory_space<vmem>>, vector<1x16xf32>,
        %swap3A_598 = vector.shape_cast %swap3A_597 : vector<1x16xf32> to vector<16xf32>
        %swap3A_599 = vector.shape_cast %get3A_594 : vector<16xf32> to vector<1x16xf32>
        tpu.vector_store %arg11[%swap3A_595, %swap3A_596], %swap3A_599 {add = true, strides = array<i32>} : memref<16x768xf32, #tpu.memory_space<vmem>>, vector<1x16xf32>,
        %swap3A_600 = arith.constant 1 : i32
        %swap3A_601 = arith.index_cast %swap3A_600 : i32 to index
        %swap3A_602 = arith.index_cast %multiple_of3A_590 : i32 to index
        %swap3A_603 = tpu.vector_load %arg11[%swap3A_601, %swap3A_602] {strides = array<i32>} : memref<16x768xf32, #tpu.memory_space<vmem>>, vector<1x16xf32>,
        %swap3A_604 = vector.shape_cast %swap3A_603 : vector<1x16xf32> to vector<16xf32>
        %swap3A_605 = vector.shape_cast %get3A_594 : vector<16xf32> to vector<1x16xf32>
        tpu.vector_store %arg11[%swap3A_601, %swap3A_602], %swap3A_605 {add = true, strides = array<i32>} : memref<16x768xf32, #tpu.memory_space<vmem>>, vector<1x16xf32>,
        %swap3A_606 = arith.constant 2 : i32
        %swap3A_607 = arith.index_cast %swap3A_606 : i32 to index
        %swap3A_608 = arith.index_cast %multiple_of3A_590 : i32 to index
        %swap3A_609 = tpu.vector_load %arg11[%swap3A_607, %swap3A_608] {strides = array<i32>} : memref<16x768xf32, #tpu.memory_space<vmem>>, vector<1x16xf32>,
        %swap3A_610 = vector.shape_cast %swap3A_609 : vector<1x16xf32> to vector<16xf32>
        %swap3A_611 = vector.shape_cast %get3A_594 : vector<16xf32> to vector<1x16xf32>
        tpu.vector_store %arg11[%swap3A_607, %swap3A_608], %swap3A_611 {add = true, strides = array<i32>} : memref<16x768xf32, #tpu.memory_space<vmem>>, vector<1x16xf32>,
        %swap3A_612 = arith.constant 3 : i32
        %swap3A_613 = arith.index_cast %swap3A_612 : i32 to index
        %swap3A_614 = arith.index_cast %multiple_of3A_590 : i32 to index
        %swap3A_615 = tpu.vector_load %arg11[%swap3A_613, %swap3A_614] {strides = array<i32>} : memref<16x768xf32, #tpu.memory_space<vmem>>, vector<1x16xf32>,
        %swap3A_616 = vector.shape_cast %swap3A_615 : vector<1x16xf32> to vector<16xf32>
        %swap3A_617 = vector.shape_cast %get3A_594 : vector<16xf32> to vector<1x16xf32>
        tpu.vector_store %arg11[%swap3A_613, %swap3A_614], %swap3A_617 {add = true, strides = array<i32>} : memref<16x768xf32, #tpu.memory_space<vmem>>, vector<1x16xf32>,
        %swap3A_618 = arith.constant 4 : i32
        %swap3A_619 = arith.index_cast %swap3A_618 : i32 to index
        %swap3A_620 = arith.index_cast %multiple_of3A_590 : i32 to index
        %swap3A_621 = tpu.vector_load %arg11[%swap3A_619, %swap3A_620] {strides = array<i32>} : memref<16x768xf32, #tpu.memory_space<vmem>>, vector<1x16xf32>,
        %swap3A_622 = vector.shape_cast %swap3A_621 : vector<1x16xf32> to vector<16xf32>
        %swap3A_623 = vector.shape_cast %get3A_594 : vector<16xf32> to vector<1x16xf32>
        tpu.vector_store %arg11[%swap3A_619, %swap3A_620], %swap3A_623 {add = true, strides = array<i32>} : memref<16x768xf32, #tpu.memory_space<vmem>>, vector<1x16xf32>,
        %swap3A_624 = arith.constant 5 : i32
        %swap3A_625 = arith.index_cast %swap3A_624 : i32 to index
        %swap3A_626 = arith.index_cast %multiple_of3A_590 : i32 to index
        %swap3A_627 = tpu.vector_load %arg11[%swap3A_625, %swap3A_626] {strides = array<i32>} : memref<16x768xf32, #tpu.memory_space<vmem>>, vector<1x16xf32>,
        %swap3A_628 = vector.shape_cast %swap3A_627 : vector<1x16xf32> to vector<16xf32>
        %swap3A_629 = vector.shape_cast %get3A_594 : vector<16xf32> to vector<1x16xf32>
        tpu.vector_store %arg11[%swap3A_625, %swap3A_626], %swap3A_629 {add = true, strides = array<i32>} : memref<16x768xf32, #tpu.memory_space<vmem>>, vector<1x16xf32>,
        %swap3A_630 = arith.constant 6 : i32
        %swap3A_631 = arith.index_cast %swap3A_630 : i32 to index
        %swap3A_632 = arith.index_cast %multiple_of3A_590 : i32 to index
        %swap3A_633 = tpu.vector_load %arg11[%swap3A_631, %swap3A_632] {strides = array<i32>} : memref<16x768xf32, #tpu.memory_space<vmem>>, vector<1x16xf32>,
        %swap3A_634 = vector.shape_cast %swap3A_633 : vector<1x16xf32> to vector<16xf32>
        %swap3A_635 = vector.shape_cast %get3A_594 : vector<16xf32> to vector<1x16xf32>
        tpu.vector_store %arg11[%swap3A_631, %swap3A_632], %swap3A_635 {add = true, strides = array<i32>} : memref<16x768xf32, #tpu.memory_space<vmem>>, vector<1x16xf32>,
        %swap3A_636 = arith.constant 7 : i32
        %swap3A_637 = arith.index_cast %swap3A_636 : i32 to index
        %swap3A_638 = arith.index_cast %multiple_of3A_590 : i32 to index
        %swap3A_639 = tpu.vector_load %arg11[%swap3A_637, %swap3A_638] {strides = array<i32>} : memref<16x768xf32, #tpu.memory_space<vmem>>, vector<1x16xf32>,
        %swap3A_640 = vector.shape_cast %swap3A_639 : vector<1x16xf32> to vector<16xf32>
        %swap3A_641 = vector.shape_cast %get3A_594 : vector<16xf32> to vector<1x16xf32>
        tpu.vector_store %arg11[%swap3A_637, %swap3A_638], %swap3A_641 {add = true, strides = array<i32>} : memref<16x768xf32, #tpu.memory_space<vmem>>, vector<1x16xf32>,
        %swap3A_642 = arith.constant 8 : i32
        %swap3A_643 = arith.index_cast %swap3A_642 : i32 to index
        %swap3A_644 = arith.index_cast %multiple_of3A_590 : i32 to index
        %swap3A_645 = tpu.vector_load %arg11[%swap3A_643, %swap3A_644] {strides = array<i32>} : memref<16x768xf32, #tpu.memory_space<vmem>>, vector<1x16xf32>,
        %swap3A_646 = vector.shape_cast %swap3A_645 : vector<1x16xf32> to vector<16xf32>
        %swap3A_647 = vector.shape_cast %get3A_594 : vector<16xf32> to vector<1x16xf32>
        tpu.vector_store %arg11[%swap3A_643, %swap3A_644], %swap3A_647 {add = true, strides = array<i32>} : memref<16x768xf32, #tpu.memory_space<vmem>>, vector<1x16xf32>,
        %swap3A_648 = arith.constant 9 : i32
        %swap3A_649 = arith.index_cast %swap3A_648 : i32 to index
        %swap3A_650 = arith.index_cast %multiple_of3A_590 : i32 to index
        %swap3A_651 = tpu.vector_load %arg11[%swap3A_649, %swap3A_650] {strides = array<i32>} : memref<16x768xf32, #tpu.memory_space<vmem>>, vector<1x16xf32>,
        %swap3A_652 = vector.shape_cast %swap3A_651 : vector<1x16xf32> to vector<16xf32>
        %swap3A_653 = vector.shape_cast %get3A_594 : vector<16xf32> to vector<1x16xf32>
        tpu.vector_store %arg11[%swap3A_649, %swap3A_650], %swap3A_653 {add = true, strides = array<i32>} : memref<16x768xf32, #tpu.memory_space<vmem>>, vector<1x16xf32>,
        %swap3A_654 = arith.constant 10 : i32
        %swap3A_655 = arith.index_cast %swap3A_654 : i32 to index
        %swap3A_656 = arith.index_cast %multiple_of3A_590 : i32 to index
        %swap3A_657 = tpu.vector_load %arg11[%swap3A_655, %swap3A_656] {strides = array<i32>} : memref<16x768xf32, #tpu.memory_space<vmem>>, vector<1x16xf32>,
        %swap3A_658 = vector.shape_cast %swap3A_657 : vector<1x16xf32> to vector<16xf32>
        %swap3A_659 = vector.shape_cast %get3A_594 : vector<16xf32> to vector<1x16xf32>
        tpu.vector_store %arg11[%swap3A_655, %swap3A_656], %swap3A_659 {add = true, strides = array<i32>} : memref<16x768xf32, #tpu.memory_space<vmem>>, vector<1x16xf32>,
        %swap3A_660 = arith.constant 11 : i32
        %swap3A_661 = arith.index_cast %swap3A_660 : i32 to index
        %swap3A_662 = arith.index_cast %multiple_of3A_590 : i32 to index
        %swap3A_663 = tpu.vector_load %arg11[%swap3A_661, %swap3A_662] {strides = array<i32>} : memref<16x768xf32, #tpu.memory_space<vmem>>, vector<1x16xf32>,
        %swap3A_664 = vector.shape_cast %swap3A_663 : vector<1x16xf32> to vector<16xf32>
        %swap3A_665 = vector.shape_cast %get3A_594 : vector<16xf32> to vector<1x16xf32>
        tpu.vector_store %arg11[%swap3A_661, %swap3A_662], %swap3A_665 {add = true, strides = array<i32>} : memref<16x768xf32, #tpu.memory_space<vmem>>, vector<1x16xf32>,
        %swap3A_666 = arith.constant 12 : i32
        %swap3A_667 = arith.index_cast %swap3A_666 : i32 to index
        %swap3A_668 = arith.index_cast %multiple_of3A_590 : i32 to index
        %swap3A_669 = tpu.vector_load %arg11[%swap3A_667, %swap3A_668] {strides = array<i32>} : memref<16x768xf32, #tpu.memory_space<vmem>>, vector<1x16xf32>,
        %swap3A_670 = vector.shape_cast %swap3A_669 : vector<1x16xf32> to vector<16xf32>
        %swap3A_671 = vector.shape_cast %get3A_594 : vector<16xf32> to vector<1x16xf32>
        tpu.vector_store %arg11[%swap3A_667, %swap3A_668], %swap3A_671 {add = true, strides = array<i32>} : memref<16x768xf32, #tpu.memory_space<vmem>>, vector<1x16xf32>,
        %swap3A_672 = arith.constant 13 : i32
        %swap3A_673 = arith.index_cast %swap3A_672 : i32 to index
        %swap3A_674 = arith.index_cast %multiple_of3A_590 : i32 to index
        %swap3A_675 = tpu.vector_load %arg11[%swap3A_673, %swap3A_674] {strides = array<i32>} : memref<16x768xf32, #tpu.memory_space<vmem>>, vector<1x16xf32>,
        %swap3A_676 = vector.shape_cast %swap3A_675 : vector<1x16xf32> to vector<16xf32>
        %swap3A_677 = vector.shape_cast %get3A_594 : vector<16xf32> to vector<1x16xf32>
        tpu.vector_store %arg11[%swap3A_673, %swap3A_674], %swap3A_677 {add = true, strides = array<i32>} : memref<16x768xf32, #tpu.memory_space<vmem>>, vector<1x16xf32>,
        %swap3A_678 = arith.constant 14 : i32
        %swap3A_679 = arith.index_cast %swap3A_678 : i32 to index
        %swap3A_680 = arith.index_cast %multiple_of3A_590 : i32 to index
        %swap3A_681 = tpu.vector_load %arg11[%swap3A_679, %swap3A_680] {strides = array<i32>} : memref<16x768xf32, #tpu.memory_space<vmem>>, vector<1x16xf32>,
        %swap3A_682 = vector.shape_cast %swap3A_681 : vector<1x16xf32> to vector<16xf32>
        %swap3A_683 = vector.shape_cast %get3A_594 : vector<16xf32> to vector<1x16xf32>
        tpu.vector_store %arg11[%swap3A_679, %swap3A_680], %swap3A_683 {add = true, strides = array<i32>} : memref<16x768xf32, #tpu.memory_space<vmem>>, vector<1x16xf32>,
        %swap3A_684 = arith.constant 15 : i32
        %swap3A_685 = arith.index_cast %swap3A_684 : i32 to index
        %swap3A_686 = arith.index_cast %multiple_of3A_590 : i32 to index
        %swap3A_687 = tpu.vector_load %arg11[%swap3A_685, %swap3A_686] {strides = array<i32>} : memref<16x768xf32, #tpu.memory_space<vmem>>, vector<1x16xf32>,
        %swap3A_688 = vector.shape_cast %swap3A_687 : vector<1x16xf32> to vector<16xf32>
        %swap3A_689 = vector.shape_cast %get3A_594 : vector<16xf32> to vector<1x16xf32>
        tpu.vector_store %arg11[%swap3A_685, %swap3A_686], %swap3A_689 {add = true, strides = array<i32>} : memref<16x768xf32, #tpu.memory_space<vmem>>, vector<1x16xf32>,
      }
      %scan3A_573 = arith.constant 48 : i32
      %div3A_574 = arith.constant 2 : i32
      %div3A_575 = arith.divsi %add3A_531, %div3A_574 : i32
      %rem3A_576 = arith.constant 2 : i32
      %rem3A_577 = arith.remsi %add3A_531, %rem3A_576 : i32
      %mul3A_578 = arith.constant 16 : i32
      %mul3A_579 = arith.muli %rem3A_577, %mul3A_578 : i32
      %add3A_580 = arith.addi %mul3A_2, %mul3A_579 : i32
      %dma_start3A_581 = arith.constant 0 : i32
      %dma_start3A_582 = tpu.memref_slice %arg5[%div3A_575, %add3A_580, %dma_start3A_581] : memref<77x1024x768xf32, #tpu.memory_space<hbm>> -> memref<1x16x768xf32, #tpu.memory_space<hbm>>
      %dma_start3A_583 = tpu.memref_squeeze %dma_start3A_582 : memref<1x16x768xf32, #tpu.memory_space<hbm>> -> memref<16x768xf32, #tpu.memory_space<hbm>>
      %dma_start3A_584 = arith.constant 0 : i32
      %dma_start3A_585 = tpu.memref_slice %arg5[%div3A_575, %add3A_580, %dma_start3A_584] : memref<77x1024x768xf32, #tpu.memory_space<hbm>> -> memref<1x16x768xf32, #tpu.memory_space<hbm>>
      %dma_start3A_586 = tpu.memref_squeeze %dma_start3A_585 : memref<1x16x768xf32, #tpu.memory_space<hbm>> -> memref<16x768xf32, #tpu.memory_space<hbm>>
      tpu.enqueue_dma source(%arg11 : memref<16x768xf32, #tpu.memory_space<vmem>>) target(%dma_start3A_586 : memref<16x768xf32, #tpu.memory_space<hbm>>) target_semaphore(%arg19 : memref<!tpu.dma_semaphore, #tpu.memory_space<semaphore_mem>>)
    }
    %scan3A_251 = arith.constant 37 : i32
    %get3A_252 = arith.constant 0 : i32
    %get3A_253 = arith.index_cast %get3A_252 : i32 to index
    %get3A_254 = arith.constant 0 : index
    %get3A_255 = tpu.vector_load %arg6[%get3A_253, %get3A_254] {strides = array<i32>} : memref<77x32xi32, #tpu.memory_space<vmem>>, vector<1x16xi32>,
    %get3A_256 = vector.shape_cast %get3A_255 : vector<1x16xi32> to vector<16xi32>
    %dma_wait3A_257 = arith.constant 0 : i32
    %dma_wait3A_258 = arith.constant 0 : i32
    %dma_wait3A_259 = tpu.memref_slice %arg3[%dma_wait3A_257, %dma_wait3A_258] : memref<49408x768xf32, #tpu.memory_space<hbm>> -> memref<49408x768xf32, #tpu.memory_space<hbm>>
    tpu.wait_indirect_dma semaphore(%arg12 : memref<!tpu.dma_semaphore, #tpu.memory_space<semaphore_mem>>) src(%dma_wait3A_259 : memref<49408x768xf32, #tpu.memory_space<hbm>>) dst(%arg8 : memref<16x768xf32, #tpu.memory_space<vmem>>)
    %div3A_260 = arith.constant 152 : i32
    %div3A_261 = arith.constant 2 : i32
    %div3A_262 = arith.divsi %div3A_260, %div3A_261 : i32
    %mul3A_263 = arith.constant 768 : i32
    %mul3A_264 = arith.muli %div3A_262, %mul3A_263 : i32
    %multiple_of3A_265 = tpu.assume_multiple %mul3A_264, 16 : i32
    %scan3A_266 = arith.constant 0 : i32
    %scan3A_267 = arith.constant 0 : i32
    %scan3A_268 = arith.constant 48 : i32
    %scan3A_269 = arith.addi %scan3A_267, %scan3A_268 : i32
    %scan3A_270 = arith.constant 1 : i32
    scf.for %scan3A_350 = %scan3A_267 to %scan3A_269 step %scan3A_270  : i32 {
      %mul3A_351 = arith.constant 16 : i32
      %mul3A_352 = arith.muli %scan3A_350, %mul3A_351 : i32
      %multiple_of3A_353 = tpu.assume_multiple %mul3A_352, 16 : i32
      %add3A_354 = arith.addi %multiple_of3A_265, %multiple_of3A_353 : i32
      %get3A_355 = arith.index_cast %add3A_354 : i32 to index
      %get3A_356 = tpu.vector_load %arg7[%get3A_355] {strides = array<i32>} : memref<59136xf32, #tpu.memory_space<vmem>>, vector<16xf32>,
      %get3A_357 = vector.shape_cast %get3A_356 : vector<16xf32> to vector<16xf32>
      %swap3A = arith.constant 0 : i32
      %swap3A_358 = arith.index_cast %swap3A : i32 to index
      %swap3A_359 = arith.index_cast %multiple_of3A_353 : i32 to index
      %swap3A_360 = tpu.vector_load %arg8[%swap3A_358, %swap3A_359] {strides = array<i32>} : memref<16x768xf32, #tpu.memory_space<vmem>>, vector<1x16xf32>,
      %swap3A_361 = vector.shape_cast %swap3A_360 : vector<1x16xf32> to vector<16xf32>
      %swap3A_362 = vector.shape_cast %get3A_357 : vector<16xf32> to vector<1x16xf32>
      tpu.vector_store %arg8[%swap3A_358, %swap3A_359], %swap3A_362 {add = true, strides = array<i32>} : memref<16x768xf32, #tpu.memory_space<vmem>>, vector<1x16xf32>,
      %swap3A_363 = arith.constant 1 : i32
      %swap3A_364 = arith.index_cast %swap3A_363 : i32 to index
      %swap3A_365 = arith.index_cast %multiple_of3A_353 : i32 to index
      %swap3A_366 = tpu.vector_load %arg8[%swap3A_364, %swap3A_365] {strides = array<i32>} : memref<16x768xf32, #tpu.memory_space<vmem>>, vector<1x16xf32>,
      %swap3A_367 = vector.shape_cast %swap3A_366 : vector<1x16xf32> to vector<16xf32>
      %swap3A_368 = vector.shape_cast %get3A_357 : vector<16xf32> to vector<1x16xf32>
      tpu.vector_store %arg8[%swap3A_364, %swap3A_365], %swap3A_368 {add = true, strides = array<i32>} : memref<16x768xf32, #tpu.memory_space<vmem>>, vector<1x16xf32>,
      %swap3A_369 = arith.constant 2 : i32
      %swap3A_370 = arith.index_cast %swap3A_369 : i32 to index
      %swap3A_371 = arith.index_cast %multiple_of3A_353 : i32 to index
      %swap3A_372 = tpu.vector_load %arg8[%swap3A_370, %swap3A_371] {strides = array<i32>} : memref<16x768xf32, #tpu.memory_space<vmem>>, vector<1x16xf32>,
      %swap3A_373 = vector.shape_cast %swap3A_372 : vector<1x16xf32> to vector<16xf32>
      %swap3A_374 = vector.shape_cast %get3A_357 : vector<16xf32> to vector<1x16xf32>
      tpu.vector_store %arg8[%swap3A_370, %swap3A_371], %swap3A_374 {add = true, strides = array<i32>} : memref<16x768xf32, #tpu.memory_space<vmem>>, vector<1x16xf32>,
      %swap3A_375 = arith.constant 3 : i32
      %swap3A_376 = arith.index_cast %swap3A_375 : i32 to index
      %swap3A_377 = arith.index_cast %multiple_of3A_353 : i32 to index
      %swap3A_378 = tpu.vector_load %arg8[%swap3A_376, %swap3A_377] {strides = array<i32>} : memref<16x768xf32, #tpu.memory_space<vmem>>, vector<1x16xf32>,
      %swap3A_379 = vector.shape_cast %swap3A_378 : vector<1x16xf32> to vector<16xf32>
      %swap3A_380 = vector.shape_cast %get3A_357 : vector<16xf32> to vector<1x16xf32>
      tpu.vector_store %arg8[%swap3A_376, %swap3A_377], %swap3A_380 {add = true, strides = array<i32>} : memref<16x768xf32, #tpu.memory_space<vmem>>, vector<1x16xf32>,
      %swap3A_381 = arith.constant 4 : i32
      %swap3A_382 = arith.index_cast %swap3A_381 : i32 to index
      %swap3A_383 = arith.index_cast %multiple_of3A_353 : i32 to index
      %swap3A_384 = tpu.vector_load %arg8[%swap3A_382, %swap3A_383] {strides = array<i32>} : memref<16x768xf32, #tpu.memory_space<vmem>>, vector<1x16xf32>,
      %swap3A_385 = vector.shape_cast %swap3A_384 : vector<1x16xf32> to vector<16xf32>
      %swap3A_386 = vector.shape_cast %get3A_357 : vector<16xf32> to vector<1x16xf32>
      tpu.vector_store %arg8[%swap3A_382, %swap3A_383], %swap3A_386 {add = true, strides = array<i32>} : memref<16x768xf32, #tpu.memory_space<vmem>>, vector<1x16xf32>,
      %swap3A_387 = arith.constant 5 : i32
      %swap3A_388 = arith.index_cast %swap3A_387 : i32 to index
      %swap3A_389 = arith.index_cast %multiple_of3A_353 : i32 to index
      %swap3A_390 = tpu.vector_load %arg8[%swap3A_388, %swap3A_389] {strides = array<i32>} : memref<16x768xf32, #tpu.memory_space<vmem>>, vector<1x16xf32>,
      %swap3A_391 = vector.shape_cast %swap3A_390 : vector<1x16xf32> to vector<16xf32>
      %swap3A_392 = vector.shape_cast %get3A_357 : vector<16xf32> to vector<1x16xf32>
      tpu.vector_store %arg8[%swap3A_388, %swap3A_389], %swap3A_392 {add = true, strides = array<i32>} : memref<16x768xf32, #tpu.memory_space<vmem>>, vector<1x16xf32>,
      %swap3A_393 = arith.constant 6 : i32
      %swap3A_394 = arith.index_cast %swap3A_393 : i32 to index
      %swap3A_395 = arith.index_cast %multiple_of3A_353 : i32 to index
      %swap3A_396 = tpu.vector_load %arg8[%swap3A_394, %swap3A_395] {strides = array<i32>} : memref<16x768xf32, #tpu.memory_space<vmem>>, vector<1x16xf32>,
      %swap3A_397 = vector.shape_cast %swap3A_396 : vector<1x16xf32> to vector<16xf32>
      %swap3A_398 = vector.shape_cast %get3A_357 : vector<16xf32> to vector<1x16xf32>
      tpu.vector_store %arg8[%swap3A_394, %swap3A_395], %swap3A_398 {add = true, strides = array<i32>} : memref<16x768xf32, #tpu.memory_space<vmem>>, vector<1x16xf32>,
      %swap3A_399 = arith.constant 7 : i32
      %swap3A_400 = arith.index_cast %swap3A_399 : i32 to index
      %swap3A_401 = arith.index_cast %multiple_of3A_353 : i32 to index
      %swap3A_402 = tpu.vector_load %arg8[%swap3A_400, %swap3A_401] {strides = array<i32>} : memref<16x768xf32, #tpu.memory_space<vmem>>, vector<1x16xf32>,
      %swap3A_403 = vector.shape_cast %swap3A_402 : vector<1x16xf32> to vector<16xf32>
      %swap3A_404 = vector.shape_cast %get3A_357 : vector<16xf32> to vector<1x16xf32>
      tpu.vector_store %arg8[%swap3A_400, %swap3A_401], %swap3A_404 {add = true, strides = array<i32>} : memref<16x768xf32, #tpu.memory_space<vmem>>, vector<1x16xf32>,
      %swap3A_405 = arith.constant 8 : i32
      %swap3A_406 = arith.index_cast %swap3A_405 : i32 to index
      %swap3A_407 = arith.index_cast %multiple_of3A_353 : i32 to index
      %swap3A_408 = tpu.vector_load %arg8[%swap3A_406, %swap3A_407] {strides = array<i32>} : memref<16x768xf32, #tpu.memory_space<vmem>>, vector<1x16xf32>,
      %swap3A_409 = vector.shape_cast %swap3A_408 : vector<1x16xf32> to vector<16xf32>
      %swap3A_410 = vector.shape_cast %get3A_357 : vector<16xf32> to vector<1x16xf32>
      tpu.vector_store %arg8[%swap3A_406, %swap3A_407], %swap3A_410 {add = true, strides = array<i32>} : memref<16x768xf32, #tpu.memory_space<vmem>>, vector<1x16xf32>,
      %swap3A_411 = arith.constant 9 : i32
      %swap3A_412 = arith.index_cast %swap3A_411 : i32 to index
      %swap3A_413 = arith.index_cast %multiple_of3A_353 : i32 to index
      %swap3A_414 = tpu.vector_load %arg8[%swap3A_412, %swap3A_413] {strides = array<i32>} : memref<16x768xf32, #tpu.memory_space<vmem>>, vector<1x16xf32>,
      %swap3A_415 = vector.shape_cast %swap3A_414 : vector<1x16xf32> to vector<16xf32>
      %swap3A_416 = vector.shape_cast %get3A_357 : vector<16xf32> to vector<1x16xf32>
      tpu.vector_store %arg8[%swap3A_412, %swap3A_413], %swap3A_416 {add = true, strides = array<i32>} : memref<16x768xf32, #tpu.memory_space<vmem>>, vector<1x16xf32>,
      %swap3A_417 = arith.constant 10 : i32
      %swap3A_418 = arith.index_cast %swap3A_417 : i32 to index
      %swap3A_419 = arith.index_cast %multiple_of3A_353 : i32 to index
      %swap3A_420 = tpu.vector_load %arg8[%swap3A_418, %swap3A_419] {strides = array<i32>} : memref<16x768xf32, #tpu.memory_space<vmem>>, vector<1x16xf32>,
      %swap3A_421 = vector.shape_cast %swap3A_420 : vector<1x16xf32> to vector<16xf32>
      %swap3A_422 = vector.shape_cast %get3A_357 : vector<16xf32> to vector<1x16xf32>
      tpu.vector_store %arg8[%swap3A_418, %swap3A_419], %swap3A_422 {add = true, strides = array<i32>} : memref<16x768xf32, #tpu.memory_space<vmem>>, vector<1x16xf32>,
      %swap3A_423 = arith.constant 11 : i32
      %swap3A_424 = arith.index_cast %swap3A_423 : i32 to index
      %swap3A_425 = arith.index_cast %multiple_of3A_353 : i32 to index
      %swap3A_426 = tpu.vector_load %arg8[%swap3A_424, %swap3A_425] {strides = array<i32>} : memref<16x768xf32, #tpu.memory_space<vmem>>, vector<1x16xf32>,
      %swap3A_427 = vector.shape_cast %swap3A_426 : vector<1x16xf32> to vector<16xf32>
      %swap3A_428 = vector.shape_cast %get3A_357 : vector<16xf32> to vector<1x16xf32>
      tpu.vector_store %arg8[%swap3A_424, %swap3A_425], %swap3A_428 {add = true, strides = array<i32>} : memref<16x768xf32, #tpu.memory_space<vmem>>, vector<1x16xf32>,
      %swap3A_429 = arith.constant 12 : i32
      %swap3A_430 = arith.index_cast %swap3A_429 : i32 to index
      %swap3A_431 = arith.index_cast %multiple_of3A_353 : i32 to index
      %swap3A_432 = tpu.vector_load %arg8[%swap3A_430, %swap3A_431] {strides = array<i32>} : memref<16x768xf32, #tpu.memory_space<vmem>>, vector<1x16xf32>,
      %swap3A_433 = vector.shape_cast %swap3A_432 : vector<1x16xf32> to vector<16xf32>
      %swap3A_434 = vector.shape_cast %get3A_357 : vector<16xf32> to vector<1x16xf32>
      tpu.vector_store %arg8[%swap3A_430, %swap3A_431], %swap3A_434 {add = true, strides = array<i32>} : memref<16x768xf32, #tpu.memory_space<vmem>>, vector<1x16xf32>,
      %swap3A_435 = arith.constant 13 : i32
      %swap3A_436 = arith.index_cast %swap3A_435 : i32 to index
      %swap3A_437 = arith.index_cast %multiple_of3A_353 : i32 to index
      %swap3A_438 = tpu.vector_load %arg8[%swap3A_436, %swap3A_437] {strides = array<i32>} : memref<16x768xf32, #tpu.memory_space<vmem>>, vector<1x16xf32>,
      %swap3A_439 = vector.shape_cast %swap3A_438 : vector<1x16xf32> to vector<16xf32>
      %swap3A_440 = vector.shape_cast %get3A_357 : vector<16xf32> to vector<1x16xf32>
      tpu.vector_store %arg8[%swap3A_436, %swap3A_437], %swap3A_440 {add = true, strides = array<i32>} : memref<16x768xf32, #tpu.memory_space<vmem>>, vector<1x16xf32>,
      %swap3A_441 = arith.constant 14 : i32
      %swap3A_442 = arith.index_cast %swap3A_441 : i32 to index
      %swap3A_443 = arith.index_cast %multiple_of3A_353 : i32 to index
      %swap3A_444 = tpu.vector_load %arg8[%swap3A_442, %swap3A_443] {strides = array<i32>} : memref<16x768xf32, #tpu.memory_space<vmem>>, vector<1x16xf32>,
      %swap3A_445 = vector.shape_cast %swap3A_444 : vector<1x16xf32> to vector<16xf32>
      %swap3A_446 = vector.shape_cast %get3A_357 : vector<16xf32> to vector<1x16xf32>
      tpu.vector_store %arg8[%swap3A_442, %swap3A_443], %swap3A_446 {add = true, strides = array<i32>} : memref<16x768xf32, #tpu.memory_space<vmem>>, vector<1x16xf32>,
      %swap3A_447 = arith.constant 15 : i32
      %swap3A_448 = arith.index_cast %swap3A_447 : i32 to index
      %swap3A_449 = arith.index_cast %multiple_of3A_353 : i32 to index
      %swap3A_450 = tpu.vector_load %arg8[%swap3A_448, %swap3A_449] {strides = array<i32>} : memref<16x768xf32, #tpu.memory_space<vmem>>, vector<1x16xf32>,
      %swap3A_451 = vector.shape_cast %swap3A_450 : vector<1x16xf32> to vector<16xf32>
      %swap3A_452 = vector.shape_cast %get3A_357 : vector<16xf32> to vector<1x16xf32>
      tpu.vector_store %arg8[%swap3A_448, %swap3A_449], %swap3A_452 {add = true, strides = array<i32>} : memref<16x768xf32, #tpu.memory_space<vmem>>, vector<1x16xf32>,
    }
    %scan3A_271 = arith.constant 48 : i32
    %div3A_272 = arith.constant 152 : i32
    %div3A_273 = arith.constant 2 : i32
    %div3A_274 = arith.divsi %div3A_272, %div3A_273 : i32
    %rem3A_275 = arith.constant 152 : i32
    %rem3A_276 = arith.constant 2 : i32
    %rem3A_277 = arith.remsi %rem3A_275, %rem3A_276 : i32
    %mul3A_278 = arith.constant 16 : i32
    %mul3A_279 = arith.muli %rem3A_277, %mul3A_278 : i32
    %add3A_280 = arith.addi %mul3A_2, %mul3A_279 : i32
    %dma_start3A_281 = arith.constant 0 : i32
    %dma_start3A_282 = tpu.memref_slice %arg5[%div3A_274, %add3A_280, %dma_start3A_281] : memref<77x1024x768xf32, #tpu.memory_space<hbm>> -> memref<1x16x768xf32, #tpu.memory_space<hbm>>
    %dma_start3A_283 = tpu.memref_squeeze %dma_start3A_282 : memref<1x16x768xf32, #tpu.memory_space<hbm>> -> memref<16x768xf32, #tpu.memory_space<hbm>>
    %dma_start3A_284 = arith.constant 0 : i32
    %dma_start3A_285 = tpu.memref_slice %arg5[%div3A_274, %add3A_280, %dma_start3A_284] : memref<77x1024x768xf32, #tpu.memory_space<hbm>> -> memref<1x16x768xf32, #tpu.memory_space<hbm>>
    %dma_start3A_286 = tpu.memref_squeeze %dma_start3A_285 : memref<1x16x768xf32, #tpu.memory_space<hbm>> -> memref<16x768xf32, #tpu.memory_space<hbm>>
    tpu.enqueue_dma source(%arg8 : memref<16x768xf32, #tpu.memory_space<vmem>>) target(%dma_start3A_286 : memref<16x768xf32, #tpu.memory_space<hbm>>) target_semaphore(%arg16 : memref<!tpu.dma_semaphore, #tpu.memory_space<semaphore_mem>>)
    %get3A_287 = arith.constant 0 : i32
    %get3A_288 = arith.index_cast %get3A_287 : i32 to index
    %get3A_289 = arith.constant 0 : index
    %get3A_290 = tpu.vector_load %arg6[%get3A_288, %get3A_289] {strides = array<i32>} : memref<77x32xi32, #tpu.memory_space<vmem>>, vector<1x16xi32>,
    %get3A_291 = vector.shape_cast %get3A_290 : vector<1x16xi32> to vector<16xi32>
    %dma_wait3A_292 = arith.constant 0 : i32
    %dma_wait3A_293 = arith.constant 0 : i32
    %dma_wait3A_294 = tpu.memref_slice %arg3[%dma_wait3A_292, %dma_wait3A_293] : memref<49408x768xf32, #tpu.memory_space<hbm>> -> memref<49408x768xf32, #tpu.memory_space<hbm>>
    tpu.wait_indirect_dma semaphore(%arg13 : memref<!tpu.dma_semaphore, #tpu.memory_space<semaphore_mem>>) src(%dma_wait3A_294 : memref<49408x768xf32, #tpu.memory_space<hbm>>) dst(%arg9 : memref<16x768xf32, #tpu.memory_space<vmem>>)
    %div3A_295 = arith.constant 153 : i32
    %div3A_296 = arith.constant 2 : i32
    %div3A_297 = arith.divsi %div3A_295, %div3A_296 : i32
    %mul3A_298 = arith.constant 768 : i32
    %mul3A_299 = arith.muli %div3A_297, %mul3A_298 : i32
    %multiple_of3A_300 = tpu.assume_multiple %mul3A_299, 16 : i32
    %scan3A_301 = arith.constant 0 : i32
    %scan3A_302 = arith.constant 0 : i32
    %scan3A_303 = arith.constant 48 : i32
    %scan3A_304 = arith.addi %scan3A_302, %scan3A_303 : i32
    %scan3A_305 = arith.constant 1 : i32
    scf.for %scan3A_350 = %scan3A_302 to %scan3A_304 step %scan3A_305  : i32 {
      %mul3A_351 = arith.constant 16 : i32
      %mul3A_352 = arith.muli %scan3A_350, %mul3A_351 : i32
      %multiple_of3A_353 = tpu.assume_multiple %mul3A_352, 16 : i32
      %add3A_354 = arith.addi %multiple_of3A_300, %multiple_of3A_353 : i32
      %get3A_355 = arith.index_cast %add3A_354 : i32 to index
      %get3A_356 = tpu.vector_load %arg7[%get3A_355] {strides = array<i32>} : memref<59136xf32, #tpu.memory_space<vmem>>, vector<16xf32>,
      %get3A_357 = vector.shape_cast %get3A_356 : vector<16xf32> to vector<16xf32>
      %swap3A = arith.constant 0 : i32
      %swap3A_358 = arith.index_cast %swap3A : i32 to index
      %swap3A_359 = arith.index_cast %multiple_of3A_353 : i32 to index
      %swap3A_360 = tpu.vector_load %arg9[%swap3A_358, %swap3A_359] {strides = array<i32>} : memref<16x768xf32, #tpu.memory_space<vmem>>, vector<1x16xf32>,
      %swap3A_361 = vector.shape_cast %swap3A_360 : vector<1x16xf32> to vector<16xf32>
      %swap3A_362 = vector.shape_cast %get3A_357 : vector<16xf32> to vector<1x16xf32>
      tpu.vector_store %arg9[%swap3A_358, %swap3A_359], %swap3A_362 {add = true, strides = array<i32>} : memref<16x768xf32, #tpu.memory_space<vmem>>, vector<1x16xf32>,
      %swap3A_363 = arith.constant 1 : i32
      %swap3A_364 = arith.index_cast %swap3A_363 : i32 to index
      %swap3A_365 = arith.index_cast %multiple_of3A_353 : i32 to index
      %swap3A_366 = tpu.vector_load %arg9[%swap3A_364, %swap3A_365] {strides = array<i32>} : memref<16x768xf32, #tpu.memory_space<vmem>>, vector<1x16xf32>,
      %swap3A_367 = vector.shape_cast %swap3A_366 : vector<1x16xf32> to vector<16xf32>
      %swap3A_368 = vector.shape_cast %get3A_357 : vector<16xf32> to vector<1x16xf32>
      tpu.vector_store %arg9[%swap3A_364, %swap3A_365], %swap3A_368 {add = true, strides = array<i32>} : memref<16x768xf32, #tpu.memory_space<vmem>>, vector<1x16xf32>,
      %swap3A_369 = arith.constant 2 : i32
      %swap3A_370 = arith.index_cast %swap3A_369 : i32 to index
      %swap3A_371 = arith.index_cast %multiple_of3A_353 : i32 to index
      %swap3A_372 = tpu.vector_load %arg9[%swap3A_370, %swap3A_371] {strides = array<i32>} : memref<16x768xf32, #tpu.memory_space<vmem>>, vector<1x16xf32>,
      %swap3A_373 = vector.shape_cast %swap3A_372 : vector<1x16xf32> to vector<16xf32>
      %swap3A_374 = vector.shape_cast %get3A_357 : vector<16xf32> to vector<1x16xf32>
      tpu.vector_store %arg9[%swap3A_370, %swap3A_371], %swap3A_374 {add = true, strides = array<i32>} : memref<16x768xf32, #tpu.memory_space<vmem>>, vector<1x16xf32>,
      %swap3A_375 = arith.constant 3 : i32
      %swap3A_376 = arith.index_cast %swap3A_375 : i32 to index
      %swap3A_377 = arith.index_cast %multiple_of3A_353 : i32 to index
      %swap3A_378 = tpu.vector_load %arg9[%swap3A_376, %swap3A_377] {strides = array<i32>} : memref<16x768xf32, #tpu.memory_space<vmem>>, vector<1x16xf32>,
      %swap3A_379 = vector.shape_cast %swap3A_378 : vector<1x16xf32> to vector<16xf32>
      %swap3A_380 = vector.shape_cast %get3A_357 : vector<16xf32> to vector<1x16xf32>
      tpu.vector_store %arg9[%swap3A_376, %swap3A_377], %swap3A_380 {add = true, strides = array<i32>} : memref<16x768xf32, #tpu.memory_space<vmem>>, vector<1x16xf32>,
      %swap3A_381 = arith.constant 4 : i32
      %swap3A_382 = arith.index_cast %swap3A_381 : i32 to index
      %swap3A_383 = arith.index_cast %multiple_of3A_353 : i32 to index
      %swap3A_384 = tpu.vector_load %arg9[%swap3A_382, %swap3A_383] {strides = array<i32>} : memref<16x768xf32, #tpu.memory_space<vmem>>, vector<1x16xf32>,
      %swap3A_385 = vector.shape_cast %swap3A_384 : vector<1x16xf32> to vector<16xf32>
      %swap3A_386 = vector.shape_cast %get3A_357 : vector<16xf32> to vector<1x16xf32>
      tpu.vector_store %arg9[%swap3A_382, %swap3A_383], %swap3A_386 {add = true, strides = array<i32>} : memref<16x768xf32, #tpu.memory_space<vmem>>, vector<1x16xf32>,
      %swap3A_387 = arith.constant 5 : i32
      %swap3A_388 = arith.index_cast %swap3A_387 : i32 to index
      %swap3A_389 = arith.index_cast %multiple_of3A_353 : i32 to index
      %swap3A_390 = tpu.vector_load %arg9[%swap3A_388, %swap3A_389] {strides = array<i32>} : memref<16x768xf32, #tpu.memory_space<vmem>>, vector<1x16xf32>,
      %swap3A_391 = vector.shape_cast %swap3A_390 : vector<1x16xf32> to vector<16xf32>
      %swap3A_392 = vector.shape_cast %get3A_357 : vector<16xf32> to vector<1x16xf32>
      tpu.vector_store %arg9[%swap3A_388, %swap3A_389], %swap3A_392 {add = true, strides = array<i32>} : memref<16x768xf32, #tpu.memory_space<vmem>>, vector<1x16xf32>,
      %swap3A_393 = arith.constant 6 : i32
      %swap3A_394 = arith.index_cast %swap3A_393 : i32 to index
      %swap3A_395 = arith.index_cast %multiple_of3A_353 : i32 to index
      %swap3A_396 = tpu.vector_load %arg9[%swap3A_394, %swap3A_395] {strides = array<i32>} : memref<16x768xf32, #tpu.memory_space<vmem>>, vector<1x16xf32>,
      %swap3A_397 = vector.shape_cast %swap3A_396 : vector<1x16xf32> to vector<16xf32>
      %swap3A_398 = vector.shape_cast %get3A_357 : vector<16xf32> to vector<1x16xf32>
      tpu.vector_store %arg9[%swap3A_394, %swap3A_395], %swap3A_398 {add = true, strides = array<i32>} : memref<16x768xf32, #tpu.memory_space<vmem>>, vector<1x16xf32>,
      %swap3A_399 = arith.constant 7 : i32
      %swap3A_400 = arith.index_cast %swap3A_399 : i32 to index
      %swap3A_401 = arith.index_cast %multiple_of3A_353 : i32 to index
      %swap3A_402 = tpu.vector_load %arg9[%swap3A_400, %swap3A_401] {strides = array<i32>} : memref<16x768xf32, #tpu.memory_space<vmem>>, vector<1x16xf32>,
      %swap3A_403 = vector.shape_cast %swap3A_402 : vector<1x16xf32> to vector<16xf32>
      %swap3A_404 = vector.shape_cast %get3A_357 : vector<16xf32> to vector<1x16xf32>
      tpu.vector_store %arg9[%swap3A_400, %swap3A_401], %swap3A_404 {add = true, strides = array<i32>} : memref<16x768xf32, #tpu.memory_space<vmem>>, vector<1x16xf32>,
      %swap3A_405 = arith.constant 8 : i32
      %swap3A_406 = arith.index_cast %swap3A_405 : i32 to index
      %swap3A_407 = arith.index_cast %multiple_of3A_353 : i32 to index
      %swap3A_408 = tpu.vector_load %arg9[%swap3A_406, %swap3A_407] {strides = array<i32>} : memref<16x768xf32, #tpu.memory_space<vmem>>, vector<1x16xf32>,
      %swap3A_409 = vector.shape_cast %swap3A_408 : vector<1x16xf32> to vector<16xf32>
      %swap3A_410 = vector.shape_cast %get3A_357 : vector<16xf32> to vector<1x16xf32>
      tpu.vector_store %arg9[%swap3A_406, %swap3A_407], %swap3A_410 {add = true, strides = array<i32>} : memref<16x768xf32, #tpu.memory_space<vmem>>, vector<1x16xf32>,
      %swap3A_411 = arith.constant 9 : i32
      %swap3A_412 = arith.index_cast %swap3A_411 : i32 to index
      %swap3A_413 = arith.index_cast %multiple_of3A_353 : i32 to index
      %swap3A_414 = tpu.vector_load %arg9[%swap3A_412, %swap3A_413] {strides = array<i32>} : memref<16x768xf32, #tpu.memory_space<vmem>>, vector<1x16xf32>,
      %swap3A_415 = vector.shape_cast %swap3A_414 : vector<1x16xf32> to vector<16xf32>
      %swap3A_416 = vector.shape_cast %get3A_357 : vector<16xf32> to vector<1x16xf32>
      tpu.vector_store %arg9[%swap3A_412, %swap3A_413], %swap3A_416 {add = true, strides = array<i32>} : memref<16x768xf32, #tpu.memory_space<vmem>>, vector<1x16xf32>,
      %swap3A_417 = arith.constant 10 : i32
      %swap3A_418 = arith.index_cast %swap3A_417 : i32 to index
      %swap3A_419 = arith.index_cast %multiple_of3A_353 : i32 to index
      %swap3A_420 = tpu.vector_load %arg9[%swap3A_418, %swap3A_419] {strides = array<i32>} : memref<16x768xf32, #tpu.memory_space<vmem>>, vector<1x16xf32>,
      %swap3A_421 = vector.shape_cast %swap3A_420 : vector<1x16xf32> to vector<16xf32>
      %swap3A_422 = vector.shape_cast %get3A_357 : vector<16xf32> to vector<1x16xf32>
      tpu.vector_store %arg9[%swap3A_418, %swap3A_419], %swap3A_422 {add = true, strides = array<i32>} : memref<16x768xf32, #tpu.memory_space<vmem>>, vector<1x16xf32>,
      %swap3A_423 = arith.constant 11 : i32
      %swap3A_424 = arith.index_cast %swap3A_423 : i32 to index
      %swap3A_425 = arith.index_cast %multiple_of3A_353 : i32 to index
      %swap3A_426 = tpu.vector_load %arg9[%swap3A_424, %swap3A_425] {strides = array<i32>} : memref<16x768xf32, #tpu.memory_space<vmem>>, vector<1x16xf32>,
      %swap3A_427 = vector.shape_cast %swap3A_426 : vector<1x16xf32> to vector<16xf32>
      %swap3A_428 = vector.shape_cast %get3A_357 : vector<16xf32> to vector<1x16xf32>
      tpu.vector_store %arg9[%swap3A_424, %swap3A_425], %swap3A_428 {add = true, strides = array<i32>} : memref<16x768xf32, #tpu.memory_space<vmem>>, vector<1x16xf32>,
      %swap3A_429 = arith.constant 12 : i32
      %swap3A_430 = arith.index_cast %swap3A_429 : i32 to index
      %swap3A_431 = arith.index_cast %multiple_of3A_353 : i32 to index
      %swap3A_432 = tpu.vector_load %arg9[%swap3A_430, %swap3A_431] {strides = array<i32>} : memref<16x768xf32, #tpu.memory_space<vmem>>, vector<1x16xf32>,
      %swap3A_433 = vector.shape_cast %swap3A_432 : vector<1x16xf32> to vector<16xf32>
      %swap3A_434 = vector.shape_cast %get3A_357 : vector<16xf32> to vector<1x16xf32>
      tpu.vector_store %arg9[%swap3A_430, %swap3A_431], %swap3A_434 {add = true, strides = array<i32>} : memref<16x768xf32, #tpu.memory_space<vmem>>, vector<1x16xf32>,
      %swap3A_435 = arith.constant 13 : i32
      %swap3A_436 = arith.index_cast %swap3A_435 : i32 to index
      %swap3A_437 = arith.index_cast %multiple_of3A_353 : i32 to index
      %swap3A_438 = tpu.vector_load %arg9[%swap3A_436, %swap3A_437] {strides = array<i32>} : memref<16x768xf32, #tpu.memory_space<vmem>>, vector<1x16xf32>,
      %swap3A_439 = vector.shape_cast %swap3A_438 : vector<1x16xf32> to vector<16xf32>
      %swap3A_440 = vector.shape_cast %get3A_357 : vector<16xf32> to vector<1x16xf32>
      tpu.vector_store %arg9[%swap3A_436, %swap3A_437], %swap3A_440 {add = true, strides = array<i32>} : memref<16x768xf32, #tpu.memory_space<vmem>>, vector<1x16xf32>,
      %swap3A_441 = arith.constant 14 : i32
      %swap3A_442 = arith.index_cast %swap3A_441 : i32 to index
      %swap3A_443 = arith.index_cast %multiple_of3A_353 : i32 to index
      %swap3A_444 = tpu.vector_load %arg9[%swap3A_442, %swap3A_443] {strides = array<i32>} : memref<16x768xf32, #tpu.memory_space<vmem>>, vector<1x16xf32>,
      %swap3A_445 = vector.shape_cast %swap3A_444 : vector<1x16xf32> to vector<16xf32>
      %swap3A_446 = vector.shape_cast %get3A_357 : vector<16xf32> to vector<1x16xf32>
      tpu.vector_store %arg9[%swap3A_442, %swap3A_443], %swap3A_446 {add = true, strides = array<i32>} : memref<16x768xf32, #tpu.memory_space<vmem>>, vector<1x16xf32>,
      %swap3A_447 = arith.constant 15 : i32
      %swap3A_448 = arith.index_cast %swap3A_447 : i32 to index
      %swap3A_449 = arith.index_cast %multiple_of3A_353 : i32 to index
      %swap3A_450 = tpu.vector_load %arg9[%swap3A_448, %swap3A_449] {strides = array<i32>} : memref<16x768xf32, #tpu.memory_space<vmem>>, vector<1x16xf32>,
      %swap3A_451 = vector.shape_cast %swap3A_450 : vector<1x16xf32> to vector<16xf32>
      %swap3A_452 = vector.shape_cast %get3A_357 : vector<16xf32> to vector<1x16xf32>
      tpu.vector_store %arg9[%swap3A_448, %swap3A_449], %swap3A_452 {add = true, strides = array<i32>} : memref<16x768xf32, #tpu.memory_space<vmem>>, vector<1x16xf32>,
    }
    %scan3A_306 = arith.constant 48 : i32
    %div3A_307 = arith.constant 153 : i32
    %div3A_308 = arith.constant 2 : i32
    %div3A_309 = arith.divsi %div3A_307, %div3A_308 : i32
    %rem3A_310 = arith.constant 153 : i32
    %rem3A_311 = arith.constant 2 : i32
    %rem3A_312 = arith.remsi %rem3A_310, %rem3A_311 : i32
    %mul3A_313 = arith.constant 16 : i32
    %mul3A_314 = arith.muli %rem3A_312, %mul3A_313 : i32
    %add3A_315 = arith.addi %mul3A_2, %mul3A_314 : i32
    %dma_start3A_316 = arith.constant 0 : i32
    %dma_start3A_317 = tpu.memref_slice %arg5[%div3A_309, %add3A_315, %dma_start3A_316] : memref<77x1024x768xf32, #tpu.memory_space<hbm>> -> memref<1x16x768xf32, #tpu.memory_space<hbm>>
    %dma_start3A_318 = tpu.memref_squeeze %dma_start3A_317 : memref<1x16x768xf32, #tpu.memory_space<hbm>> -> memref<16x768xf32, #tpu.memory_space<hbm>>
    %dma_start3A_319 = arith.constant 0 : i32
    %dma_start3A_320 = tpu.memref_slice %arg5[%div3A_309, %add3A_315, %dma_start3A_319] : memref<77x1024x768xf32, #tpu.memory_space<hbm>> -> memref<1x16x768xf32, #tpu.memory_space<hbm>>
    %dma_start3A_321 = tpu.memref_squeeze %dma_start3A_320 : memref<1x16x768xf32, #tpu.memory_space<hbm>> -> memref<16x768xf32, #tpu.memory_space<hbm>>
    tpu.enqueue_dma source(%arg9 : memref<16x768xf32, #tpu.memory_space<vmem>>) target(%dma_start3A_321 : memref<16x768xf32, #tpu.memory_space<hbm>>) target_semaphore(%arg17 : memref<!tpu.dma_semaphore, #tpu.memory_space<semaphore_mem>>)
    %dma_wait3A_322 = arith.constant 0 : i32
    %dma_wait3A_323 = arith.constant 0 : i32
    %dma_wait3A_324 = tpu.memref_slice %arg5[%dma_wait3A_322, %mul3A_2, %dma_wait3A_323] : memref<77x1024x768xf32, #tpu.memory_space<hbm>> -> memref<1x16x768xf32, #tpu.memory_space<hbm>>
    %dma_wait3A_325 = tpu.memref_squeeze %dma_wait3A_324 : memref<1x16x768xf32, #tpu.memory_space<hbm>> -> memref<16x768xf32, #tpu.memory_space<hbm>>
    %dma_wait3A_326 = arith.constant 0 : i32
    %dma_wait3A_327 = tpu.memref_slice %arg5[%dma_wait3A_322, %mul3A_2, %dma_wait3A_326] : memref<77x1024x768xf32, #tpu.memory_space<hbm>> -> memref<1x16x768xf32, #tpu.memory_space<hbm>>
    %dma_wait3A_328 = tpu.memref_squeeze %dma_wait3A_327 : memref<1x16x768xf32, #tpu.memory_space<hbm>> -> memref<16x768xf32, #tpu.memory_space<hbm>>
    tpu.wait_dma2 semaphore(%arg16 : memref<!tpu.dma_semaphore, #tpu.memory_space<semaphore_mem>>) src(%arg8 : memref<16x768xf32, #tpu.memory_space<vmem>>) dst(%dma_wait3A_328 : memref<16x768xf32, #tpu.memory_space<hbm>>)
    %dma_wait3A_329 = arith.constant 0 : i32
    %dma_wait3A_330 = arith.constant 0 : i32
    %dma_wait3A_331 = tpu.memref_slice %arg5[%dma_wait3A_329, %mul3A_2, %dma_wait3A_330] : memref<77x1024x768xf32, #tpu.memory_space<hbm>> -> memref<1x16x768xf32, #tpu.memory_space<hbm>>
    %dma_wait3A_332 = tpu.memref_squeeze %dma_wait3A_331 : memref<1x16x768xf32, #tpu.memory_space<hbm>> -> memref<16x768xf32, #tpu.memory_space<hbm>>
    %dma_wait3A_333 = arith.constant 0 : i32
    %dma_wait3A_334 = tpu.memref_slice %arg5[%dma_wait3A_329, %mul3A_2, %dma_wait3A_333] : memref<77x1024x768xf32, #tpu.memory_space<hbm>> -> memref<1x16x768xf32, #tpu.memory_space<hbm>>
    %dma_wait3A_335 = tpu.memref_squeeze %dma_wait3A_334 : memref<1x16x768xf32, #tpu.memory_space<hbm>> -> memref<16x768xf32, #tpu.memory_space<hbm>>
    tpu.wait_dma2 semaphore(%arg17 : memref<!tpu.dma_semaphore, #tpu.memory_space<semaphore_mem>>) src(%arg9 : memref<16x768xf32, #tpu.memory_space<vmem>>) dst(%dma_wait3A_335 : memref<16x768xf32, #tpu.memory_space<hbm>>)
    %dma_wait3A_336 = arith.constant 0 : i32
    %dma_wait3A_337 = arith.constant 0 : i32
    %dma_wait3A_338 = tpu.memref_slice %arg5[%dma_wait3A_336, %mul3A_2, %dma_wait3A_337] : memref<77x1024x768xf32, #tpu.memory_space<hbm>> -> memref<1x16x768xf32, #tpu.memory_space<hbm>>
    %dma_wait3A_339 = tpu.memref_squeeze %dma_wait3A_338 : memref<1x16x768xf32, #tpu.memory_space<hbm>> -> memref<16x768xf32, #tpu.memory_space<hbm>>
    %dma_wait3A_340 = arith.constant 0 : i32
    %dma_wait3A_341 = tpu.memref_slice %arg5[%dma_wait3A_336, %mul3A_2, %dma_wait3A_340] : memref<77x1024x768xf32, #tpu.memory_space<hbm>> -> memref<1x16x768xf32, #tpu.memory_space<hbm>>
    %dma_wait3A_342 = tpu.memref_squeeze %dma_wait3A_341 : memref<1x16x768xf32, #tpu.memory_space<hbm>> -> memref<16x768xf32, #tpu.memory_space<hbm>>
    tpu.wait_dma2 semaphore(%arg18 : memref<!tpu.dma_semaphore, #tpu.memory_space<semaphore_mem>>) src(%arg10 : memref<16x768xf32, #tpu.memory_space<vmem>>) dst(%dma_wait3A_342 : memref<16x768xf32, #tpu.memory_space<hbm>>)
    %dma_wait3A_343 = arith.constant 0 : i32
    %dma_wait3A_344 = arith.constant 0 : i32
    %dma_wait3A_345 = tpu.memref_slice %arg5[%dma_wait3A_343, %mul3A_2, %dma_wait3A_344] : memref<77x1024x768xf32, #tpu.memory_space<hbm>> -> memref<1x16x768xf32, #tpu.memory_space<hbm>>
    %dma_wait3A_346 = tpu.memref_squeeze %dma_wait3A_345 : memref<1x16x768xf32, #tpu.memory_space<hbm>> -> memref<16x768xf32, #tpu.memory_space<hbm>>
    %dma_wait3A_347 = arith.constant 0 : i32
    %dma_wait3A_348 = tpu.memref_slice %arg5[%dma_wait3A_343, %mul3A_2, %dma_wait3A_347] : memref<77x1024x768xf32, #tpu.memory_space<hbm>> -> memref<1x16x768xf32, #tpu.memory_space<hbm>>
    %dma_wait3A_349 = tpu.memref_squeeze %dma_wait3A_348 : memref<1x16x768xf32, #tpu.memory_space<hbm>> -> memref<16x768xf32, #tpu.memory_space<hbm>>
    tpu.wait_dma2 semaphore(%arg19 : memref<!tpu.dma_semaphore, #tpu.memory_space<semaphore_mem>>) src(%arg11 : memref<16x768xf32, #tpu.memory_space<vmem>>) dst(%dma_wait3A_349 : memref<16x768xf32, #tpu.memory_space<hbm>>)
    return
  }
}

</mosaic_0001>

<sc_bundles>
// kernel: kernel.3.cloned.1.call-start
scs
__scs_entry_jumppad:
0x0: {  	(pc) =	sbr.rel $0x88, $3  }
0x1: {  	(tag) =	ssettag $0x0;
	lr =	simm.s32 $0x1  }
0x2: {  	[smem:$0x3F9E] =	sst lr;
	_ =	strace $0xD0000000  }
0x3: {  	_ = 	snop  }
0x4: {  	_ = 	snop  }
0x5: {  	_ = 	snop  }
0x6: {  	_ = 	snop  }
0x7: {  	_ = 	snop  }
__scs_overlays_trampoline_lowered:
0x8: {  	[smem:$0x3FAD] =	sst s0  }
0x9: {  	[smem:$0x3FAE] =	sst s1  }
0xa: {  	[smem:$0x3FAF] =	sst s2  }
0xb: {  	[smem:$0x3FB0] =	sst s3  }
0xc: {  	[smem:$0x3FB1] =	sst s4  }
0xd: {  	[smem:$0x3FB2] =	sst s5  }
0xe: {  	[smem:$0x3FB3] =	sst s6  }
0xf: {  	[smem:$0x3FB4] =	sst s7  }
0x10: {  	[smem:$0x3FB5] =	sst s8  }
0x11: {  	[smem:$0x3FB6] =	sst s9;
	s0 =	simm.s32 @!p0 $0x0  }
0x12: {  	s1 =	sld [smem:$0x3F9C];
	s0 =	simm.s32 @p0 $0x1  }
0x13: {  	[smem:$0x3FB7] =	sst s0;
	s0 =	simm.s32 @!p1 $0x0  }
0x14: {  	s2 =	sld [smem:$0x3F9B];
	s0 =	simm.s32 @p1 $0x1  }
0x15: {  	[smem:$0x3FB8] =	sst s0;
	s0 =	simm.s32 @!p2 $0x0  }
0x16: {  	s3 =	sld [smem:$0x3FDB];
	s0 =	simm.s32 @p2 $0x1  }
0x17: {  	s4 =	simm.s32 $0x1BF5;
	[smem:$0x3FBA] =	sst s0  }
0x18: {  	s0 =	sld [smem:$0x3F9D];
	_ =	swait.ge [sflag:s4], $0x0  }
0x19: {  	s7 =	sld [smem:$0x3F9E]  }
0x1a: {  	s8 =	sadd.s32 $0xFFFFE003, lr  }
0x1b: {  	s9 =	sadd.s32 $0xFFFFFEF7, lr;
	s5 =	simm.s32 $0xFFFFFFFF;
	p2 =	slt.u32 s8, $0xFFFFF086  }
0x1c: {  	p1 =	slt.u32 s9, $0xF7A;
	s5 =	simm.s32 @!p2 $0x0  }
0x1d: {  	s5 =	simm.s32 @p1 $0x1;
	p0 =	seq.s32 s7, s2  }
0x1e: {  	s7 =	smul.u32 @!p0 $0xF7A, s2;
	p2 =	seq.s32 @!p0 s5, $0x0  }
0x1f: {  	s9 =	smul.u32 $0xF7A, s1;
	s8 =	simm.s32 @!p0 $0x1BF5;
	p2 =	por !p2, p0  }
0x20: {  	[sflag:s8] =	ssyncset.s32 @!p0 $0xFFFFF086;
	s6 =	sadd.s32 @!p0 s3, s7;
	s7 =	simm.s32 @!p0 $0x108  }
0x21: {  	s3 =	sadd.s32 s3, s9;
	s6 =	sadd.s32 @!p0 $0x88, s6;
	s7 =	simm.s32 @p2 $0x1082  }
0x22: {  	[simem:s7], [sflag:s8] =	dma.local @!p0 [hbm:s6], $0xF7A  }
0x23: {  	s9 =	sor.u32 $0xD0000000, s2;
	s6 =	simm.s32 $0x108;
	_ =	swait.ge @!p0 [sflag:s8], $0x0  }
0x24: {  	s3 =	sadd.s32 $0x88, s3;
	s6 =	simm.s32 @!p1 $0x1082;
	[sflag:s4] =	ssyncset.s32 $0xFFFFF086  }
0x25: {  	[simem:s6], [sflag:s4] =	dma.local [hbm:s3], $0xF7A  }
0x26: {  	[smem:$0x3F9E] =	sst s1;
	(tag) =	ssettag s2;
	_ =	strace s9  }
0x27: {  	s1 =	sld [smem:$0x3FAE]  }
0x28: {  	s2 =	sld [smem:$0x3FAF]  }
0x29: {  	s4 =	sld [smem:$0x3FB1]  }
0x2a: {  	p0 =	seq.s32 s5, $0x0;
	s5 =	sld [smem:$0x3FB2]  }
0x2b: {  	s6 =	sld [smem:$0x3FB3]  }
0x2c: {  	s7 =	sld [smem:$0x3FB4]  }
0x2d: {  	s3 =	simm.s32 $0x108;
	s8 =	sld [smem:$0x3FB5]  }
0x2e: {  	s3 =	simm.s32 @!p0 $0x1082;
	s9 =	sld [smem:$0x3FB6]  }
0x2f: {  	lr =	sadd.s32 s0, s3;
	s0 =	sld [smem:$0x3FAD]  }
0x30: {  	s3 =	sld [smem:$0x3FB0]  }
0x31: {  	[smem:$0x3FB9] =	sst s10  }
0x32: {  	s10 =	sld [smem:$0x3FB7];
	_ =	sdelay $0x3  }
0x33: {  	p0 =	seq.s32 s10, $0x1;
	s10 =	sld [smem:$0x3FB9];
	_ =	sdelay $0x3  }
0x34: {  	[smem:$0x3FB9] =	sst s10  }
0x35: {  	s10 =	sld [smem:$0x3FB8];
	_ =	sdelay $0x3  }
0x36: {  	p1 =	seq.s32 s10, $0x1;
	s10 =	sld [smem:$0x3FB9];
	_ =	sdelay $0x3  }
0x37: {  	[smem:$0x3FB9] =	sst s10  }
0x38: {  	s10 =	sld [smem:$0x3FBA]  }
0x39: {  	_ = 	snop;
	(pc) =	sbr.ind lr, $3  }
0x3a: {  	_ = 	snop  }
0x3b: {  	_ = 	snop  }
0x3c: {  	p2 =	seq.s32 s10, $0x1;
	s10 =	sld [smem:$0x3FB9]  }
0x3d: {  	_ =	shalt  }
0x3e: {  	_ =	shalt  }
0x3f: {  	_ =	shalt  }
0x40: {  	_ =	shalt  }
0x41: {  	_ =	shalt  }
0x42: {  	_ =	shalt  }
0x43: {  	_ =	shalt  }
0x44: {  	_ =	shalt  }
0x45: {  	_ =	shalt  }
0x46: {  	_ =	shalt  }
0x47: {  	_ =	shalt  }
0x48: {  	_ =	shalt  }
0x49: {  	_ =	shalt  }
0x4a: {  	_ =	shalt  }
0x4b: {  	_ =	shalt  }
0x4c: {  	_ =	shalt  }
0x4d: {  	_ =	shalt  }
0x4e: {  	_ =	shalt  }
0x4f: {  	_ =	shalt  }
0x50: {  	_ =	shalt  }
0x51: {  	_ =	shalt  }
0x52: {  	_ =	shalt  }
0x53: {  	_ =	shalt  }
0x54: {  	_ =	shalt  }
0x55: {  	_ =	shalt  }
0x56: {  	_ =	shalt  }
0x57: {  	_ =	shalt  }
0x58: {  	_ =	shalt  }
0x59: {  	_ =	shalt  }
0x5a: {  	_ =	shalt  }
0x5b: {  	_ =	shalt  }
0x5c: {  	_ =	shalt  }
0x5d: {  	_ =	shalt  }
0x5e: {  	_ =	shalt  }
0x5f: {  	_ =	shalt  }
0x60: {  	_ =	shalt  }
0x61: {  	_ =	shalt  }
0x62: {  	_ =	shalt  }
0x63: {  	_ =	shalt  }
0x64: {  	_ =	shalt  }
0x65: {  	_ =	shalt  }
0x66: {  	_ =	shalt  }
0x67: {  	_ =	shalt  }
0x68: {  	_ =	shalt  }
0x69: {  	_ =	shalt  }
0x6a: {  	_ =	shalt  }
0x6b: {  	_ =	shalt  }
0x6c: {  	_ =	shalt  }
0x6d: {  	_ =	shalt  }
0x6e: {  	_ =	shalt  }
0x6f: {  	_ =	shalt  }
0x70: {  	_ =	shalt  }
0x71: {  	_ =	shalt  }
0x72: {  	_ =	shalt  }
0x73: {  	_ =	shalt  }
0x74: {  	_ =	shalt  }
0x75: {  	_ =	shalt  }
0x76: {  	_ =	shalt  }
0x77: {  	_ =	shalt  }
0x78: {  	_ =	shalt  }
0x79: {  	_ =	shalt  }
0x7a: {  	_ =	shalt  }
0x7b: {  	_ =	shalt  }
0x7c: {  	_ =	shalt  }
0x7d: {  	_ =	shalt  }
0x7e: {  	_ =	shalt  }
0x7f: {  	_ =	shalt  }
0x80: {  	_ =	shalt  }
0x81: {  	_ =	shalt  }
0x82: {  	_ =	shalt  }
0x83: {  	_ =	shalt  }
0x84: {  	_ =	shalt  }
0x85: {  	_ =	shalt  }
0x86: {  	_ =	shalt  }
0x87: {  	_ =	shalt  }
.Lfunc_end0:
.L_simem_size_0:
called_computation_lowered:
.L_overlay_start_0:
0x88: {  	s2 =	sld [smem:$0x3FD9]  }
0x89: {  	s3 =	sld [smem:$0x3FFE];
	_ =	sdelay $0x1  }
0x8a: {  	s1 =	srdreg.scid  }
0x8b: {  	s0 =	sand.u32 $0x1, s1  }
0x8c: {  	s17 =	sshll.u32 s0, $0xA;
	s2 =	sadd.s32 s3, s2  }
0x8d: {  	s2 =	sadd.s32 s2, s17  }
0x8e: {  	[smem:$0x3FC5] =	sst s2  }
0x8f: {  	_ = 	snop  }
0x90: {  	s2 =	sld [smem:$0x3FC8]  }
0x91: {  	s18 =	sld [smem:$0x3FD0];
	(tm) =	ssettm $0x1  }
0x92: {  	s4 =	sld [smem:$0x3FFB];
	_ =	sdelay $0x3  }
0x93: {  	_ =	strace s4  }
0x94: {  	s4 =	sld [smem:$0x3FFC];
	_ =	sdelay $0x3  }
0x95: {  	_ =	strace s4  }
0x96: {  	s4 =	sld [smem:$0x3FFD];
	_ =	sdelay $0x3  }
0x97: {  	_ =	strace s4  }
0x98: {  	_ =	strace $0x8FFFFFFF  }
0x99: {  	s19 =	sld [smem:$0x3FDB];
	_ =	sdelay $0x1  }
0x9a: {  	s5 =	simm.s32 $_scs_section_size  }
0x9b: {  	s6 =	simm.s32 $_size__tile_overlayer_lowered;
	s7 =	simm.s32 $_tile_overlayer_lowered  }
0x9c: {  	s22 =	simm.s32 $0x1BFF;
	s21 =	sshll.u32 s7, $0x1;
	s4 =	sadd.s32 s5, s19  }
0x9d: {  	s8 =	simm.s32 $0x0;
	s20 =	sshll.u32 s6, $0x1;
	s6 =	sadd.s32 s21, s4  }
0x9e: {  	[timem:s8], [sflag:s22] =	dma.local [hbm:s6], s20  }
0x9f: {  	_ =	swait.ge [sflag:s22], s20  }
0xa0: {  	s5 =	ssub.s32 $0x0, s20;
	[sflag:s22] =	ssyncset.done $0x0  }
0xa1: {  	[sflag:s22] =	ssyncadd.s32 s5;
	_ =	sdelay $0x1  }
0xa2: {  	s23 =	simm.s32 $0x1B8B  }
0xa3: {  	_ =	swait.ge [sflag:s23], $0x1  }
0xa4: {  	[sflag:s23] =	ssyncset.done $0x0  }
0xa5: {  	s25 =	simm.s32 $0x1B8E;
	s24 =	sld [smem:$0x3FFE];
	[sflag:s23] =	ssyncadd.s32 $0xFFFFFFFF  }
0xa6: {  	s26 =	simm.s32 $execute0_lowered;
	[smem:$0x3FD2] =	sst s25  }
0xa7: {  	s6 =	sshll.u32 s26, $0x1;
	_ =	strace $0x80000046;
	[dreg:$0x1] =	wrdreg $0xFFFFFFFF  }
0xa8: {  	s28 =	simm.s32 $_size_execute0_lowered;
	s4 =	sadd.s32 s4, s6;
	[dreg:$0x0] =	wrdreg $0x0  }
0xa9: {  	s6 =	sshll.u32 s28, $0x1;
	[dreg:$0x2] =	wrdreg s4  }
0xaa: {  	[dreg:$0x3] =	wrdreg s6  }
0xab: {  	[dreg:$0x4] =	wrdreg $0xC0  }
0xac: {  	_ =	task [dreg:s8], $0x5FFFF  }
0xad: {  	[dreg:$0x1] =	wrdreg $0xFFFFFFFF  }
0xae: {  	[dreg:$0x0] =	wrdreg $0x60  }
0xaf: {  	[dreg:$0x2] =	wrdreg s24  }
0xb0: {  	[dreg:$0x3] =	wrdreg s2  }
0xb1: {  	[dreg:$0x4] =	wrdreg s18  }
0xb2: {  	[dreg:$0x5] =	wrdreg $0x9  }
0xb3: {  	_ =	task.clear_ibuf [dreg:s8], $0x6FFFF;
	_ =	strace $0x90000046  }
0xb4: {  	s29 =	simm.s32 $0x9;
	_ =	strace $0x80000048  }
0xb5: {  	_ =	swait.ge [sflag:s29], $0x1  }
0xb6: {  	[sflag:s29] =	ssyncadd.s32 $0xFFFFFFFF  }
0xb7: {  	_ =	strace $0x90000048  }
0xb8: {  	_ =	sfence  }
0xb9: {  	s30 =	sld [smem:$0x0];
	_ =	sdelay $0x2  }
0xba: {  	s31 =	sshll.u32 s1, $0xD;
	s1 =	sshrl.u32 s1, $0x2  }
0xbb: {  	s3 =	sand.u32 $0x4000, s31;
	s1 =	sadd.s32 s1, s30  }
0xbc: {  	s0 =	sor.u32 s3, s0;
	s1 =	sshll.u32 s1, $0x11  }
0xbd: {  	s0 =	sor.u32 s1, s0  }
0xbe: {  	s0 =	sadd.s32 $0x8F2B, s0  }
0xbf: {  	[sflag:s0] =	ssyncadd.remote.s32 $0x1  }
0xc0: {  	_ =	sfence.sel $0xFFFF  }
0xc1: {  	[dreg:$0x0] =	wrdreg $0xFFFFFFFF;
	(pc) =	sbr.abs _section_cstart, $3  }
0xc2: {  	[dreg:$0x1] =	wrdreg $0xFFFFFFFF  }
0xc3: {  	_ =	task.clear_ibuf [dreg:s8], $0x2FFFF;
	_ =	strace $0x9FFFFFFF  }
0xc4: {  	(tm) =	ssettm $0x7FFFFFFF  }
0xc5: {  	_ =	shalt  }
tec
execute0_lowered:
.L_overlay_start_1:
0x0: {  	(tag) =	ssettag $0x1  }
0x1: {  	s0 =	rddreg [dreg:$0x0]  }
0x2: {  	s2 =	rddreg [dreg:$0x1];
	s1 =	srdreg.scid  }
0x3: {  	s4 =	stileid.u32;
	s3 =	rddreg [dreg:$0x2]  }
0x4: {  	s19 =	simm.s32 $0x10F00;
	s14 =	simm.s32 $0x1;
	s15 =	simm.s32 $0x19F00  }
0x5: {  	s7 =	simm.s32 $0x5;
	s1 =	sand.u32 $0x1, s1;
	s5 =	sshll.u32 s4, $0x1  }
0x6: {  	s12 =	simm.s32 $0x3;
	s13 =	simm.s32 $0x6;
	s5 =	sor.u32 s1, s5  }
0x7: {  	s16 =	simm.s32 $0x4;
	s4 =	simm.s32 $0x0;
	s6 =	smul.u32 $0x500, s5  }
0x8: {  	[smem:$0x7FF] =	sst s4;
	s1 =	ssub.s32 $0x2, s1;
	s5 =	smul.u32 $0x6000, s5  }
0x9: {  	_ =	strace $0x80000047;
	s24 =	sshrl.u32 s1, $0x1;
	s6 =	sadd.s32 s6, s0  }
0xa: {  	s0 =	sadd.s32 $0x400, s0;
	s8 =	sadd.s32 $0x3000, s5;
	s26 =	sshrl.u32 s5, $0x3  }
0xb: {  	[dreg:$0x4] =	wrdreg s0;
	s0 =	ssub.s32 s1, s24;
	s25 =	sadd.s32 $0x2200, s6  }
0xc: {  	s28 =	sshrl.u32 s8, $0x3;
	s1 =	sadd.s32 s3, s26;
	[dreg:$0x5] =	wrdreg s25  }
0xd: {  	s17 =	simm.s32 $0x7;
	s6 =	sadd.s32 s3, s28;
	[dreg:$0x6] =	wrdreg s1  }
0xe: {  	s11 =	simm.s32 $0x8;
	s29 =	sadd.s32 $0x18000, s1;
	[dreg:$0x7] =	wrdreg s6  }
0xf: {  	s18 =	simm.s32 $0x0;
	s30 =	sadd.s32 $0x18600, s1;
	[dreg:$0x8] =	wrdreg s29  }
0x10: {  	s9 =	sadd.s32 $0x100, s2;
	s31 =	sadd.s32 $0x720000, s1;
	[dreg:$0x9] =	wrdreg s30  }
0x11: {  	v2 =	vlaneseq.u32;
	s10 =	sadd.s32 $0x200, s2;
	s1 =	sadd.s32 $0x720600, s1;
	[dreg:$0xa] =	wrdreg s31  }
0x12: {  	vm0 =	vmmov $0xffff;
	v1 =	vshrl.u32 v2, $0x3;
	s0 =	smax.u32 s0, $0x1;
	s25 =	simm.s32 $0x13F00;
	[dreg:$0xb] =	wrdreg s1  }
0x13: {  	v0 =	vand.u32 $0x7, v2;
	v2 =	vor.u32 $0x8, v2;
	v1 =	vmul.u32 $0x8, v1;
	[dreg:$0xc] =	wrdreg s0;
	s1 =	simm.s32 $0x16F00;
	s6 =	simm.s32 $0x2  }
.LBB2_1:
0x14: {  	[dreg:$0xd] =	wrdreg s18  }
0x15: {  	s0 =	rddreg [dreg:$0x5];
	s20 =	simm.s32 $0x9  }
0x16: {  	[tilespmem:s4], [sflag:$0x9] =	stream.linear.gather [hbm4b:s0+s4], $0x2680, $0x38;
	[tilespmem:$0x1CF00] =	vst v63  }
0x17: {  	_ =	swait.ge [sflag:s20], $0x2680  }
0x18: {  	[sflag:s20] =	ssyncset.done $0x0  }
0x19: {  	s0 =	simm.s32 $0x2800;
	s21 =	rddreg [dreg:$0x4];
	[sflag:s20] =	ssyncadd.s32 $0xFFFFD980  }
0x1a: {  	[tilespmem:s0], [sflag:$0x9] =	stream.linear.gather [hbm4b:s21+s4], $0xE700, $0x38;
	[tilespmem:$0x1CF00] =	vst v63  }
0x1b: {  	_ =	swait.ge [sflag:s20], $0xE700  }
0x1c: {  	[sflag:s20] =	ssyncset.done $0x0  }
0x1d: {  	[sflag:s20] =	ssyncadd.s32 $0xFFFF1900  }
0x1e: {  	v3 =	vld [tilespmem:$0x0];
	_ =	sdelay $0x4  }
0x1f: {  	v4 =	vshrl.u32 v3, $0x3  }
0x20: {  	v4 =	vmul.u32 $0x30, v4  }
0x21: {  	v3 =	vand.u32 $0x7, v3  }
0x22: {  	v3 =	vor.u32 v3, v4  }
0x23: {  	v4 =	vperm.xlane v3, v0;
	_ =	sdelay $0x1  }
0x24: {  	v4 =	vadd.s32 v1, v4;
	_ =	sdelay $0x3  }
0x25: {  	v3 =	vperm.xlane v3, v2  }
0x26: {  	[tilespmem:s19], [sflag:$0x1] =	stream.indirect_vreg.gather [hbm4b:s2+s4], $0x80, v4, vm0, $0xb8;
	[tilespmem:$0x1CF00] =	vst v63  }
0x27: {  	s22 =	simm.s32 $0x11700;
	v3 =	vadd.s32 v1, v3  }
0x28: {  	[tilespmem:s22], [sflag:$0x1] =	stream.indirect_vreg.gather [hbm4b:s9+s4], $0x80, v4, vm0, $0xb8;
	[tilespmem:$0x1CF00] =	vst v63  }
0x29: {  	s23 =	simm.s32 $0x11F00  }
0x2a: {  	[tilespmem:s23], [sflag:$0x1] =	stream.indirect_vreg.gather [hbm4b:s10+s4], $0x80, v4, vm0, $0xb8;
	[tilespmem:$0x1CF00] =	vst v63  }
0x2b: {  	s24 =	simm.s32 $0x12700  }
0x2c: {  	[tilespmem:s24], [sflag:$0x1] =	stream.indirect_vreg.gather [hbm4b:s2+s4], $0x80, v3, vm0, $0xb8;
	[tilespmem:$0x1CF00] =	vst v63  }
0x2d: {  	s26 =	simm.s32 $0x12F00  }
0x2e: {  	[tilespmem:s26], [sflag:$0x1] =	stream.indirect_vreg.gather [hbm4b:s9+s4], $0x80, v3, vm0, $0xb8;
	[tilespmem:$0x1CF00] =	vst v63  }
0x2f: {  	s28 =	simm.s32 $0x13700  }
0x30: {  	[tilespmem:s28], [sflag:$0x1] =	stream.indirect_vreg.gather [hbm4b:s10+s4], $0x80, v3, vm0, $0xb8;
	[tilespmem:$0x1CF00] =	vst v63  }
0x31: {  	v3 =	vld [tilespmem:$0x10];
	_ =	sdelay $0x4  }
0x32: {  	v4 =	vshrl.u32 v3, $0x3  }
0x33: {  	v4 =	vmul.u32 $0x30, v4  }
0x34: {  	v3 =	vand.u32 $0x7, v3  }
0x35: {  	v3 =	vor.u32 v3, v4  }
0x36: {  	v4 =	vperm.xlane v3, v0;
	_ =	sdelay $0x1  }
0x37: {  	v4 =	vadd.s32 v1, v4;
	_ =	sdelay $0x3  }
0x38: {  	v3 =	vperm.xlane v3, v2  }
0x39: {  	[tilespmem:s25], [sflag:$0x2] =	stream.indirect_vreg.gather [hbm4b:s2+s4], $0x80, v4, vm0, $0xb8;
	[tilespmem:$0x1CF00] =	vst v63  }
0x3a: {  	s29 =	simm.s32 $0x14700;
	v3 =	vadd.s32 v1, v3  }
0x3b: {  	[tilespmem:s29], [sflag:$0x2] =	stream.indirect_vreg.gather [hbm4b:s9+s4], $0x80, v4, vm0, $0xb8;
	[tilespmem:$0x1CF00] =	vst v63  }
0x3c: {  	s30 =	simm.s32 $0x14F00  }
0x3d: {  	[tilespmem:s30], [sflag:$0x2] =	stream.indirect_vreg.gather [hbm4b:s10+s4], $0x80, v4, vm0, $0xb8;
	[tilespmem:$0x1CF00] =	vst v63  }
0x3e: {  	s31 =	simm.s32 $0x15700  }
0x3f: {  	[tilespmem:s31], [sflag:$0x2] =	stream.indirect_vreg.gather [hbm4b:s2+s4], $0x80, v3, vm0, $0xb8;
	[tilespmem:$0x1CF00] =	vst v63  }
0x40: {  	s20 =	simm.s32 $0x15F00  }
0x41: {  	[tilespmem:s20], [sflag:$0x2] =	stream.indirect_vreg.gather [hbm4b:s9+s4], $0x80, v3, vm0, $0xb8;
	[tilespmem:$0x1CF00] =	vst v63  }
0x42: {  	s21 =	simm.s32 $0x16700  }
0x43: {  	[tilespmem:s21], [sflag:$0x2] =	stream.indirect_vreg.gather [hbm4b:s10+s4], $0x80, v3, vm0, $0xb8;
	[tilespmem:$0x1CF00] =	vst v63  }
0x44: {  	v3 =	vld [tilespmem:$0x80];
	_ =	sdelay $0x4  }
0x45: {  	v4 =	vshrl.u32 v3, $0x3  }
0x46: {  	v4 =	vmul.u32 $0x30, v4  }
0x47: {  	v3 =	vand.u32 $0x7, v3  }
0x48: {  	v3 =	vor.u32 v3, v4  }
0x49: {  	v4 =	vperm.xlane v3, v0;
	_ =	sdelay $0x1  }
0x4a: {  	v4 =	vadd.s32 v1, v4;
	_ =	sdelay $0x3  }
0x4b: {  	v3 =	vperm.xlane v3, v2  }
0x4c: {  	[tilespmem:s1], [sflag:$0x3] =	stream.indirect_vreg.gather [hbm4b:s2+s4], $0x80, v4, vm0, $0xb8;
	[tilespmem:$0x1CF00] =	vst v63  }
0x4d: {  	s22 =	simm.s32 $0x17700;
	v3 =	vadd.s32 v1, v3  }
0x4e: {  	[tilespmem:s22], [sflag:$0x3] =	stream.indirect_vreg.gather [hbm4b:s9+s4], $0x80, v4, vm0, $0xb8;
	[tilespmem:$0x1CF00] =	vst v63  }
0x4f: {  	s23 =	simm.s32 $0x17F00  }
0x50: {  	[tilespmem:s23], [sflag:$0x3] =	stream.indirect_vreg.gather [hbm4b:s10+s4], $0x80, v4, vm0, $0xb8;
	[tilespmem:$0x1CF00] =	vst v63  }
0x51: {  	s24 =	simm.s32 $0x18700  }
0x52: {  	[tilespmem:s24], [sflag:$0x3] =	stream.indirect_vreg.gather [hbm4b:s2+s4], $0x80, v3, vm0, $0xb8;
	[tilespmem:$0x1CF00] =	vst v63  }
0x53: {  	s26 =	simm.s32 $0x18F00  }
0x54: {  	[tilespmem:s26], [sflag:$0x3] =	stream.indirect_vreg.gather [hbm4b:s9+s4], $0x80, v3, vm0, $0xb8;
	[tilespmem:$0x1CF00] =	vst v63  }
0x55: {  	s28 =	simm.s32 $0x19700  }
0x56: {  	[tilespmem:s28], [sflag:$0x3] =	stream.indirect_vreg.gather [hbm4b:s10+s4], $0x80, v3, vm0, $0xb8;
	[tilespmem:$0x1CF00] =	vst v63  }
0x57: {  	_ =	swait.ge [sflag:s14], $0x3000  }
0x58: {  	[sflag:s14] =	ssyncset.done $0x0  }
0x59: {  	[sflag:s14] =	ssyncadd.s32 $0xFFFFD000  }
0x5a: {  	v3 =	vld [tilespmem:s0+$0x0];
	_ =	sdelay $0x1  }
0x5b: {  	s29 =	sand.u32 $0x70, s4;
	s30 =	sand.u32 $0x1C00, s4  }
0x5c: {  	s18 =	sor.u32 s29, s30  }
0x5d: {  	s23 =	sadd.s32 $0x10F00, s18  }
0x5e: {  	s31 =	sor.u32 $0x80, s23;
	[tilespmem:s18+$0x10F00] =	vst.add.f32.msk $0xffff, v3  }
0x5f: {  	[tilespmem:s31+$0x0] =	vst.add.f32.msk $0xffff, v3  }
0x60: {  	[tilespmem:s23+$0x300] =	vst.add.f32.msk $0xffff, v3  }
0x61: {  	s20 =	sor.u32 s4, s4;
	s21 =	simm.s32 $0x10;
	s22 =	simm.s32 $0x0;
	[tilespmem:s23+$0x280] =	vst.add.f32.msk $0xffff, v3  }
.LBB2_2:
0x62: {  	p0 =	sne.s32 s21, $0x2F0;
	[tilespmem:s23+$0x200] =	vst.add.f32.msk $0xffff, v3;
	s22 =	sadd.s32 $0x80, s22;
	s0 =	sadd.s32 $0x10, s0  }
0x63: {  	s26 =	smov.u32 s21;
	s24 =	sor.u32 s22, s21;
	[tilespmem:s23+$0x100] =	vst.add.f32.msk $0xffff, v3;
	s21 =	sadd.s32 $0x10, s21  }
0x64: {  	[tilespmem:s23+$0x180] =	vst.add.f32.msk $0xffff, v3;
	s23 =	sor.u32 $0x380, s20;
	s20 =	smov.u32 s24  }
0x65: {  	[tilespmem:s23+$0x10F00] =	vst.add.f32.msk $0xffff, v3  }
0x66: {  	[tilespmem:s18+$0x12700] =	vst.add.f32.msk $0xffff, v3  }
0x67: {  	[tilespmem:s18+$0x12A80] =	vst.add.f32.msk $0xffff, v3  }
0x68: {  	[tilespmem:s18+$0x12A00] =	vst.add.f32.msk $0xffff, v3  }
0x69: {  	[tilespmem:s18+$0x12980] =	vst.add.f32.msk $0xffff, v3  }
0x6a: {  	[tilespmem:s18+$0x12900] =	vst.add.f32.msk $0xffff, v3  }
0x6b: {  	[tilespmem:s18+$0x12880] =	vst.add.f32.msk $0xffff, v3  }
0x6c: {  	[tilespmem:s18+$0x12800] =	vst.add.f32.msk $0xffff, v3  }
0x6d: {  	[tilespmem:s18+$0x12780] =	vst.add.f32.msk $0xffff, v3  }
0x6e: {  	v3 =	vld [tilespmem:s0+$0x0];
	_ =	sdelay $0x1  }
0x6f: {  	s23 =	sand.u32 $0x1C00, s22;
	s18 =	sand.u32 $0x70, s26  }
0x70: {  	s18 =	sor.u32 s18, s23  }
.Ltmp0:
0x71: {  	s23 =	sadd.s32 $0x10F00, s18;
	(pc) =	sbr.rel @p0 .LBB2_2-.Ltmp0, $4  }
0x72: {  	s24 =	sor.u32 $0x80, s23;
	[tilespmem:s18+$0x10F00] =	vst.add.f32.msk $0xffff, v3  }
0x73: {  	[tilespmem:s24+$0x0] =	vst.add.f32.msk $0xffff, v3  }
0x74: {  	[tilespmem:s23+$0x300] =	vst.add.f32.msk $0xffff, v3  }
0x75: {  	[tilespmem:s23+$0x280] =	vst.add.f32.msk $0xffff, v3  }
0x76: {  	[tilespmem:s23+$0x200] =	vst.add.f32.msk $0xffff, v3  }
0x77: {  	[tilespmem:s23+$0x100] =	vst.add.f32.msk $0xffff, v3  }
0x78: {  	[tilespmem:s23+$0x180] =	vst.add.f32.msk $0xffff, v3;
	s0 =	sor.u32 $0x380, s20  }
0x79: {  	[tilespmem:s0+$0x10F00] =	vst.add.f32.msk $0xffff, v3  }
0x7a: {  	[tilespmem:s18+$0x12700] =	vst.add.f32.msk $0xffff, v3  }
0x7b: {  	[tilespmem:s18+$0x12A80] =	vst.add.f32.msk $0xffff, v3  }
0x7c: {  	[tilespmem:s18+$0x12A00] =	vst.add.f32.msk $0xffff, v3  }
0x7d: {  	[tilespmem:s18+$0x12980] =	vst.add.f32.msk $0xffff, v3  }
0x7e: {  	[tilespmem:s18+$0x12900] =	vst.add.f32.msk $0xffff, v3  }
0x7f: {  	[tilespmem:s18+$0x12880] =	vst.add.f32.msk $0xffff, v3  }
0x80: {  	[tilespmem:s18+$0x12800] =	vst.add.f32.msk $0xffff, v3  }
0x81: {  	s22 =	rddreg [dreg:$0x6];
	s0 =	simm.s32 $0x0;
	[tilespmem:s18+$0x12780] =	vst.add.f32.msk $0xffff, v3  }
0x82: {  	[hbm4b:s22+s0] =	stream.linear.scatter [tilespmem:s19], [sflag:$0x5], $0x3000, $0x38;
	[tilespmem:$0x1CF00] =	vst v63  }
0x83: {  	v3 =	vld [tilespmem:$0x90];
	_ =	sdelay $0x4  }
0x84: {  	v4 =	vshrl.u32 v3, $0x3  }
0x85: {  	v4 =	vmul.u32 $0x30, v4  }
0x86: {  	v3 =	vand.u32 $0x7, v3  }
0x87: {  	v3 =	vor.u32 v3, v4  }
0x88: {  	v4 =	vperm.xlane v3, v0;
	_ =	sdelay $0x1  }
0x89: {  	v4 =	vadd.s32 v1, v4;
	_ =	sdelay $0x3  }
0x8a: {  	v3 =	vperm.xlane v3, v2  }
0x8b: {  	[tilespmem:s15], [sflag:$0x4] =	stream.indirect_vreg.gather [hbm4b:s2+s0], $0x80, v4, vm0, $0xb8;
	[tilespmem:$0x1CF00] =	vst v63  }
0x8c: {  	s23 =	simm.s32 $0x1A700;
	v3 =	vadd.s32 v1, v3  }
0x8d: {  	[tilespmem:s23], [sflag:$0x4] =	stream.indirect_vreg.gather [hbm4b:s9+s0], $0x80, v4, vm0, $0xb8;
	[tilespmem:$0x1CF00] =	vst v63  }
0x8e: {  	s24 =	simm.s32 $0x1AF00  }
0x8f: {  	[tilespmem:s24], [sflag:$0x4] =	stream.indirect_vreg.gather [hbm4b:s10+s0], $0x80, v4, vm0, $0xb8;
	[tilespmem:$0x1CF00] =	vst v63  }
0x90: {  	s26 =	simm.s32 $0x1B700  }
0x91: {  	[tilespmem:s26], [sflag:$0x4] =	stream.indirect_vreg.gather [hbm4b:s2+s0], $0x80, v3, vm0, $0xb8;
	[tilespmem:$0x1CF00] =	vst v63  }
0x92: {  	s28 =	simm.s32 $0x1BF00  }
0x93: {  	[tilespmem:s28], [sflag:$0x4] =	stream.indirect_vreg.gather [hbm4b:s9+s0], $0x80, v3, vm0, $0xb8;
	[tilespmem:$0x1CF00] =	vst v63  }
0x94: {  	s29 =	simm.s32 $0x1C700  }
0x95: {  	[tilespmem:s29], [sflag:$0x4] =	stream.indirect_vreg.gather [hbm4b:s10+s0], $0x80, v3, vm0, $0xb8;
	[tilespmem:$0x1CF00] =	vst v63  }
0x96: {  	_ =	swait.ge [sflag:s6], $0x3000  }
0x97: {  	[sflag:s6] =	ssyncset.done $0x0  }
0x98: {  	s20 =	simm.s32 $0x2800;
	[sflag:s6] =	ssyncadd.s32 $0xFFFFD000  }
0x99: {  	v3 =	vld [tilespmem:s20+$0x0];
	_ =	sdelay $0x1  }
0x9a: {  	s30 =	sand.u32 $0x70, s0;
	s21 =	sand.u32 $0x1C00, s0  }
0x9b: {  	s18 =	sor.u32 s30, s21  }
0x9c: {  	s23 =	sadd.s32 $0x13F00, s18  }
0x9d: {  	s31 =	sor.u32 $0x80, s23;
	[tilespmem:s18+$0x13F00] =	vst.add.f32.msk $0xffff, v3  }
0x9e: {  	[tilespmem:s31+$0x0] =	vst.add.f32.msk $0xffff, v3  }
0x9f: {  	[tilespmem:s23+$0x300] =	vst.add.f32.msk $0xffff, v3  }
0xa0: {  	s21 =	sor.u32 s0, s0;
	s22 =	simm.s32 $0x10;
	[tilespmem:s23+$0x280] =	vst.add.f32.msk $0xffff, v3  }
.LBB2_4:
0xa1: {  	p0 =	sne.s32 s22, $0x2F0;
	[tilespmem:s23+$0x200] =	vst.add.f32.msk $0xffff, v3;
	s0 =	sadd.s32 $0x80, s0;
	s20 =	sadd.s32 $0x10, s20  }
0xa2: {  	s26 =	smov.u32 s22;
	s24 =	sor.u32 s0, s22;
	[tilespmem:s23+$0x100] =	vst.add.f32.msk $0xffff, v3;
	s22 =	sadd.s32 $0x10, s22  }
0xa3: {  	[tilespmem:s23+$0x180] =	vst.add.f32.msk $0xffff, v3;
	s23 =	sor.u32 $0x380, s21;
	s21 =	smov.u32 s24  }
0xa4: {  	[tilespmem:s23+$0x13F00] =	vst.add.f32.msk $0xffff, v3  }
0xa5: {  	[tilespmem:s18+$0x15700] =	vst.add.f32.msk $0xffff, v3  }
0xa6: {  	[tilespmem:s18+$0x15A80] =	vst.add.f32.msk $0xffff, v3  }
0xa7: {  	[tilespmem:s18+$0x15A00] =	vst.add.f32.msk $0xffff, v3  }
0xa8: {  	[tilespmem:s18+$0x15980] =	vst.add.f32.msk $0xffff, v3  }
0xa9: {  	[tilespmem:s18+$0x15900] =	vst.add.f32.msk $0xffff, v3  }
0xaa: {  	[tilespmem:s18+$0x15880] =	vst.add.f32.msk $0xffff, v3  }
0xab: {  	[tilespmem:s18+$0x15800] =	vst.add.f32.msk $0xffff, v3  }
0xac: {  	[tilespmem:s18+$0x15780] =	vst.add.f32.msk $0xffff, v3  }
0xad: {  	v3 =	vld [tilespmem:s20+$0x0];
	_ =	sdelay $0x1  }
0xae: {  	s23 =	sand.u32 $0x1C00, s0;
	s18 =	sand.u32 $0x70, s26  }
0xaf: {  	s18 =	sor.u32 s18, s23  }
.Ltmp1:
0xb0: {  	s23 =	sadd.s32 $0x13F00, s18;
	(pc) =	sbr.rel @p0 .LBB2_4-.Ltmp1, $4  }
0xb1: {  	s24 =	sor.u32 $0x80, s23;
	[tilespmem:s18+$0x13F00] =	vst.add.f32.msk $0xffff, v3  }
0xb2: {  	[tilespmem:s24+$0x0] =	vst.add.f32.msk $0xffff, v3  }
0xb3: {  	[tilespmem:s23+$0x300] =	vst.add.f32.msk $0xffff, v3  }
0xb4: {  	[tilespmem:s23+$0x280] =	vst.add.f32.msk $0xffff, v3  }
0xb5: {  	[tilespmem:s23+$0x200] =	vst.add.f32.msk $0xffff, v3  }
0xb6: {  	[tilespmem:s23+$0x100] =	vst.add.f32.msk $0xffff, v3  }
0xb7: {  	[tilespmem:s23+$0x180] =	vst.add.f32.msk $0xffff, v3;
	s0 =	sor.u32 $0x380, s21  }
0xb8: {  	[tilespmem:s0+$0x13F00] =	vst.add.f32.msk $0xffff, v3  }
0xb9: {  	[tilespmem:s18+$0x15700] =	vst.add.f32.msk $0xffff, v3  }
0xba: {  	[tilespmem:s18+$0x15A80] =	vst.add.f32.msk $0xffff, v3  }
0xbb: {  	[tilespmem:s18+$0x15A00] =	vst.add.f32.msk $0xffff, v3  }
0xbc: {  	[tilespmem:s18+$0x15980] =	vst.add.f32.msk $0xffff, v3  }
0xbd: {  	[tilespmem:s18+$0x15900] =	vst.add.f32.msk $0xffff, v3  }
0xbe: {  	[tilespmem:s18+$0x15880] =	vst.add.f32.msk $0xffff, v3  }
0xbf: {  	[tilespmem:s18+$0x15800] =	vst.add.f32.msk $0xffff, v3  }
0xc0: {  	s21 =	rddreg [dreg:$0x7];
	s0 =	simm.s32 $0x0;
	[tilespmem:s18+$0x15780] =	vst.add.f32.msk $0xffff, v3  }
0xc1: {  	[hbm4b:s21+s0] =	stream.linear.scatter [tilespmem:s25], [sflag:$0x6], $0x3000, $0x38;
	[tilespmem:$0x1CF00] =	vst v63  }
0xc2: {  	_ =	swait.ge [sflag:s7], $0x3000  }
0xc3: {  	[sflag:s7] =	ssyncset.done $0x0  }
0xc4: {  	[sflag:s7] =	ssyncadd.s32 $0xFFFFD000  }
0xc5: {  	v3 =	vld [tilespmem:$0x100];
	_ =	sdelay $0x4  }
0xc6: {  	v4 =	vshrl.u32 v3, $0x3  }
0xc7: {  	v4 =	vmul.u32 $0x30, v4  }
0xc8: {  	v3 =	vand.u32 $0x7, v3  }
0xc9: {  	v3 =	vor.u32 v3, v4  }
0xca: {  	v4 =	vperm.xlane v3, v0;
	_ =	sdelay $0x1  }
0xcb: {  	v4 =	vadd.s32 v1, v4;
	_ =	sdelay $0x3  }
0xcc: {  	v3 =	vperm.xlane v3, v2  }
0xcd: {  	[tilespmem:s19], [sflag:$0x1] =	stream.indirect_vreg.gather [hbm4b:s2+s0], $0x80, v4, vm0, $0xb8;
	[tilespmem:$0x1CF00] =	vst v63  }
0xce: {  	s22 =	simm.s32 $0x11700;
	v3 =	vadd.s32 v1, v3  }
0xcf: {  	[tilespmem:s22], [sflag:$0x1] =	stream.indirect_vreg.gather [hbm4b:s9+s0], $0x80, v4, vm0, $0xb8;
	[tilespmem:$0x1CF00] =	vst v63  }
0xd0: {  	s23 =	simm.s32 $0x11F00  }
0xd1: {  	[tilespmem:s23], [sflag:$0x1] =	stream.indirect_vreg.gather [hbm4b:s10+s0], $0x80, v4, vm0, $0xb8;
	[tilespmem:$0x1CF00] =	vst v63  }
0xd2: {  	s24 =	simm.s32 $0x12700  }
0xd3: {  	[tilespmem:s24], [sflag:$0x1] =	stream.indirect_vreg.gather [hbm4b:s2+s0], $0x80, v3, vm0, $0xb8;
	[tilespmem:$0x1CF00] =	vst v63  }
0xd4: {  	s26 =	simm.s32 $0x12F00  }
0xd5: {  	[tilespmem:s26], [sflag:$0x1] =	stream.indirect_vreg.gather [hbm4b:s9+s0], $0x80, v3, vm0, $0xb8;
	[tilespmem:$0x1CF00] =	vst v63  }
0xd6: {  	s28 =	simm.s32 $0x13700  }
0xd7: {  	[tilespmem:s28], [sflag:$0x1] =	stream.indirect_vreg.gather [hbm4b:s10+s0], $0x80, v3, vm0, $0xb8;
	[tilespmem:$0x1CF00] =	vst v63  }
0xd8: {  	_ =	swait.ge [sflag:s12], $0x3000  }
0xd9: {  	[sflag:s12] =	ssyncset.done $0x0  }
0xda: {  	s29 =	sand.u32 $0x3F0, s0;
	[sflag:s12] =	ssyncadd.s32 $0xFFFFD000  }
0xdb: {  	v3 =	vld [tilespmem:s29+$0x2B00];
	_ =	sdelay $0x1  }
0xdc: {  	s30 =	sand.u32 $0x70, s0;
	s20 =	sand.u32 $0x1C00, s0  }
0xdd: {  	s18 =	sor.u32 s30, s20  }
0xde: {  	s22 =	sadd.s32 $0x16F00, s18  }
0xdf: {  	s31 =	sor.u32 $0x80, s22;
	[tilespmem:s18+$0x16F00] =	vst.add.f32.msk $0xffff, v3  }
0xe0: {  	[tilespmem:s31+$0x0] =	vst.add.f32.msk $0xffff, v3  }
0xe1: {  	[tilespmem:s22+$0x300] =	vst.add.f32.msk $0xffff, v3  }
0xe2: {  	s21 =	simm.s32 $0x10;
	s20 =	sor.u32 s0, s0;
	[tilespmem:s22+$0x280] =	vst.add.f32.msk $0xffff, v3  }
.LBB2_6:
0xe3: {  	p0 =	sne.s32 s21, $0x2F0  }
0xe4: {  	[tilespmem:s22+$0x200] =	vst.add.f32.msk $0xffff, v3;
	s0 =	sadd.s32 $0x80, s0;
	s23 =	smov.u32 s21;
	s21 =	sadd.s32 $0x10, s21  }
0xe5: {  	s24 =	sor.u32 s0, s23;
	[tilespmem:s22+$0x100] =	vst.add.f32.msk $0xffff, v3  }
0xe6: {  	[tilespmem:s22+$0x180] =	vst.add.f32.msk $0xffff, v3;
	s22 =	sor.u32 $0x380, s20;
	s20 =	smov.u32 s24  }
0xe7: {  	[tilespmem:s22+$0x16F00] =	vst.add.f32.msk $0xffff, v3  }
0xe8: {  	[tilespmem:s18+$0x18700] =	vst.add.f32.msk $0xffff, v3  }
0xe9: {  	[tilespmem:s18+$0x18A80] =	vst.add.f32.msk $0xffff, v3  }
0xea: {  	[tilespmem:s18+$0x18A00] =	vst.add.f32.msk $0xffff, v3  }
0xeb: {  	[tilespmem:s18+$0x18980] =	vst.add.f32.msk $0xffff, v3  }
0xec: {  	[tilespmem:s18+$0x18900] =	vst.add.f32.msk $0xffff, v3  }
0xed: {  	[tilespmem:s18+$0x18880] =	vst.add.f32.msk $0xffff, v3  }
0xee: {  	[tilespmem:s18+$0x18800] =	vst.add.f32.msk $0xffff, v3  }
0xef: {  	s22 =	sand.u32 $0x3F0, s23;
	[tilespmem:s18+$0x18780] =	vst.add.f32.msk $0xffff, v3  }
0xf0: {  	v3 =	vld [tilespmem:s22+$0x2B00];
	_ =	sdelay $0x1  }
0xf1: {  	s18 =	sand.u32 $0x70, s23;
	s22 =	sand.u32 $0x1C00, s0  }
0xf2: {  	s18 =	sor.u32 s18, s22  }
.Ltmp2:
0xf3: {  	s22 =	sadd.s32 $0x16F00, s18;
	(pc) =	sbr.rel @p0 .LBB2_6-.Ltmp2, $4  }
0xf4: {  	s23 =	sor.u32 $0x80, s22;
	[tilespmem:s18+$0x16F00] =	vst.add.f32.msk $0xffff, v3  }
0xf5: {  	[tilespmem:s23+$0x0] =	vst.add.f32.msk $0xffff, v3  }
0xf6: {  	[tilespmem:s22+$0x300] =	vst.add.f32.msk $0xffff, v3  }
0xf7: {  	[tilespmem:s22+$0x280] =	vst.add.f32.msk $0xffff, v3  }
0xf8: {  	[tilespmem:s22+$0x200] =	vst.add.f32.msk $0xffff, v3  }
0xf9: {  	[tilespmem:s22+$0x100] =	vst.add.f32.msk $0xffff, v3  }
0xfa: {  	[tilespmem:s22+$0x180] =	vst.add.f32.msk $0xffff, v3;
	s0 =	sor.u32 $0x380, s20  }
0xfb: {  	[tilespmem:s0+$0x16F00] =	vst.add.f32.msk $0xffff, v3  }
0xfc: {  	[tilespmem:s18+$0x18700] =	vst.add.f32.msk $0xffff, v3  }
0xfd: {  	[tilespmem:s18+$0x18A80] =	vst.add.f32.msk $0xffff, v3  }
0xfe: {  	[tilespmem:s18+$0x18A00] =	vst.add.f32.msk $0xffff, v3  }
0xff: {  	[tilespmem:s18+$0x18980] =	vst.add.f32.msk $0xffff, v3  }
0x100: {  	[tilespmem:s18+$0x18900] =	vst.add.f32.msk $0xffff, v3  }
0x101: {  	[tilespmem:s18+$0x18880] =	vst.add.f32.msk $0xffff, v3  }
0x102: {  	[tilespmem:s18+$0x18800] =	vst.add.f32.msk $0xffff, v3  }
0x103: {  	s20 =	rddreg [dreg:$0x8];
	s0 =	simm.s32 $0x0;
	[tilespmem:s18+$0x18780] =	vst.add.f32.msk $0xffff, v3  }
0x104: {  	[hbm4b:s20+s0] =	stream.linear.scatter [tilespmem:s1], [sflag:$0x7], $0x3000, $0x38;
	[tilespmem:$0x1CF00] =	vst v63  }
0x105: {  	_ =	swait.ge [sflag:s13], $0x3000  }
0x106: {  	[sflag:s13] =	ssyncset.done $0x0  }
0x107: {  	[sflag:s13] =	ssyncadd.s32 $0xFFFFD000  }
0x108: {  	v3 =	vld [tilespmem:$0x110];
	_ =	sdelay $0x4  }
0x109: {  	v4 =	vshrl.u32 v3, $0x3  }
0x10a: {  	v4 =	vmul.u32 $0x30, v4  }
0x10b: {  	v3 =	vand.u32 $0x7, v3  }
0x10c: {  	v3 =	vor.u32 v3, v4  }
0x10d: {  	v4 =	vperm.xlane v3, v0;
	_ =	sdelay $0x1  }
0x10e: {  	v4 =	vadd.s32 v1, v4;
	_ =	sdelay $0x3  }
0x10f: {  	v3 =	vperm.xlane v3, v2  }
0x110: {  	[tilespmem:s25], [sflag:$0x2] =	stream.indirect_vreg.gather [hbm4b:s2+s0], $0x80, v4, vm0, $0xb8;
	[tilespmem:$0x1CF00] =	vst v63  }
0x111: {  	s21 =	simm.s32 $0x14700;
	v3 =	vadd.s32 v1, v3  }
0x112: {  	[tilespmem:s21], [sflag:$0x2] =	stream.indirect_vreg.gather [hbm4b:s9+s0], $0x80, v4, vm0, $0xb8;
	[tilespmem:$0x1CF00] =	vst v63  }
0x113: {  	s22 =	simm.s32 $0x14F00  }
0x114: {  	[tilespmem:s22], [sflag:$0x2] =	stream.indirect_vreg.gather [hbm4b:s10+s0], $0x80, v4, vm0, $0xb8;
	[tilespmem:$0x1CF00] =	vst v63  }
0x115: {  	s23 =	simm.s32 $0x15700  }
0x116: {  	[tilespmem:s23], [sflag:$0x2] =	stream.indirect_vreg.gather [hbm4b:s2+s0], $0x80, v3, vm0, $0xb8;
	[tilespmem:$0x1CF00] =	vst v63  }
0x117: {  	s24 =	simm.s32 $0x15F00  }
0x118: {  	[tilespmem:s24], [sflag:$0x2] =	stream.indirect_vreg.gather [hbm4b:s9+s0], $0x80, v3, vm0, $0xb8;
	[tilespmem:$0x1CF00] =	vst v63  }
0x119: {  	s26 =	simm.s32 $0x16700  }
0x11a: {  	[tilespmem:s26], [sflag:$0x2] =	stream.indirect_vreg.gather [hbm4b:s10+s0], $0x80, v3, vm0, $0xb8;
	[tilespmem:$0x1CF00] =	vst v63  }
0x11b: {  	_ =	swait.ge [sflag:s16], $0x3000  }
0x11c: {  	[sflag:s16] =	ssyncset.done $0x0  }
0x11d: {  	s28 =	sand.u32 $0x3F0, s0;
	[sflag:s16] =	ssyncadd.s32 $0xFFFFD000  }
0x11e: {  	v3 =	vld [tilespmem:s28+$0x2B00];
	_ =	sdelay $0x1  }
0x11f: {  	s29 =	sand.u32 $0x70, s0;
	s30 =	sand.u32 $0x1C00, s0  }
0x120: {  	s18 =	sor.u32 s29, s30  }
0x121: {  	s22 =	sadd.s32 $0x19F00, s18  }
0x122: {  	s31 =	sor.u32 $0x80, s22;
	[tilespmem:s18+$0x19F00] =	vst.add.f32.msk $0xffff, v3  }
0x123: {  	[tilespmem:s31+$0x0] =	vst.add.f32.msk $0xffff, v3  }
0x124: {  	[tilespmem:s22+$0x300] =	vst.add.f32.msk $0xffff, v3  }
0x125: {  	s20 =	sor.u32 s0, s0;
	s21 =	simm.s32 $0x10;
	[tilespmem:s22+$0x280] =	vst.add.f32.msk $0xffff, v3  }
.LBB2_8:
0x126: {  	p0 =	sne.s32 s21, $0x2F0  }
0x127: {  	[tilespmem:s22+$0x200] =	vst.add.f32.msk $0xffff, v3;
	s0 =	sadd.s32 $0x80, s0;
	s23 =	smov.u32 s21;
	s21 =	sadd.s32 $0x10, s21  }
0x128: {  	s24 =	sor.u32 s0, s23;
	[tilespmem:s22+$0x100] =	vst.add.f32.msk $0xffff, v3  }
0x129: {  	[tilespmem:s22+$0x180] =	vst.add.f32.msk $0xffff, v3;
	s22 =	sor.u32 $0x380, s20;
	s20 =	smov.u32 s24  }
0x12a: {  	[tilespmem:s22+$0x19F00] =	vst.add.f32.msk $0xffff, v3  }
0x12b: {  	[tilespmem:s18+$0x1B700] =	vst.add.f32.msk $0xffff, v3  }
0x12c: {  	[tilespmem:s18+$0x1BA80] =	vst.add.f32.msk $0xffff, v3  }
0x12d: {  	[tilespmem:s18+$0x1BA00] =	vst.add.f32.msk $0xffff, v3  }
0x12e: {  	[tilespmem:s18+$0x1B980] =	vst.add.f32.msk $0xffff, v3  }
0x12f: {  	[tilespmem:s18+$0x1B900] =	vst.add.f32.msk $0xffff, v3  }
0x130: {  	[tilespmem:s18+$0x1B880] =	vst.add.f32.msk $0xffff, v3  }
0x131: {  	[tilespmem:s18+$0x1B800] =	vst.add.f32.msk $0xffff, v3  }
0x132: {  	s22 =	sand.u32 $0x3F0, s23;
	[tilespmem:s18+$0x1B780] =	vst.add.f32.msk $0xffff, v3  }
0x133: {  	v3 =	vld [tilespmem:s22+$0x2B00];
	_ =	sdelay $0x1  }
0x134: {  	s18 =	sand.u32 $0x70, s23;
	s22 =	sand.u32 $0x1C00, s0  }
0x135: {  	s18 =	sor.u32 s18, s22  }
.Ltmp3:
0x136: {  	s22 =	sadd.s32 $0x19F00, s18;
	(pc) =	sbr.rel @p0 .LBB2_8-.Ltmp3, $4  }
0x137: {  	s23 =	sor.u32 $0x80, s22;
	[tilespmem:s18+$0x19F00] =	vst.add.f32.msk $0xffff, v3  }
0x138: {  	[tilespmem:s23+$0x0] =	vst.add.f32.msk $0xffff, v3  }
0x139: {  	[tilespmem:s22+$0x300] =	vst.add.f32.msk $0xffff, v3  }
0x13a: {  	[tilespmem:s22+$0x280] =	vst.add.f32.msk $0xffff, v3  }
0x13b: {  	[tilespmem:s22+$0x200] =	vst.add.f32.msk $0xffff, v3  }
0x13c: {  	[tilespmem:s22+$0x100] =	vst.add.f32.msk $0xffff, v3  }
0x13d: {  	[tilespmem:s22+$0x180] =	vst.add.f32.msk $0xffff, v3;
	s0 =	sor.u32 $0x380, s20  }
0x13e: {  	[tilespmem:s0+$0x19F00] =	vst.add.f32.msk $0xffff, v3  }
0x13f: {  	[tilespmem:s18+$0x1B700] =	vst.add.f32.msk $0xffff, v3  }
0x140: {  	[tilespmem:s18+$0x1BA80] =	vst.add.f32.msk $0xffff, v3  }
0x141: {  	[tilespmem:s18+$0x1BA00] =	vst.add.f32.msk $0xffff, v3  }
0x142: {  	[tilespmem:s18+$0x1B980] =	vst.add.f32.msk $0xffff, v3  }
0x143: {  	[tilespmem:s18+$0x1B900] =	vst.add.f32.msk $0xffff, v3  }
0x144: {  	[tilespmem:s18+$0x1B880] =	vst.add.f32.msk $0xffff, v3  }
0x145: {  	s31 =	rddreg [dreg:$0x9];
	[tilespmem:s18+$0x1B800] =	vst.add.f32.msk $0xffff, v3  }
0x146: {  	s20 =	simm.s32 $0x900;
	s0 =	simm.s32 $0x600;
	[tilespmem:s18+$0x1B780] =	vst.add.f32.msk $0xffff, v3;
	s18 =	simm.s32 $0x1  }
0x147: {  	[hbm4b:s31+s4] =	stream.linear.scatter [tilespmem:s15], [sflag:$0x8], $0x3000, $0x38;
	[tilespmem:$0x1CF00] =	vst v63  }
.LBB2_10:
0x148: {  	_ =	swait.ge [sflag:s17], $0x3000;
	s21 =	sshllo.u32 s18, $0x1  }
0x149: {  	[sflag:s17] =	ssyncset.done $0x0;
	s22 =	sshll.u32 s21, $0x7  }
0x14a: {  	[sflag:s17] =	ssyncadd.s32 $0xFFFFD000;
	s22 =	sand.u32 $0x3FFFFF80, s22  }
0x14b: {  	v3 =	vld [tilespmem:s22+$0x0];
	_ =	sdelay $0x4  }
0x14c: {  	v4 =	vshrl.u32 v3, $0x3  }
0x14d: {  	v4 =	vmul.u32 $0x30, v4  }
0x14e: {  	v3 =	vand.u32 $0x7, v3  }
0x14f: {  	v3 =	vor.u32 v3, v4  }
0x150: {  	v4 =	vperm.xlane v3, v0;
	_ =	sdelay $0x1  }
0x151: {  	v4 =	vadd.s32 v1, v4;
	_ =	sdelay $0x3  }
0x152: {  	s23 =	simm.s32 $0x0;
	v3 =	vperm.xlane v3, v2  }
0x153: {  	[tilespmem:s1], [sflag:$0x3] =	stream.indirect_vreg.gather [hbm4b:s2+s23], $0x80, v4, vm0, $0xb8;
	[tilespmem:$0x1CF00] =	vst v63  }
0x154: {  	s24 =	simm.s32 $0x17700;
	v3 =	vadd.s32 v1, v3  }
0x155: {  	[tilespmem:s24], [sflag:$0x3] =	stream.indirect_vreg.gather [hbm4b:s9+s23], $0x80, v4, vm0, $0xb8;
	[tilespmem:$0x1CF00] =	vst v63  }
0x156: {  	s31 =	simm.s32 $0x17F00  }
0x157: {  	[tilespmem:s31], [sflag:$0x3] =	stream.indirect_vreg.gather [hbm4b:s10+s23], $0x80, v4, vm0, $0xb8;
	[tilespmem:$0x1CF00] =	vst v63  }
0x158: {  	s26 =	simm.s32 $0x18700  }
0x159: {  	[tilespmem:s26], [sflag:$0x3] =	stream.indirect_vreg.gather [hbm4b:s2+s23], $0x80, v3, vm0, $0xb8;
	[tilespmem:$0x1CF00] =	vst v63  }
0x15a: {  	s30 =	simm.s32 $0x18F00  }
0x15b: {  	[tilespmem:s30], [sflag:$0x3] =	stream.indirect_vreg.gather [hbm4b:s9+s23], $0x80, v3, vm0, $0xb8;
	[tilespmem:$0x1CF00] =	vst v63  }
0x15c: {  	s31 =	simm.s32 $0x19700  }
0x15d: {  	[tilespmem:s31], [sflag:$0x3] =	stream.indirect_vreg.gather [hbm4b:s10+s23], $0x80, v3, vm0, $0xb8;
	[tilespmem:$0x1CF00] =	vst v63  }
0x15e: {  	s26 =	sadd.s32 $0x0, s0;
	_ =	swait.ge [sflag:s14], $0x3000  }
0x15f: {  	s24 =	sand.u32 $0x3FF80, s26;
	s26 =	sand.u32 $0x70, s23;
	[sflag:s14] =	ssyncset.done $0x0  }
0x160: {  	s24 =	sor.u32 s26, s24;
	[sflag:s14] =	ssyncadd.s32 $0xFFFFD000  }
0x161: {  	v3 =	vld [tilespmem:s24+$0x2800];
	_ =	sdelay $0x1  }
0x162: {  	s30 =	sand.u32 $0x1C00, s23  }
0x163: {  	s24 =	sor.u32 s26, s30  }
0x164: {  	s29 =	sadd.s32 $0x10F00, s24  }
0x165: {  	s31 =	sor.u32 $0x80, s29;
	[tilespmem:s24+$0x10F00] =	vst.add.f32.msk $0xffff, v3  }
0x166: {  	[tilespmem:s31+$0x0] =	vst.add.f32.msk $0xffff, v3  }
0x167: {  	[tilespmem:s29+$0x300] =	vst.add.f32.msk $0xffff, v3  }
0x168: {  	s28 =	simm.s32 $0x10;
	s26 =	sor.u32 s23, s23;
	[tilespmem:s29+$0x280] =	vst.add.f32.msk $0xffff, v3  }
.LBB2_11:
0x169: {  	p0 =	sne.s32 s28, $0x2F0  }
0x16a: {  	[tilespmem:s29+$0x200] =	vst.add.f32.msk $0xffff, v3;
	s23 =	sadd.s32 $0x80, s23;
	s30 =	smov.u32 s28;
	s28 =	sadd.s32 $0x10, s28  }
0x16b: {  	s31 =	sor.u32 s23, s30;
	[tilespmem:s29+$0x100] =	vst.add.f32.msk $0xffff, v3  }
0x16c: {  	[tilespmem:s29+$0x180] =	vst.add.f32.msk $0xffff, v3;
	s29 =	sor.u32 $0x380, s26;
	s26 =	smov.u32 s31  }
0x16d: {  	[tilespmem:s29+$0x10F00] =	vst.add.f32.msk $0xffff, v3  }
0x16e: {  	[tilespmem:s24+$0x12700] =	vst.add.f32.msk $0xffff, v3  }
0x16f: {  	[tilespmem:s24+$0x12A80] =	vst.add.f32.msk $0xffff, v3  }
0x170: {  	[tilespmem:s24+$0x12A00] =	vst.add.f32.msk $0xffff, v3  }
0x171: {  	[tilespmem:s24+$0x12980] =	vst.add.f32.msk $0xffff, v3  }
0x172: {  	[tilespmem:s24+$0x12900] =	vst.add.f32.msk $0xffff, v3  }
0x173: {  	s29 =	sadd.s32 s30, s0;
	[tilespmem:s24+$0x12880] =	vst.add.f32.msk $0xffff, v3  }
0x174: {  	s30 =	sand.u32 $0x70, s30;
	s29 =	sand.u32 $0x3FF80, s29;
	[tilespmem:s24+$0x12800] =	vst.add.f32.msk $0xffff, v3  }
0x175: {  	s29 =	sor.u32 s30, s29;
	[tilespmem:s24+$0x12780] =	vst.add.f32.msk $0xffff, v3  }
0x176: {  	v3 =	vld [tilespmem:s29+$0x2800];
	_ =	sdelay $0x1  }
0x177: {  	s24 =	sand.u32 $0x1C00, s23  }
0x178: {  	s24 =	sor.u32 s30, s24  }
.Ltmp4:
0x179: {  	s29 =	sadd.s32 $0x10F00, s24;
	(pc) =	sbr.rel @p0 .LBB2_11-.Ltmp4, $4  }
0x17a: {  	s30 =	sor.u32 $0x80, s29;
	[tilespmem:s24+$0x10F00] =	vst.add.f32.msk $0xffff, v3  }
0x17b: {  	[tilespmem:s30+$0x0] =	vst.add.f32.msk $0xffff, v3  }
0x17c: {  	[tilespmem:s29+$0x300] =	vst.add.f32.msk $0xffff, v3  }
0x17d: {  	[tilespmem:s29+$0x280] =	vst.add.f32.msk $0xffff, v3  }
0x17e: {  	[tilespmem:s29+$0x200] =	vst.add.f32.msk $0xffff, v3  }
0x17f: {  	[tilespmem:s29+$0x100] =	vst.add.f32.msk $0xffff, v3  }
0x180: {  	[tilespmem:s29+$0x180] =	vst.add.f32.msk $0xffff, v3;
	s23 =	sor.u32 $0x380, s26  }
0x181: {  	[tilespmem:s23+$0x10F00] =	vst.add.f32.msk $0xffff, v3  }
0x182: {  	[tilespmem:s24+$0x12700] =	vst.add.f32.msk $0xffff, v3  }
0x183: {  	[tilespmem:s24+$0x12A80] =	vst.add.f32.msk $0xffff, v3  }
0x184: {  	[tilespmem:s24+$0x12A00] =	vst.add.f32.msk $0xffff, v3  }
0x185: {  	s23 =	smul.u32 $0x180000, s18;
	[tilespmem:s24+$0x12980] =	vst.add.f32.msk $0xffff, v3  }
0x186: {  	[tilespmem:s24+$0x12900] =	vst.add.f32.msk $0xffff, v3  }
0x187: {  	[tilespmem:s24+$0x12880] =	vst.add.f32.msk $0xffff, v3;
	s30 =	sadd.s32 s5, s23  }
0x188: {  	[tilespmem:s24+$0x12800] =	vst.add.f32.msk $0xffff, v3;
	s26 =	sshrl.u32 s30, $0x3  }
0x189: {  	[tilespmem:s24+$0x12780] =	vst.add.f32.msk $0xffff, v3;
	s24 =	simm.s32 $0x0;
	s26 =	sadd.s32 s3, s26  }
0x18a: {  	[hbm4b:s26+s24] =	stream.linear.scatter [tilespmem:s19], [sflag:$0x5], $0x3000, $0x38;
	[tilespmem:$0x1CF00] =	vst v63  }
0x18b: {  	_ =	swait.ge [sflag:s11], $0x3000  }
0x18c: {  	[sflag:s11] =	ssyncset.done $0x0  }
0x18d: {  	[sflag:s11] =	ssyncadd.s32 $0xFFFFD000  }
0x18e: {  	v3 =	vld [tilespmem:s22+$0x10];
	_ =	sdelay $0x4  }
0x18f: {  	v4 =	vshrl.u32 v3, $0x3  }
0x190: {  	v4 =	vmul.u32 $0x30, v4  }
0x191: {  	v3 =	vand.u32 $0x7, v3  }
0x192: {  	v3 =	vor.u32 v3, v4  }
0x193: {  	v4 =	vperm.xlane v3, v0;
	_ =	sdelay $0x1  }
0x194: {  	v4 =	vadd.s32 v1, v4;
	_ =	sdelay $0x3  }
0x195: {  	v3 =	vperm.xlane v3, v2  }
0x196: {  	[tilespmem:s15], [sflag:$0x4] =	stream.indirect_vreg.gather [hbm4b:s2+s24], $0x80, v4, vm0, $0xb8;
	[tilespmem:$0x1CF00] =	vst v63  }
0x197: {  	s31 =	simm.s32 $0x1A700;
	v3 =	vadd.s32 v1, v3  }
0x198: {  	[tilespmem:s31], [sflag:$0x4] =	stream.indirect_vreg.gather [hbm4b:s9+s24], $0x80, v4, vm0, $0xb8;
	[tilespmem:$0x1CF00] =	vst v63  }
0x199: {  	s26 =	simm.s32 $0x1AF00  }
0x19a: {  	[tilespmem:s26], [sflag:$0x4] =	stream.indirect_vreg.gather [hbm4b:s10+s24], $0x80, v4, vm0, $0xb8;
	[tilespmem:$0x1CF00] =	vst v63  }
0x19b: {  	s30 =	simm.s32 $0x1B700  }
0x19c: {  	[tilespmem:s30], [sflag:$0x4] =	stream.indirect_vreg.gather [hbm4b:s2+s24], $0x80, v3, vm0, $0xb8;
	[tilespmem:$0x1CF00] =	vst v63  }
0x19d: {  	s31 =	simm.s32 $0x1BF00  }
0x19e: {  	[tilespmem:s31], [sflag:$0x4] =	stream.indirect_vreg.gather [hbm4b:s9+s24], $0x80, v3, vm0, $0xb8;
	[tilespmem:$0x1CF00] =	vst v63  }
0x19f: {  	s26 =	simm.s32 $0x1C700  }
0x1a0: {  	[tilespmem:s26], [sflag:$0x4] =	stream.indirect_vreg.gather [hbm4b:s10+s24], $0x80, v3, vm0, $0xb8;
	[tilespmem:$0x1CF00] =	vst v63  }
0x1a1: {  	s30 =	sadd.s32 $0x0, s0;
	_ =	swait.ge [sflag:s6], $0x3000  }
0x1a2: {  	s22 =	sand.u32 $0x3FF80, s30;
	s31 =	sand.u32 $0x70, s24;
	[sflag:s6] =	ssyncset.done $0x0  }
0x1a3: {  	s22 =	sor.u32 s31, s22;
	[sflag:s6] =	ssyncadd.s32 $0xFFFFD000  }
0x1a4: {  	v3 =	vld [tilespmem:s22+$0x2800];
	_ =	sdelay $0x1  }
0x1a5: {  	s30 =	sand.u32 $0x1C00, s24  }
0x1a6: {  	s22 =	sor.u32 s31, s30  }
0x1a7: {  	s29 =	sadd.s32 $0x13F00, s22  }
0x1a8: {  	s31 =	sor.u32 $0x80, s29;
	[tilespmem:s22+$0x13F00] =	vst.add.f32.msk $0xffff, v3  }
0x1a9: {  	[tilespmem:s31+$0x0] =	vst.add.f32.msk $0xffff, v3  }
0x1aa: {  	[tilespmem:s29+$0x300] =	vst.add.f32.msk $0xffff, v3  }
0x1ab: {  	s28 =	simm.s32 $0x10;
	s26 =	sor.u32 s24, s24;
	[tilespmem:s29+$0x280] =	vst.add.f32.msk $0xffff, v3  }
.LBB2_13:
0x1ac: {  	p0 =	sne.s32 s28, $0x2F0  }
0x1ad: {  	[tilespmem:s29+$0x200] =	vst.add.f32.msk $0xffff, v3;
	s24 =	sadd.s32 $0x80, s24;
	s30 =	smov.u32 s28;
	s28 =	sadd.s32 $0x10, s28  }
0x1ae: {  	s31 =	sor.u32 s24, s30;
	[tilespmem:s29+$0x100] =	vst.add.f32.msk $0xffff, v3  }
0x1af: {  	[tilespmem:s29+$0x180] =	vst.add.f32.msk $0xffff, v3;
	s29 =	sor.u32 $0x380, s26;
	s26 =	smov.u32 s31  }
0x1b0: {  	[tilespmem:s29+$0x13F00] =	vst.add.f32.msk $0xffff, v3  }
0x1b1: {  	[tilespmem:s22+$0x15700] =	vst.add.f32.msk $0xffff, v3  }
0x1b2: {  	[tilespmem:s22+$0x15A80] =	vst.add.f32.msk $0xffff, v3  }
0x1b3: {  	[tilespmem:s22+$0x15A00] =	vst.add.f32.msk $0xffff, v3  }
0x1b4: {  	[tilespmem:s22+$0x15980] =	vst.add.f32.msk $0xffff, v3  }
0x1b5: {  	[tilespmem:s22+$0x15900] =	vst.add.f32.msk $0xffff, v3  }
0x1b6: {  	s29 =	sadd.s32 s30, s0;
	[tilespmem:s22+$0x15880] =	vst.add.f32.msk $0xffff, v3  }
0x1b7: {  	s30 =	sand.u32 $0x70, s30;
	s29 =	sand.u32 $0x3FF80, s29;
	[tilespmem:s22+$0x15800] =	vst.add.f32.msk $0xffff, v3  }
0x1b8: {  	s29 =	sor.u32 s30, s29;
	[tilespmem:s22+$0x15780] =	vst.add.f32.msk $0xffff, v3  }
0x1b9: {  	v3 =	vld [tilespmem:s29+$0x2800];
	_ =	sdelay $0x1  }
0x1ba: {  	s22 =	sand.u32 $0x1C00, s24  }
0x1bb: {  	s22 =	sor.u32 s30, s22  }
.Ltmp5:
0x1bc: {  	s29 =	sadd.s32 $0x13F00, s22;
	(pc) =	sbr.rel @p0 .LBB2_13-.Ltmp5, $4  }
0x1bd: {  	s30 =	sor.u32 $0x80, s29;
	[tilespmem:s22+$0x13F00] =	vst.add.f32.msk $0xffff, v3  }
0x1be: {  	[tilespmem:s30+$0x0] =	vst.add.f32.msk $0xffff, v3  }
0x1bf: {  	[tilespmem:s29+$0x300] =	vst.add.f32.msk $0xffff, v3  }
0x1c0: {  	[tilespmem:s29+$0x280] =	vst.add.f32.msk $0xffff, v3  }
0x1c1: {  	[tilespmem:s29+$0x200] =	vst.add.f32.msk $0xffff, v3  }
0x1c2: {  	[tilespmem:s29+$0x100] =	vst.add.f32.msk $0xffff, v3  }
0x1c3: {  	[tilespmem:s29+$0x180] =	vst.add.f32.msk $0xffff, v3;
	s24 =	sor.u32 $0x380, s26  }
0x1c4: {  	[tilespmem:s24+$0x13F00] =	vst.add.f32.msk $0xffff, v3  }
0x1c5: {  	[tilespmem:s22+$0x15700] =	vst.add.f32.msk $0xffff, v3  }
0x1c6: {  	[tilespmem:s22+$0x15A80] =	vst.add.f32.msk $0xffff, v3  }
0x1c7: {  	[tilespmem:s22+$0x15A00] =	vst.add.f32.msk $0xffff, v3  }
0x1c8: {  	[tilespmem:s22+$0x15980] =	vst.add.f32.msk $0xffff, v3  }
0x1c9: {  	[tilespmem:s22+$0x15900] =	vst.add.f32.msk $0xffff, v3  }
0x1ca: {  	s23 =	sadd.s32 s8, s23;
	[tilespmem:s22+$0x15880] =	vst.add.f32.msk $0xffff, v3  }
0x1cb: {  	s23 =	sshrl.u32 s23, $0x3;
	[tilespmem:s22+$0x15800] =	vst.add.f32.msk $0xffff, v3  }
0x1cc: {  	[tilespmem:s22+$0x15780] =	vst.add.f32.msk $0xffff, v3;
	s26 =	sadd.s32 s3, s23;
	s23 =	simm.s32 $0x0  }
0x1cd: {  	[hbm4b:s26+s23] =	stream.linear.scatter [tilespmem:s25], [sflag:$0x6], $0x3000, $0x38;
	[tilespmem:$0x1CF00] =	vst v63  }
0x1ce: {  	_ =	swait.ge [sflag:s7], $0x3000  }
0x1cf: {  	s30 =	sshll.u32 s18, $0x8;
	[sflag:s7] =	ssyncset.done $0x0  }
0x1d0: {  	s22 =	sand.u32 $0x3FFFFF00, s30;
	[sflag:s7] =	ssyncadd.s32 $0xFFFFD000  }
0x1d1: {  	v3 =	vld [tilespmem:s22+$0x100];
	_ =	sdelay $0x4  }
0x1d2: {  	v4 =	vshrl.u32 v3, $0x3  }
0x1d3: {  	v4 =	vmul.u32 $0x30, v4  }
0x1d4: {  	v3 =	vand.u32 $0x7, v3  }
0x1d5: {  	v3 =	vor.u32 v3, v4  }
0x1d6: {  	v4 =	vperm.xlane v3, v0;
	_ =	sdelay $0x1  }
0x1d7: {  	v4 =	vadd.s32 v1, v4;
	_ =	sdelay $0x3  }
0x1d8: {  	v3 =	vperm.xlane v3, v2  }
0x1d9: {  	[tilespmem:s19], [sflag:$0x1] =	stream.indirect_vreg.gather [hbm4b:s2+s23], $0x80, v4, vm0, $0xb8;
	[tilespmem:$0x1CF00] =	vst v63  }
0x1da: {  	s31 =	simm.s32 $0x11700;
	v3 =	vadd.s32 v1, v3  }
0x1db: {  	[tilespmem:s31], [sflag:$0x1] =	stream.indirect_vreg.gather [hbm4b:s9+s23], $0x80, v4, vm0, $0xb8;
	[tilespmem:$0x1CF00] =	vst v63  }
0x1dc: {  	s26 =	simm.s32 $0x11F00  }
0x1dd: {  	[tilespmem:s26], [sflag:$0x1] =	stream.indirect_vreg.gather [hbm4b:s10+s23], $0x80, v4, vm0, $0xb8;
	[tilespmem:$0x1CF00] =	vst v63  }
0x1de: {  	s30 =	simm.s32 $0x12700  }
0x1df: {  	[tilespmem:s30], [sflag:$0x1] =	stream.indirect_vreg.gather [hbm4b:s2+s23], $0x80, v3, vm0, $0xb8;
	[tilespmem:$0x1CF00] =	vst v63  }
0x1e0: {  	s31 =	simm.s32 $0x12F00  }
0x1e1: {  	[tilespmem:s31], [sflag:$0x1] =	stream.indirect_vreg.gather [hbm4b:s9+s23], $0x80, v3, vm0, $0xb8;
	[tilespmem:$0x1CF00] =	vst v63  }
0x1e2: {  	s26 =	simm.s32 $0x13700  }
0x1e3: {  	[tilespmem:s26], [sflag:$0x1] =	stream.indirect_vreg.gather [hbm4b:s10+s23], $0x80, v3, vm0, $0xb8;
	[tilespmem:$0x1CF00] =	vst v63  }
0x1e4: {  	s30 =	sadd.s32 $0x0, s20;
	_ =	swait.ge [sflag:s12], $0x3000  }
0x1e5: {  	s24 =	sand.u32 $0x3FF80, s30;
	s31 =	sand.u32 $0x70, s23;
	[sflag:s12] =	ssyncset.done $0x0  }
0x1e6: {  	s24 =	sor.u32 s31, s24;
	[sflag:s12] =	ssyncadd.s32 $0xFFFFD000  }
0x1e7: {  	v3 =	vld [tilespmem:s24+$0x2800];
	_ =	sdelay $0x1  }
0x1e8: {  	s30 =	sand.u32 $0x1C00, s23  }
0x1e9: {  	s24 =	sor.u32 s31, s30  }
0x1ea: {  	s29 =	sadd.s32 $0x16F00, s24  }
0x1eb: {  	s31 =	sor.u32 $0x80, s29;
	[tilespmem:s24+$0x16F00] =	vst.add.f32.msk $0xffff, v3  }
0x1ec: {  	[tilespmem:s31+$0x0] =	vst.add.f32.msk $0xffff, v3  }
0x1ed: {  	[tilespmem:s29+$0x300] =	vst.add.f32.msk $0xffff, v3  }
0x1ee: {  	s28 =	simm.s32 $0x10;
	s26 =	sor.u32 s23, s23;
	[tilespmem:s29+$0x280] =	vst.add.f32.msk $0xffff, v3  }
.LBB2_15:
0x1ef: {  	p0 =	sne.s32 s28, $0x2F0  }
0x1f0: {  	[tilespmem:s29+$0x200] =	vst.add.f32.msk $0xffff, v3;
	s23 =	sadd.s32 $0x80, s23;
	s30 =	smov.u32 s28;
	s28 =	sadd.s32 $0x10, s28  }
0x1f1: {  	s31 =	sor.u32 s23, s30;
	[tilespmem:s29+$0x100] =	vst.add.f32.msk $0xffff, v3  }
0x1f2: {  	[tilespmem:s29+$0x180] =	vst.add.f32.msk $0xffff, v3;
	s29 =	sor.u32 $0x380, s26;
	s26 =	smov.u32 s31  }
0x1f3: {  	[tilespmem:s29+$0x16F00] =	vst.add.f32.msk $0xffff, v3  }
0x1f4: {  	[tilespmem:s24+$0x18700] =	vst.add.f32.msk $0xffff, v3  }
0x1f5: {  	[tilespmem:s24+$0x18A80] =	vst.add.f32.msk $0xffff, v3  }
0x1f6: {  	[tilespmem:s24+$0x18A00] =	vst.add.f32.msk $0xffff, v3  }
0x1f7: {  	[tilespmem:s24+$0x18980] =	vst.add.f32.msk $0xffff, v3  }
0x1f8: {  	[tilespmem:s24+$0x18900] =	vst.add.f32.msk $0xffff, v3  }
0x1f9: {  	s29 =	sadd.s32 s30, s20;
	[tilespmem:s24+$0x18880] =	vst.add.f32.msk $0xffff, v3  }
0x1fa: {  	s30 =	sand.u32 $0x70, s30;
	s29 =	sand.u32 $0x3FF80, s29;
	[tilespmem:s24+$0x18800] =	vst.add.f32.msk $0xffff, v3  }
0x1fb: {  	s29 =	sor.u32 s30, s29;
	[tilespmem:s24+$0x18780] =	vst.add.f32.msk $0xffff, v3  }
0x1fc: {  	v3 =	vld [tilespmem:s29+$0x2800];
	_ =	sdelay $0x1  }
0x1fd: {  	s24 =	sand.u32 $0x1C00, s23  }
0x1fe: {  	s24 =	sor.u32 s30, s24  }
.Ltmp6:
0x1ff: {  	s29 =	sadd.s32 $0x16F00, s24;
	(pc) =	sbr.rel @p0 .LBB2_15-.Ltmp6, $4  }
0x200: {  	s30 =	sor.u32 $0x80, s29;
	[tilespmem:s24+$0x16F00] =	vst.add.f32.msk $0xffff, v3  }
0x201: {  	[tilespmem:s30+$0x0] =	vst.add.f32.msk $0xffff, v3  }
0x202: {  	[tilespmem:s29+$0x300] =	vst.add.f32.msk $0xffff, v3  }
0x203: {  	[tilespmem:s29+$0x280] =	vst.add.f32.msk $0xffff, v3  }
0x204: {  	[tilespmem:s29+$0x200] =	vst.add.f32.msk $0xffff, v3  }
0x205: {  	[tilespmem:s29+$0x100] =	vst.add.f32.msk $0xffff, v3  }
0x206: {  	[tilespmem:s29+$0x180] =	vst.add.f32.msk $0xffff, v3;
	s23 =	sor.u32 $0x380, s26  }
0x207: {  	[tilespmem:s23+$0x16F00] =	vst.add.f32.msk $0xffff, v3  }
0x208: {  	[tilespmem:s24+$0x18700] =	vst.add.f32.msk $0xffff, v3  }
0x209: {  	[tilespmem:s24+$0x18A80] =	vst.add.f32.msk $0xffff, v3  }
0x20a: {  	[tilespmem:s24+$0x18A00] =	vst.add.f32.msk $0xffff, v3  }
0x20b: {  	s21 =	smul.u32 $0xC0000, s21;
	[tilespmem:s24+$0x18980] =	vst.add.f32.msk $0xffff, v3  }
0x20c: {  	[tilespmem:s24+$0x18900] =	vst.add.f32.msk $0xffff, v3  }
0x20d: {  	[tilespmem:s24+$0x18880] =	vst.add.f32.msk $0xffff, v3;
	s30 =	sadd.s32 s5, s21  }
0x20e: {  	[tilespmem:s24+$0x18800] =	vst.add.f32.msk $0xffff, v3;
	s23 =	sshrl.u32 s30, $0x3  }
0x20f: {  	[tilespmem:s24+$0x18780] =	vst.add.f32.msk $0xffff, v3;
	s31 =	sadd.s32 s3, s23;
	s23 =	simm.s32 $0x0  }
0x210: {  	[hbm4b:s31+s23] =	stream.linear.scatter [tilespmem:s1], [sflag:$0x7], $0x3000, $0x38;
	[tilespmem:$0x1CF00] =	vst v63  }
0x211: {  	_ =	swait.ge [sflag:s13], $0x3000  }
0x212: {  	[sflag:s13] =	ssyncset.done $0x0  }
0x213: {  	[sflag:s13] =	ssyncadd.s32 $0xFFFFD000  }
0x214: {  	v3 =	vld [tilespmem:s22+$0x110];
	_ =	sdelay $0x4  }
0x215: {  	v4 =	vshrl.u32 v3, $0x3  }
0x216: {  	v4 =	vmul.u32 $0x30, v4  }
0x217: {  	v3 =	vand.u32 $0x7, v3  }
0x218: {  	v3 =	vor.u32 v3, v4  }
0x219: {  	v4 =	vperm.xlane v3, v0;
	_ =	sdelay $0x1  }
0x21a: {  	v4 =	vadd.s32 v1, v4;
	_ =	sdelay $0x3  }
0x21b: {  	v3 =	vperm.xlane v3, v2  }
0x21c: {  	[tilespmem:s25], [sflag:$0x2] =	stream.indirect_vreg.gather [hbm4b:s2+s23], $0x80, v4, vm0, $0xb8;
	[tilespmem:$0x1CF00] =	vst v63  }
0x21d: {  	s26 =	simm.s32 $0x14700;
	v3 =	vadd.s32 v1, v3  }
0x21e: {  	[tilespmem:s26], [sflag:$0x2] =	stream.indirect_vreg.gather [hbm4b:s9+s23], $0x80, v4, vm0, $0xb8;
	[tilespmem:$0x1CF00] =	vst v63  }
0x21f: {  	s29 =	simm.s32 $0x14F00  }
0x220: {  	[tilespmem:s29], [sflag:$0x2] =	stream.indirect_vreg.gather [hbm4b:s10+s23], $0x80, v4, vm0, $0xb8;
	[tilespmem:$0x1CF00] =	vst v63  }
0x221: {  	s30 =	simm.s32 $0x15700  }
0x222: {  	[tilespmem:s30], [sflag:$0x2] =	stream.indirect_vreg.gather [hbm4b:s2+s23], $0x80, v3, vm0, $0xb8;
	[tilespmem:$0x1CF00] =	vst v63  }
0x223: {  	s31 =	simm.s32 $0x15F00  }
0x224: {  	[tilespmem:s31], [sflag:$0x2] =	stream.indirect_vreg.gather [hbm4b:s9+s23], $0x80, v3, vm0, $0xb8;
	[tilespmem:$0x1CF00] =	vst v63  }
0x225: {  	s24 =	simm.s32 $0x16700  }
0x226: {  	[tilespmem:s24], [sflag:$0x2] =	stream.indirect_vreg.gather [hbm4b:s10+s23], $0x80, v3, vm0, $0xb8;
	[tilespmem:$0x1CF00] =	vst v63  }
0x227: {  	s26 =	sadd.s32 $0x0, s20;
	_ =	swait.ge [sflag:s16], $0x3000  }
0x228: {  	s22 =	sand.u32 $0x3FF80, s26;
	s29 =	sand.u32 $0x70, s23;
	[sflag:s16] =	ssyncset.done $0x0  }
0x229: {  	s22 =	sor.u32 s29, s22;
	[sflag:s16] =	ssyncadd.s32 $0xFFFFD000  }
0x22a: {  	v3 =	vld [tilespmem:s22+$0x2800];
	_ =	sdelay $0x1  }
0x22b: {  	s30 =	sand.u32 $0x1C00, s23  }
0x22c: {  	s22 =	sor.u32 s29, s30  }
0x22d: {  	s28 =	sadd.s32 $0x19F00, s22  }
0x22e: {  	s31 =	sor.u32 $0x80, s28;
	[tilespmem:s22+$0x19F00] =	vst.add.f32.msk $0xffff, v3  }
0x22f: {  	[tilespmem:s31+$0x0] =	vst.add.f32.msk $0xffff, v3  }
0x230: {  	[tilespmem:s28+$0x300] =	vst.add.f32.msk $0xffff, v3  }
0x231: {  	s26 =	simm.s32 $0x10;
	s24 =	sor.u32 s23, s23;
	[tilespmem:s28+$0x280] =	vst.add.f32.msk $0xffff, v3  }
.LBB2_17:
0x232: {  	p0 =	sne.s32 s26, $0x2F0  }
0x233: {  	[tilespmem:s28+$0x200] =	vst.add.f32.msk $0xffff, v3;
	s23 =	sadd.s32 $0x80, s23;
	s29 =	smov.u32 s26;
	s26 =	sadd.s32 $0x10, s26  }
0x234: {  	s30 =	sor.u32 s23, s29;
	[tilespmem:s28+$0x100] =	vst.add.f32.msk $0xffff, v3  }
0x235: {  	[tilespmem:s28+$0x180] =	vst.add.f32.msk $0xffff, v3;
	s28 =	sor.u32 $0x380, s24;
	s24 =	smov.u32 s30  }
0x236: {  	[tilespmem:s28+$0x19F00] =	vst.add.f32.msk $0xffff, v3  }
0x237: {  	[tilespmem:s22+$0x1B700] =	vst.add.f32.msk $0xffff, v3  }
0x238: {  	[tilespmem:s22+$0x1BA80] =	vst.add.f32.msk $0xffff, v3  }
0x239: {  	[tilespmem:s22+$0x1BA00] =	vst.add.f32.msk $0xffff, v3  }
0x23a: {  	[tilespmem:s22+$0x1B980] =	vst.add.f32.msk $0xffff, v3  }
0x23b: {  	[tilespmem:s22+$0x1B900] =	vst.add.f32.msk $0xffff, v3  }
0x23c: {  	s28 =	sadd.s32 s29, s20;
	[tilespmem:s22+$0x1B880] =	vst.add.f32.msk $0xffff, v3  }
0x23d: {  	s29 =	sand.u32 $0x70, s29;
	s28 =	sand.u32 $0x3FF80, s28;
	[tilespmem:s22+$0x1B800] =	vst.add.f32.msk $0xffff, v3  }
0x23e: {  	s28 =	sor.u32 s29, s28;
	[tilespmem:s22+$0x1B780] =	vst.add.f32.msk $0xffff, v3  }
0x23f: {  	v3 =	vld [tilespmem:s28+$0x2800];
	_ =	sdelay $0x1  }
0x240: {  	s22 =	sand.u32 $0x1C00, s23  }
0x241: {  	s22 =	sor.u32 s29, s22  }
.Ltmp7:
0x242: {  	s28 =	sadd.s32 $0x19F00, s22;
	(pc) =	sbr.rel @p0 .LBB2_17-.Ltmp7, $4  }
0x243: {  	s29 =	sor.u32 $0x80, s28;
	[tilespmem:s22+$0x19F00] =	vst.add.f32.msk $0xffff, v3  }
0x244: {  	[tilespmem:s29+$0x0] =	vst.add.f32.msk $0xffff, v3  }
0x245: {  	[tilespmem:s28+$0x300] =	vst.add.f32.msk $0xffff, v3  }
0x246: {  	[tilespmem:s28+$0x280] =	vst.add.f32.msk $0xffff, v3  }
0x247: {  	[tilespmem:s28+$0x200] =	vst.add.f32.msk $0xffff, v3  }
0x248: {  	[tilespmem:s28+$0x100] =	vst.add.f32.msk $0xffff, v3  }
0x249: {  	[tilespmem:s28+$0x180] =	vst.add.f32.msk $0xffff, v3;
	s23 =	sor.u32 $0x380, s24  }
0x24a: {  	[tilespmem:s23+$0x19F00] =	vst.add.f32.msk $0xffff, v3  }
0x24b: {  	[tilespmem:s22+$0x1B700] =	vst.add.f32.msk $0xffff, v3  }
0x24c: {  	[tilespmem:s22+$0x1BA80] =	vst.add.f32.msk $0xffff, v3  }
0x24d: {  	s18 =	sadd.s32 $0x1, s18;
	[tilespmem:s22+$0x1BA00] =	vst.add.f32.msk $0xffff, v3  }
0x24e: {  	p0 =	sne.s32 s18, $0x26;
	[tilespmem:s22+$0x1B980] =	vst.add.f32.msk $0xffff, v3  }
.Ltmp8:
0x24f: {  	[tilespmem:s22+$0x1B900] =	vst.add.f32.msk $0xffff, v3;
	(pc) =	sbr.rel @p0 .LBB2_10-.Ltmp8, $4  }
0x250: {  	s21 =	sadd.s32 s8, s21;
	[tilespmem:s22+$0x1B880] =	vst.add.f32.msk $0xffff, v3  }
0x251: {  	s21 =	sshrl.u32 s21, $0x3;
	[tilespmem:s22+$0x1B800] =	vst.add.f32.msk $0xffff, v3  }
0x252: {  	s0 =	sadd.s32 $0x600, s0;
	s20 =	sadd.s32 $0x600, s20;
	[tilespmem:s22+$0x1B780] =	vst.add.f32.msk $0xffff, v3;
	s21 =	sadd.s32 s3, s21  }
0x253: {  	[hbm4b:s21+s4] =	stream.linear.scatter [tilespmem:s15], [sflag:$0x8], $0x3000, $0x38;
	[tilespmem:$0x1CF00] =	vst v63  }
0x254: {  	_ =	swait.ge [sflag:s14], $0x3000  }
0x255: {  	s0 =	simm.s32 $0x0;
	[sflag:s14] =	ssyncset.done $0x0  }
0x256: {  	s18 =	sand.u32 $0x3F0, s0;
	[sflag:s14] =	ssyncadd.s32 $0xFFFFD000  }
0x257: {  	v3 =	vld [tilespmem:s18+$0x10C00];
	_ =	sdelay $0x1  }
0x258: {  	s30 =	sand.u32 $0x70, s0;
	s20 =	sand.u32 $0x1C00, s0  }
0x259: {  	s18 =	sor.u32 s30, s20  }
0x25a: {  	s22 =	sadd.s32 $0x10F00, s18  }
0x25b: {  	s31 =	sor.u32 $0x80, s22;
	[tilespmem:s18+$0x10F00] =	vst.add.f32.msk $0xffff, v3  }
0x25c: {  	[tilespmem:s31+$0x0] =	vst.add.f32.msk $0xffff, v3  }
0x25d: {  	[tilespmem:s22+$0x300] =	vst.add.f32.msk $0xffff, v3  }
0x25e: {  	s21 =	simm.s32 $0x10;
	s20 =	sor.u32 s0, s0;
	[tilespmem:s22+$0x280] =	vst.add.f32.msk $0xffff, v3  }
.LBB2_20:
0x25f: {  	p0 =	sne.s32 s21, $0x2F0  }
0x260: {  	[tilespmem:s22+$0x200] =	vst.add.f32.msk $0xffff, v3;
	s0 =	sadd.s32 $0x80, s0;
	s23 =	smov.u32 s21;
	s21 =	sadd.s32 $0x10, s21  }
0x261: {  	s24 =	sor.u32 s0, s23;
	[tilespmem:s22+$0x100] =	vst.add.f32.msk $0xffff, v3  }
0x262: {  	[tilespmem:s22+$0x180] =	vst.add.f32.msk $0xffff, v3;
	s22 =	sor.u32 $0x380, s20;
	s20 =	smov.u32 s24  }
0x263: {  	[tilespmem:s22+$0x10F00] =	vst.add.f32.msk $0xffff, v3  }
0x264: {  	[tilespmem:s18+$0x12700] =	vst.add.f32.msk $0xffff, v3  }
0x265: {  	[tilespmem:s18+$0x12A80] =	vst.add.f32.msk $0xffff, v3  }
0x266: {  	[tilespmem:s18+$0x12A00] =	vst.add.f32.msk $0xffff, v3  }
0x267: {  	[tilespmem:s18+$0x12980] =	vst.add.f32.msk $0xffff, v3  }
0x268: {  	[tilespmem:s18+$0x12900] =	vst.add.f32.msk $0xffff, v3  }
0x269: {  	[tilespmem:s18+$0x12880] =	vst.add.f32.msk $0xffff, v3  }
0x26a: {  	[tilespmem:s18+$0x12800] =	vst.add.f32.msk $0xffff, v3  }
0x26b: {  	s22 =	sand.u32 $0x3F0, s23;
	[tilespmem:s18+$0x12780] =	vst.add.f32.msk $0xffff, v3  }
0x26c: {  	v3 =	vld [tilespmem:s22+$0x10C00];
	_ =	sdelay $0x1  }
0x26d: {  	s18 =	sand.u32 $0x70, s23;
	s22 =	sand.u32 $0x1C00, s0  }
0x26e: {  	s18 =	sor.u32 s18, s22  }
.Ltmp9:
0x26f: {  	s22 =	sadd.s32 $0x10F00, s18;
	(pc) =	sbr.rel @p0 .LBB2_20-.Ltmp9, $4  }
0x270: {  	s23 =	sor.u32 $0x80, s22;
	[tilespmem:s18+$0x10F00] =	vst.add.f32.msk $0xffff, v3  }
0x271: {  	[tilespmem:s23+$0x0] =	vst.add.f32.msk $0xffff, v3  }
0x272: {  	[tilespmem:s22+$0x300] =	vst.add.f32.msk $0xffff, v3  }
0x273: {  	[tilespmem:s22+$0x280] =	vst.add.f32.msk $0xffff, v3  }
0x274: {  	[tilespmem:s22+$0x200] =	vst.add.f32.msk $0xffff, v3  }
0x275: {  	[tilespmem:s22+$0x100] =	vst.add.f32.msk $0xffff, v3  }
0x276: {  	[tilespmem:s22+$0x180] =	vst.add.f32.msk $0xffff, v3;
	s0 =	sor.u32 $0x380, s20  }
0x277: {  	[tilespmem:s0+$0x10F00] =	vst.add.f32.msk $0xffff, v3  }
0x278: {  	[tilespmem:s18+$0x12700] =	vst.add.f32.msk $0xffff, v3  }
0x279: {  	[tilespmem:s18+$0x12A80] =	vst.add.f32.msk $0xffff, v3  }
0x27a: {  	[tilespmem:s18+$0x12A00] =	vst.add.f32.msk $0xffff, v3  }
0x27b: {  	[tilespmem:s18+$0x12980] =	vst.add.f32.msk $0xffff, v3  }
0x27c: {  	[tilespmem:s18+$0x12900] =	vst.add.f32.msk $0xffff, v3  }
0x27d: {  	[tilespmem:s18+$0x12880] =	vst.add.f32.msk $0xffff, v3  }
0x27e: {  	[tilespmem:s18+$0x12800] =	vst.add.f32.msk $0xffff, v3  }
0x27f: {  	s26 =	rddreg [dreg:$0xa];
	s0 =	simm.s32 $0x0;
	[tilespmem:s18+$0x12780] =	vst.add.f32.msk $0xffff, v3  }
0x280: {  	[hbm4b:s26+s0] =	stream.linear.scatter [tilespmem:s19], [sflag:$0x5], $0x3000, $0x38;
	[tilespmem:$0x1CF00] =	vst v63  }
0x281: {  	_ =	swait.ge [sflag:s6], $0x3000  }
0x282: {  	[sflag:s6] =	ssyncset.done $0x0  }
0x283: {  	s28 =	sand.u32 $0x3F0, s0;
	[sflag:s6] =	ssyncadd.s32 $0xFFFFD000  }
0x284: {  	v3 =	vld [tilespmem:s28+$0x10C00];
	_ =	sdelay $0x1  }
0x285: {  	s29 =	sand.u32 $0x70, s0;
	s30 =	sand.u32 $0x1C00, s0  }
0x286: {  	s18 =	sor.u32 s29, s30  }
0x287: {  	s22 =	sadd.s32 $0x13F00, s18  }
0x288: {  	s31 =	sor.u32 $0x80, s22;
	[tilespmem:s18+$0x13F00] =	vst.add.f32.msk $0xffff, v3  }
0x289: {  	[tilespmem:s31+$0x0] =	vst.add.f32.msk $0xffff, v3  }
0x28a: {  	[tilespmem:s22+$0x300] =	vst.add.f32.msk $0xffff, v3  }
0x28b: {  	s21 =	simm.s32 $0x10;
	s20 =	sor.u32 s0, s0;
	[tilespmem:s22+$0x280] =	vst.add.f32.msk $0xffff, v3  }
.LBB2_22:
0x28c: {  	p0 =	sne.s32 s21, $0x2F0  }
0x28d: {  	[tilespmem:s22+$0x200] =	vst.add.f32.msk $0xffff, v3;
	s0 =	sadd.s32 $0x80, s0;
	s23 =	smov.u32 s21;
	s21 =	sadd.s32 $0x10, s21  }
0x28e: {  	s24 =	sor.u32 s0, s23;
	[tilespmem:s22+$0x100] =	vst.add.f32.msk $0xffff, v3  }
0x28f: {  	[tilespmem:s22+$0x180] =	vst.add.f32.msk $0xffff, v3;
	s22 =	sor.u32 $0x380, s20;
	s20 =	smov.u32 s24  }
0x290: {  	[tilespmem:s22+$0x13F00] =	vst.add.f32.msk $0xffff, v3  }
0x291: {  	[tilespmem:s18+$0x15700] =	vst.add.f32.msk $0xffff, v3  }
0x292: {  	[tilespmem:s18+$0x15A80] =	vst.add.f32.msk $0xffff, v3  }
0x293: {  	[tilespmem:s18+$0x15A00] =	vst.add.f32.msk $0xffff, v3  }
0x294: {  	[tilespmem:s18+$0x15980] =	vst.add.f32.msk $0xffff, v3  }
0x295: {  	[tilespmem:s18+$0x15900] =	vst.add.f32.msk $0xffff, v3  }
0x296: {  	[tilespmem:s18+$0x15880] =	vst.add.f32.msk $0xffff, v3  }
0x297: {  	[tilespmem:s18+$0x15800] =	vst.add.f32.msk $0xffff, v3  }
0x298: {  	s22 =	sand.u32 $0x3F0, s23;
	[tilespmem:s18+$0x15780] =	vst.add.f32.msk $0xffff, v3  }
0x299: {  	v3 =	vld [tilespmem:s22+$0x10C00];
	_ =	sdelay $0x1  }
0x29a: {  	s18 =	sand.u32 $0x70, s23;
	s22 =	sand.u32 $0x1C00, s0  }
0x29b: {  	s18 =	sor.u32 s18, s22  }
.Ltmp10:
0x29c: {  	s22 =	sadd.s32 $0x13F00, s18;
	(pc) =	sbr.rel @p0 .LBB2_22-.Ltmp10, $4  }
0x29d: {  	s23 =	sor.u32 $0x80, s22;
	[tilespmem:s18+$0x13F00] =	vst.add.f32.msk $0xffff, v3  }
0x29e: {  	[tilespmem:s23+$0x0] =	vst.add.f32.msk $0xffff, v3  }
0x29f: {  	[tilespmem:s22+$0x300] =	vst.add.f32.msk $0xffff, v3  }
0x2a0: {  	[tilespmem:s22+$0x280] =	vst.add.f32.msk $0xffff, v3  }
0x2a1: {  	[tilespmem:s22+$0x200] =	vst.add.f32.msk $0xffff, v3  }
0x2a2: {  	[tilespmem:s22+$0x100] =	vst.add.f32.msk $0xffff, v3  }
0x2a3: {  	[tilespmem:s22+$0x180] =	vst.add.f32.msk $0xffff, v3;
	s0 =	sor.u32 $0x380, s20  }
0x2a4: {  	[tilespmem:s0+$0x13F00] =	vst.add.f32.msk $0xffff, v3  }
0x2a5: {  	[tilespmem:s18+$0x15700] =	vst.add.f32.msk $0xffff, v3  }
0x2a6: {  	[tilespmem:s18+$0x15A80] =	vst.add.f32.msk $0xffff, v3  }
0x2a7: {  	[tilespmem:s18+$0x15A00] =	vst.add.f32.msk $0xffff, v3  }
0x2a8: {  	[tilespmem:s18+$0x15980] =	vst.add.f32.msk $0xffff, v3  }
0x2a9: {  	[tilespmem:s18+$0x15900] =	vst.add.f32.msk $0xffff, v3  }
0x2aa: {  	[tilespmem:s18+$0x15880] =	vst.add.f32.msk $0xffff, v3  }
0x2ab: {  	[tilespmem:s18+$0x15800] =	vst.add.f32.msk $0xffff, v3  }
0x2ac: {  	s29 =	rddreg [dreg:$0xb];
	[tilespmem:s18+$0x15780] =	vst.add.f32.msk $0xffff, v3  }
0x2ad: {  	[hbm4b:s29+s4] =	stream.linear.scatter [tilespmem:s25], [sflag:$0x6], $0x3000, $0x38;
	[tilespmem:$0x1CF00] =	vst v63  }
0x2ae: {  	_ =	swait.ge [sflag:s7], $0x3000  }
0x2af: {  	[sflag:s7] =	ssyncset.done $0x0  }
0x2b0: {  	[sflag:s7] =	ssyncadd.s32 $0xFFFFD000  }
0x2b1: {  	_ =	swait.ge [sflag:s13], $0x3000  }
0x2b2: {  	[sflag:s13] =	ssyncset.done $0x0  }
0x2b3: {  	[sflag:s13] =	ssyncadd.s32 $0xFFFFD000  }
0x2b4: {  	_ =	swait.ge [sflag:s17], $0x3000  }
0x2b5: {  	[sflag:s17] =	ssyncset.done $0x0  }
0x2b6: {  	[sflag:s17] =	ssyncadd.s32 $0xFFFFD000  }
0x2b7: {  	_ =	swait.ge [sflag:s11], $0x3000  }
0x2b8: {  	s30 =	rddreg [dreg:$0xd]  }
0x2b9: {  	s31 =	rddreg [dreg:$0xc];
	s18 =	sadd.s32 $0x1, s30  }
0x2ba: {  	p0 =	sne.s32 s18, s31  }
.Ltmp11:
0x2bb: {  	_ = 	snop;
	(pc) =	sbr.rel @p0 .LBB2_1-.Ltmp11, $3  }
0x2bc: {  	_ =	sdelay $0x1  }
0x2bd: {  	[sflag:s11] =	ssyncset.done $0x0  }
0x2be: {  	[sflag:s11] =	ssyncadd.s32 $0xFFFFD000  }
0x2bf: {  	_ =	sfence.sel $0x180000  }
0x2c0: {  	[bflag:$0x0] =	sbarrier.arrive $0xFFFF  }
0x2c1: {  	_ =	strace $0x90000047  }
0x2c2: {  	s0 =	stileid.u32;
	[bflag:$0x2] =	sbarrier.arrive $0xFFFF  }
0x2c3: {  	p0 =	sne.s32 s0, $0x0;
	s0 =	rddreg [dreg:$0x3]  }
0x2c4: {  	s0 =	sadd.s32 @!p0 $0x100000, s0  }
0x2c5: {  	[sflag:s0] =	ssyncadd.tile.s32 @!p0 $0x1;
	_ =	shalt  }
.Lfunc_end2:
_tile_overlayer_lowered:
.L_overlay_start_2:
0x2c6: {  	(tag) =	ssettag $0x2  }
0x2c7: {  	s0 =	rddreg [dreg:$0x0];
	s2 =	stileid.u32  }
0x2c8: {  	s1 =	rddreg [dreg:$0x1];
	p0 =	sne.s32 s2, $0x0  }
0x2c9: {  	s3 =	rddreg [dreg:$0x2];
	[bflag:$0x3] =	sbarrier.arrive $0xFFFF;
	s2 =	simm.s32 @!p0 $0x1C09  }
0x2ca: {  	[timem:s3], [sflag:s2] =	dma.local @!p0 [hbm:s0], s1  }
0x2cb: {  	s0 =	simm.s32 @!p0 $0x9  }
0x2cc: {  	_ =	swait.ge @!p0 [sflag:s0], s1  }
0x2cd: {  	s1 =	ssub.s32 @!p0 $0x0, s1;
	[sflag:s0] =	ssyncset.done @!p0 $0x0  }
0x2ce: {  	[sflag:s0] =	ssyncadd.s32 @!p0 s1  }
0x2cf: {  	[bflag:$0x3] =	sbarrier.arrive $0xFFFF  }
0x2d0: {  	_ =	shalt  }

</sc_bundles>
